<compile_context>
chip_gen: v7x
topology: tpu7x:2x2x1
jax: 0.10.2.dev20260603
libtpu: 0.0.44.dev20260713+nightly
codegen_flags: <defaults>
</compile_context>

<pallas_src>
import functools

import jax
import jax.numpy as jnp
from jax import lax
from jax.experimental import pallas as pl
from jax.experimental.pallas import tpu as pltpu
from jax.experimental.pallas import tpu_sc as plsc

_N = 10000
_NP = 10240
_NC = 2
_NS = 16
_K = 128
_G = 4
_ROWS_PER_SUB = _NP // _NS

_BN_EPS = 1e-5
_SELU_SCALE = 1.0507009873554805
_SELU_ALPHA = 1.6732632423543772


def _make_prop(fh, e_pad, n_steps, gsz):
    e_per_worker = e_pad // _NS
    rows_per_worker = e_per_worker // _K
    n_groups = rows_per_worker // gsz
    assert rows_per_worker % gsz == 0 and n_groups % 2 == 0
    bank_rows = gsz * _K

    mesh = plsc.VectorSubcoreMesh(core_axis_name="c", subcore_axis_name="s",
                                  num_cores=_NC, num_subcores=_NS)

    @functools.partial(
        pl.kernel,
        out_type=jax.ShapeDtypeStruct((_NP, _NC * fh), jnp.float32),
        mesh=mesh,
        scratch_types=[
            pltpu.VMEM_SHARED((_NP, fh), jnp.float32),
            pltpu.VMEM_SHARED((_NP, fh), jnp.float32),
            pltpu.VMEM((rows_per_worker, _K), jnp.int32),
            pltpu.VMEM((rows_per_worker, _K), jnp.int32),
            pltpu.VMEM((bank_rows, fh), jnp.float32),
            pltpu.VMEM((bank_rows, fh), jnp.float32),
            pltpu.SemaphoreType.DMA,
            pltpu.SemaphoreType.DMA,
            pltpu.SemaphoreType.DMA,
            pltpu.SemaphoreType.DMA,
            pltpu.SemaphoreType.DMA,
        ],
        compiler_params=pltpu.CompilerParams(use_tc_tiling_on_sc=False),
    )
    def prop(h_hbm, src_hbm, dst_hbm, out_hbm, acc, h_st, src_v, dst_v,
             rows0, rows1, sem0, semg0, semg1, sems0, sems1):
        c = lax.axis_index("c")
        s = lax.axis_index("s")
        row0 = s * _ROWS_PER_SUB
        base_row = s * rows_per_worker
        nsl = pl.ds(row0, _ROWS_PER_SUB)

        csl = pl.ds(c * fh, fh)
        pltpu.async_copy(h_hbm.at[nsl, csl], h_st.at[nsl], sem0)
        pltpu.async_copy(h_hbm.at[nsl, csl], acc.at[nsl], sem0)
        pltpu.async_copy(src_hbm.at[pl.ds(base_row, rows_per_worker)], src_v,
                         sem0)
        pltpu.async_copy(dst_hbm.at[pl.ds(base_row, rows_per_worker)], dst_v,
                         sem0)
        pltpu.make_async_copy(h_hbm.at[nsl, csl], h_st.at[nsl], sem0).wait()
        pltpu.make_async_copy(h_hbm.at[nsl, csl], acc.at[nsl], sem0).wait()
        pltpu.make_async_copy(
            src_hbm.at[pl.ds(base_row, rows_per_worker)], src_v, sem0).wait()
        pltpu.make_async_copy(
            dst_hbm.at[pl.ds(base_row, rows_per_worker)], dst_v, sem0).wait()
        plsc.subcore_barrier()

        banks = ((rows0, semg0, sems0), (rows1, semg1, sems1))

        def gather_desc(g, rows_b, semg, j):
            return pltpu.make_async_copy(h_st.at[src_v.at[g * gsz + j]],
                                         rows_b.at[pl.ds(j * _K, _K)], semg)

        def scatter_desc(g, rows_b, sems, j):
            return pltpu.make_async_copy(rows_b.at[pl.ds(j * _K, _K)],
                                         acc.at[dst_v.at[g * gsz + j]], sems)

        def edge_pass():
            rows_p, semg_p, _ = banks[0]
            for j in range(gsz):
                gather_desc(0, rows_p, semg_p, j).start()

            @pl.loop(0, n_groups, step=2)
            def _(g0):
                for bi in range(2):
                    rows_c, semg_c, sems_c = banks[bi]
                    rows_n, semg_n, sems_n = banks[1 - bi]
                    g = g0 + bi

                    @pl.when(g >= 1)
                    def _():
                        for j in range(gsz):
                            scatter_desc(g - 1, rows_n, sems_n, j).wait()

                    @pl.when(g + 1 < n_groups)
                    def _():
                        for j in range(gsz):
                            gather_desc(g + 1, rows_n, semg_n, j).start()

                    for j in range(gsz):
                        gather_desc(g, rows_c, semg_c, j).wait()
                    for j in range(gsz):
                        scatter_desc(g, rows_c, sems_c, j).start(add=True)

            g_last = n_groups - 1
            rows_b, _, sems = banks[g_last % 2]
            for j in range(gsz):
                scatter_desc(g_last, rows_b, sems, j).wait()

        edge_pass()
        for _step in range(n_steps - 1):
            plsc.subcore_barrier()
            pieces = []
            off = 0
            while off < _ROWS_PER_SUB:
                sz = min(bank_rows, _ROWS_PER_SUB - off)
                pieces.append((off, sz, banks[len(pieces) % 2]))
                off += sz
            for off, sz, (rows_b, semg, _) in pieces:
                pltpu.async_copy(acc.at[pl.ds(row0 + off, sz)],
                                 rows_b.at[pl.ds(0, sz)], semg)
            for off, sz, (rows_b, semg, _) in pieces:
                pltpu.make_async_copy(acc.at[pl.ds(row0 + off, sz)],
                                      rows_b.at[pl.ds(0, sz)], semg).wait()
                pltpu.sync_copy(rows_b.at[pl.ds(0, sz)],
                                h_st.at[pl.ds(row0 + off, sz)])
            plsc.subcore_barrier()
            edge_pass()

        plsc.subcore_barrier()
        pltpu.sync_copy(acc.at[nsl], out_hbm.at[nsl, csl])

    return prop


def _mm1(x, w1, ei, e_pad):
    n = x.shape[0]
    fh = w1.shape[1] // 2
    e_rows = ei.shape[1] // _K
    pad_rows = e_pad // _K - e_rows

    def body(x_ref, w_ref, e_ref, o_ref, src_ref, dst_ref):
        y = jnp.dot(x_ref[...], w_ref[...], preferred_element_type=jnp.float32)
        zrows = jnp.zeros((_NP - n, 2 * fh), jnp.float32)
        o_ref[...] = jnp.concatenate([y, zrows], axis=0)
        src_ref[...] = jnp.concatenate(
            [jnp.reshape(e_ref[0], (e_rows, _K)),
             jnp.zeros((pad_rows, _K), jnp.int32)], axis=0)
        flat = (lax.broadcasted_iota(jnp.int32, (pad_rows, _K), 0) * _K
                + lax.broadcasted_iota(jnp.int32, (pad_rows, _K), 1))
        dump = _N + lax.rem(flat, jnp.int32(_NP - _N))
        dst_ref[...] = jnp.concatenate(
            [jnp.reshape(e_ref[1], (e_rows, _K)), dump], axis=0)

    return pl.pallas_call(
        body,
        out_shape=(
            jax.ShapeDtypeStruct((_NP, 2 * fh), jnp.float32),
            jax.ShapeDtypeStruct((e_pad // _K, _K), jnp.int32),
            jax.ShapeDtypeStruct((e_pad // _K, _K), jnp.int32),
        ),
    )(x, w1, ei)


def _mid(p, gamma, beta, w2):
    npad = p.shape[0]

    def body(p_ref, g_ref, b_ref, w_ref, o_ref):
        z = p_ref[...]
        rows = lax.broadcasted_iota(jnp.int32, (npad, 1), 0)
        mask = (rows < _N).astype(jnp.float32)
        zm = z * mask
        mean = jnp.sum(zm, axis=0, keepdims=True) * (1.0 / _N)
        d = (z - mean) * mask
        var = jnp.sum(d * d, axis=0, keepdims=True) * (1.0 / _N)
        hn = (z - mean) * jax.lax.rsqrt(var + _BN_EPS) * g_ref[...] + b_ref[...]
        hs = _SELU_SCALE * jnp.where(hn > 0, hn,
                                     _SELU_ALPHA * (jnp.exp(hn) - 1.0))
        o_ref[...] = jnp.dot(hs, w_ref[...], preferred_element_type=jnp.float32)

    return pl.pallas_call(
        body,
        out_shape=jax.ShapeDtypeStruct((npad, w2.shape[1]), jnp.float32),
    )(p, gamma, beta, w2)


def _final(p, b2, n):
    def body(p_ref, b_ref, o_ref):
        z = p_ref[:n] + b_ref[...]
        m = jnp.max(z, axis=1, keepdims=True)
        lse = jnp.log(jnp.sum(jnp.exp(z - m), axis=1, keepdims=True)) + m
        o_ref[...] = z - lse

    return pl.pallas_call(
        body,
        out_shape=jax.ShapeDtypeStruct((n, p.shape[1]), jnp.float32),
    )(p, b2)


@jax.jit
def kernel(x, edge_index, W1, b1, gamma, beta, W2, b2):
    del b1
    n, _ = x.shape
    e = edge_index.shape[1]
    quantum = _NS * _K * _G
    e_pad = ((e + quantum - 1) // quantum) * quantum

    ei = edge_index.astype(jnp.int32)

    prop_h = _make_prop(W1.shape[1] // 2, e_pad, 2, _G)
    prop_c = _make_prop(W2.shape[1] // 2, e_pad, 1, _G)

    y1, src_p, dst_p = _mm1(x, W1, ei, e_pad)
    p2 = prop_h(y1, src_p, dst_p)
    y2 = _mid(p2, gamma.reshape(1, -1), beta.reshape(1, -1), W2)
    p3 = prop_c(y2, src_p, dst_p)
    return _final(p3, b2.reshape(1, -1), n)

# --- scband reference (transcript-rebuilt; emitter-appended) ---
"""Pipeline reference for scband-node-classifier-16252156248630 (READ-ONLY COPY).

The authoritative reference and input builder live on the scoring server;
editing this copy changes nothing except your own understanding.
"""

import jax, jax.numpy as jnp
import numpy as np

N = 10000
E = 320000
D = 128
H = 64
C = 32
X_STEPS = 2


def setup_inputs(seed: int = 0) -> dict:
    key = jax.random.key(seed)
    k1, k2, k3, k4, k5 = jax.random.split(key, 5)
    x = jax.random.normal(k1, (N, D), dtype=jnp.float32)
    # edge_index with no self loops so that add_remaining_self_loops == append all self loops
    src = jax.random.randint(k2, (E,), 0, N)
    off = jax.random.randint(k3, (E,), 1, N)
    dst = (src + off) % N
    edge_index = jnp.stack([src, dst], axis=0)
    # learned parameters
    W1 = jax.random.normal(k4, (D, H), dtype=jnp.float32) * 0.05
    b1 = jnp.zeros((H,), dtype=jnp.float32)
    gamma = jnp.ones((H,), dtype=jnp.float32)
    beta = jnp.zeros((H,), dtype=jnp.float32)
    W2 = jax.random.normal(k5, (H, C), dtype=jnp.float32) * 0.05
    b2 = jnp.zeros((C,), dtype=jnp.float32)
    return {"x": x, "edge_index": edge_index, "W1": W1, "b1": b1,
            "gamma": gamma, "beta": beta, "W2": W2, "b2": b2}


def reference(x, edge_index, W1, b1, gamma, beta, W2, b2):
    src = edge_index[0]
    dst = edge_index[1]
    n = x.shape[0]

    def prop(h):
        # add-aggregation over edges (src -> dst) plus self loop contribution
        agg = jax.ops.segment_sum(h[src], dst, num_segments=n)
        return agg + h

    # conv1: KProp(steps=X_STEPS, add_self_loops=True) then Linear
    h = x
    for _ in range(X_STEPS):
        h = prop(h)
    h = h @ W1 + b1
    # BatchNorm (training-mode batch statistics, biased variance, eps=1e-5)
    mean = jnp.mean(h, axis=0)
    var = jnp.var(h, axis=0)
    h = (h - mean) / jnp.sqrt(var + 1e-5) * gamma + beta
    # selu activation, dropout p=0.0 is identity
    h = jax.nn.selu(h)
    # conv2: KProp(steps=1, add_self_loops=True) then Linear
    h = prop(h)
    h = h @ W2 + b2
    return jax.nn.log_softmax(h, axis=1)

if __name__ == "__main__":
    import jax
    _d = setup_inputs()
    print(jax.jit(kernel)(*tuple(_d.values())))

</pallas_src>

<mosaic_0001>
#map = affine_map<(d0, d1) -> (0, 0)>
module attributes {stable_mosaic.version = 14 : i64} {
  func.func @prop(%arg0: i32, %arg1: i32, %arg2: memref<10240x32xf32, #tpu.memory_space<hbm>>, %arg3: memref<2560x128xi32, #tpu.memory_space<hbm>>, %arg4: memref<2560x128xi32, #tpu.memory_space<hbm>>, %arg5: memref<10240x32xf32, #tpu.memory_space<hbm>>, %arg6: memref<10240x16xf32, #tpu.memory_space<vmem_shared>>, %arg7: memref<10240x16xf32, #tpu.memory_space<vmem_shared>>, %arg8: memref<160x128xi32, #tpu.memory_space<vmem>>, %arg9: memref<160x128xi32, #tpu.memory_space<vmem>>, %arg10: memref<512x16xf32, #tpu.memory_space<vmem>>, %arg11: memref<512x16xf32, #tpu.memory_space<vmem>>, %arg12: memref<!tpu.dma_semaphore, #tpu.memory_space<semaphore_mem>>, %arg13: memref<!tpu.dma_semaphore, #tpu.memory_space<semaphore_mem>>, %arg14: memref<!tpu.dma_semaphore, #tpu.memory_space<semaphore_mem>>, %arg15: memref<!tpu.dma_semaphore, #tpu.memory_space<semaphore_mem>>, %arg16: memref<!tpu.dma_semaphore, #tpu.memory_space<semaphore_mem>>) attributes {dimension_semantics = [#tpu.dimension_semantics<core_parallel>, #tpu.dimension_semantics<subcore_parallel>], iteration_bounds = array<i64: 2, 16>, scalar_prefetch = 0 : i64, scratch_operands = 11 : i64, tpu.core_type = #tpu.core_type<sc_vector_subcore>, window_params = [{transform_indices = #map}, {transform_indices = #map}, {transform_indices = #map}, {transform_indices = #map}]} {
    %mul3A = arith.constant 640 : i32
    %mul3A_0 = arith.muli %arg1, %mul3A : i32
    %mul3A_1 = arith.constant 160 : i32
    %mul3A_2 = arith.muli %arg1, %mul3A_1 : i32
    %mul3A_3 = arith.constant 16 : i32
    %mul3A_4 = arith.muli %arg0, %mul3A_3 : i32
    %dma_start3A = arith.constant 0 : i32
    %dma_start3A_5 = tpu.memref_slice %arg7[%mul3A_0, %dma_start3A] : memref<10240x16xf32, #tpu.memory_space<vmem_shared>> -> memref<640x16xf32, #tpu.memory_space<vmem_shared>>
    %dma_start3A_6 = tpu.memref_slice %arg2[%mul3A_0, %mul3A_4] : memref<10240x32xf32, #tpu.memory_space<hbm>> -> memref<640x16xf32, #tpu.memory_space<hbm>>
    tpu.enqueue_dma source(%dma_start3A_6 : memref<640x16xf32, #tpu.memory_space<hbm>>) target(%dma_start3A_5 : memref<640x16xf32, #tpu.memory_space<vmem_shared>>) target_semaphore(%arg12 : memref<!tpu.dma_semaphore, #tpu.memory_space<semaphore_mem>>)
    %dma_start3A_7 = arith.constant 0 : i32
    %dma_start3A_8 = tpu.memref_slice %arg6[%mul3A_0, %dma_start3A_7] : memref<10240x16xf32, #tpu.memory_space<vmem_shared>> -> memref<640x16xf32, #tpu.memory_space<vmem_shared>>
    %dma_start3A_9 = tpu.memref_slice %arg2[%mul3A_0, %mul3A_4] : memref<10240x32xf32, #tpu.memory_space<hbm>> -> memref<640x16xf32, #tpu.memory_space<hbm>>
    tpu.enqueue_dma source(%dma_start3A_9 : memref<640x16xf32, #tpu.memory_space<hbm>>) target(%dma_start3A_8 : memref<640x16xf32, #tpu.memory_space<vmem_shared>>) target_semaphore(%arg12 : memref<!tpu.dma_semaphore, #tpu.memory_space<semaphore_mem>>)
    %dma_start3A_10 = arith.constant 0 : i32
    %dma_start3A_11 = tpu.memref_slice %arg3[%mul3A_2, %dma_start3A_10] : memref<2560x128xi32, #tpu.memory_space<hbm>> -> memref<160x128xi32, #tpu.memory_space<hbm>>
    %dma_start3A_12 = arith.constant 0 : i32
    %dma_start3A_13 = tpu.memref_slice %arg3[%mul3A_2, %dma_start3A_12] : memref<2560x128xi32, #tpu.memory_space<hbm>> -> memref<160x128xi32, #tpu.memory_space<hbm>>
    tpu.enqueue_dma source(%dma_start3A_13 : memref<160x128xi32, #tpu.memory_space<hbm>>) target(%arg8 : memref<160x128xi32, #tpu.memory_space<vmem>>) target_semaphore(%arg12 : memref<!tpu.dma_semaphore, #tpu.memory_space<semaphore_mem>>)
    %dma_start3A_14 = arith.constant 0 : i32
    %dma_start3A_15 = tpu.memref_slice %arg4[%mul3A_2, %dma_start3A_14] : memref<2560x128xi32, #tpu.memory_space<hbm>> -> memref<160x128xi32, #tpu.memory_space<hbm>>
    %dma_start3A_16 = arith.constant 0 : i32
    %dma_start3A_17 = tpu.memref_slice %arg4[%mul3A_2, %dma_start3A_16] : memref<2560x128xi32, #tpu.memory_space<hbm>> -> memref<160x128xi32, #tpu.memory_space<hbm>>
    tpu.enqueue_dma source(%dma_start3A_17 : memref<160x128xi32, #tpu.memory_space<hbm>>) target(%arg9 : memref<160x128xi32, #tpu.memory_space<vmem>>) target_semaphore(%arg12 : memref<!tpu.dma_semaphore, #tpu.memory_space<semaphore_mem>>)
    %dma_wait3A = arith.constant 0 : i32
    %dma_wait3A_18 = tpu.memref_slice %arg7[%mul3A_0, %dma_wait3A] : memref<10240x16xf32, #tpu.memory_space<vmem_shared>> -> memref<640x16xf32, #tpu.memory_space<vmem_shared>>
    %dma_wait3A_19 = tpu.memref_slice %arg2[%mul3A_0, %mul3A_4] : memref<10240x32xf32, #tpu.memory_space<hbm>> -> memref<640x16xf32, #tpu.memory_space<hbm>>
    tpu.wait_dma2 semaphore(%arg12 : memref<!tpu.dma_semaphore, #tpu.memory_space<semaphore_mem>>) src(%dma_wait3A_19 : memref<640x16xf32, #tpu.memory_space<hbm>>) dst(%dma_wait3A_18 : memref<640x16xf32, #tpu.memory_space<vmem_shared>>)
    %dma_wait3A_20 = arith.constant 0 : i32
    %dma_wait3A_21 = tpu.memref_slice %arg6[%mul3A_0, %dma_wait3A_20] : memref<10240x16xf32, #tpu.memory_space<vmem_shared>> -> memref<640x16xf32, #tpu.memory_space<vmem_shared>>
    %dma_wait3A_22 = tpu.memref_slice %arg2[%mul3A_0, %mul3A_4] : memref<10240x32xf32, #tpu.memory_space<hbm>> -> memref<640x16xf32, #tpu.memory_space<hbm>>
    tpu.wait_dma2 semaphore(%arg12 : memref<!tpu.dma_semaphore, #tpu.memory_space<semaphore_mem>>) src(%dma_wait3A_22 : memref<640x16xf32, #tpu.memory_space<hbm>>) dst(%dma_wait3A_21 : memref<640x16xf32, #tpu.memory_space<vmem_shared>>)
    %dma_wait3A_23 = arith.constant 0 : i32
    %dma_wait3A_24 = tpu.memref_slice %arg3[%mul3A_2, %dma_wait3A_23] : memref<2560x128xi32, #tpu.memory_space<hbm>> -> memref<160x128xi32, #tpu.memory_space<hbm>>
    %dma_wait3A_25 = arith.constant 0 : i32
    %dma_wait3A_26 = tpu.memref_slice %arg3[%mul3A_2, %dma_wait3A_25] : memref<2560x128xi32, #tpu.memory_space<hbm>> -> memref<160x128xi32, #tpu.memory_space<hbm>>
    tpu.wait_dma2 semaphore(%arg12 : memref<!tpu.dma_semaphore, #tpu.memory_space<semaphore_mem>>) src(%dma_wait3A_26 : memref<160x128xi32, #tpu.memory_space<hbm>>) dst(%arg8 : memref<160x128xi32, #tpu.memory_space<vmem>>)
    %dma_wait3A_27 = arith.constant 0 : i32
    %dma_wait3A_28 = tpu.memref_slice %arg4[%mul3A_2, %dma_wait3A_27] : memref<2560x128xi32, #tpu.memory_space<hbm>> -> memref<160x128xi32, #tpu.memory_space<hbm>>
    %dma_wait3A_29 = arith.constant 0 : i32
    %dma_wait3A_30 = tpu.memref_slice %arg4[%mul3A_2, %dma_wait3A_29] : memref<2560x128xi32, #tpu.memory_space<hbm>> -> memref<160x128xi32, #tpu.memory_space<hbm>>
    tpu.wait_dma2 semaphore(%arg12 : memref<!tpu.dma_semaphore, #tpu.memory_space<semaphore_mem>>) src(%dma_wait3A_30 : memref<160x128xi32, #tpu.memory_space<hbm>>) dst(%arg9 : memref<160x128xi32, #tpu.memory_space<vmem>>)
    %barrier3A = arith.constant 0 : index
    tpu.barrier barrier_id(%barrier3A)
    %dma_start3A_31 = arith.constant 0 : i32
    %dma_start3A_32 = arith.constant 0 : i32
    %dma_start3A_33 = arith.constant 0 : i32
    %dma_start3A_34 = tpu.memref_slice %arg10[%dma_start3A_32, %dma_start3A_33] : memref<512x16xf32, #tpu.memory_space<vmem>> -> memref<128x16xf32, #tpu.memory_space<vmem>>
    %dma_start3A_35 = arith.constant 0 : i32
    %dma_start3A_36 = tpu.memref_slice %arg8[%dma_start3A_31, %dma_start3A_35] : memref<160x128xi32, #tpu.memory_space<vmem>> -> memref<1x128xi32, #tpu.memory_space<vmem>>
    %dma_start3A_37 = tpu.memref_squeeze %dma_start3A_36 : memref<1x128xi32, #tpu.memory_space<vmem>> -> memref<128xi32, #tpu.memory_space<vmem>>
    %dma_start3A_38 = arith.constant 0 : i32
    %dma_start3A_39 = arith.constant 0 : i32
    %dma_start3A_40 = tpu.memref_slice %arg7[%dma_start3A_38, %dma_start3A_39] : memref<10240x16xf32, #tpu.memory_space<vmem_shared>> -> memref<10240x16xf32, #tpu.memory_space<vmem_shared>>
    tpu.enqueue_indirect_dma source(%dma_start3A_40 : memref<10240x16xf32, #tpu.memory_space<vmem_shared>>) target(%dma_start3A_34 : memref<128x16xf32, #tpu.memory_space<vmem>>) offsets(%dma_start3A_37 : memref<128xi32, #tpu.memory_space<vmem>>) semaphore(%arg13 : memref<!tpu.dma_semaphore, #tpu.memory_space<semaphore_mem>>)
    %dma_start3A_41 = arith.constant 1 : i32
    %dma_start3A_42 = arith.constant 128 : i32
    %dma_start3A_43 = arith.constant 0 : i32
    %dma_start3A_44 = tpu.memref_slice %arg10[%dma_start3A_42, %dma_start3A_43] : memref<512x16xf32, #tpu.memory_space<vmem>> -> memref<128x16xf32, #tpu.memory_space<vmem>>
    %dma_start3A_45 = arith.constant 0 : i32
    %dma_start3A_46 = tpu.memref_slice %arg8[%dma_start3A_41, %dma_start3A_45] : memref<160x128xi32, #tpu.memory_space<vmem>> -> memref<1x128xi32, #tpu.memory_space<vmem>>
    %dma_start3A_47 = tpu.memref_squeeze %dma_start3A_46 : memref<1x128xi32, #tpu.memory_space<vmem>> -> memref<128xi32, #tpu.memory_space<vmem>>
    %dma_start3A_48 = arith.constant 0 : i32
    %dma_start3A_49 = arith.constant 0 : i32
    %dma_start3A_50 = tpu.memref_slice %arg7[%dma_start3A_48, %dma_start3A_49] : memref<10240x16xf32, #tpu.memory_space<vmem_shared>> -> memref<10240x16xf32, #tpu.memory_space<vmem_shared>>
    tpu.enqueue_indirect_dma source(%dma_start3A_50 : memref<10240x16xf32, #tpu.memory_space<vmem_shared>>) target(%dma_start3A_44 : memref<128x16xf32, #tpu.memory_space<vmem>>) offsets(%dma_start3A_47 : memref<128xi32, #tpu.memory_space<vmem>>) semaphore(%arg13 : memref<!tpu.dma_semaphore, #tpu.memory_space<semaphore_mem>>)
    %dma_start3A_51 = arith.constant 2 : i32
    %dma_start3A_52 = arith.constant 256 : i32
    %dma_start3A_53 = arith.constant 0 : i32
    %dma_start3A_54 = tpu.memref_slice %arg10[%dma_start3A_52, %dma_start3A_53] : memref<512x16xf32, #tpu.memory_space<vmem>> -> memref<128x16xf32, #tpu.memory_space<vmem>>
    %dma_start3A_55 = arith.constant 0 : i32
    %dma_start3A_56 = tpu.memref_slice %arg8[%dma_start3A_51, %dma_start3A_55] : memref<160x128xi32, #tpu.memory_space<vmem>> -> memref<1x128xi32, #tpu.memory_space<vmem>>
    %dma_start3A_57 = tpu.memref_squeeze %dma_start3A_56 : memref<1x128xi32, #tpu.memory_space<vmem>> -> memref<128xi32, #tpu.memory_space<vmem>>
    %dma_start3A_58 = arith.constant 0 : i32
    %dma_start3A_59 = arith.constant 0 : i32
    %dma_start3A_60 = tpu.memref_slice %arg7[%dma_start3A_58, %dma_start3A_59] : memref<10240x16xf32, #tpu.memory_space<vmem_shared>> -> memref<10240x16xf32, #tpu.memory_space<vmem_shared>>
    tpu.enqueue_indirect_dma source(%dma_start3A_60 : memref<10240x16xf32, #tpu.memory_space<vmem_shared>>) target(%dma_start3A_54 : memref<128x16xf32, #tpu.memory_space<vmem>>) offsets(%dma_start3A_57 : memref<128xi32, #tpu.memory_space<vmem>>) semaphore(%arg13 : memref<!tpu.dma_semaphore, #tpu.memory_space<semaphore_mem>>)
    %dma_start3A_61 = arith.constant 3 : i32
    %dma_start3A_62 = arith.constant 384 : i32
    %dma_start3A_63 = arith.constant 0 : i32
    %dma_start3A_64 = tpu.memref_slice %arg10[%dma_start3A_62, %dma_start3A_63] : memref<512x16xf32, #tpu.memory_space<vmem>> -> memref<128x16xf32, #tpu.memory_space<vmem>>
    %dma_start3A_65 = arith.constant 0 : i32
    %dma_start3A_66 = tpu.memref_slice %arg8[%dma_start3A_61, %dma_start3A_65] : memref<160x128xi32, #tpu.memory_space<vmem>> -> memref<1x128xi32, #tpu.memory_space<vmem>>
    %dma_start3A_67 = tpu.memref_squeeze %dma_start3A_66 : memref<1x128xi32, #tpu.memory_space<vmem>> -> memref<128xi32, #tpu.memory_space<vmem>>
    %dma_start3A_68 = arith.constant 0 : i32
    %dma_start3A_69 = arith.constant 0 : i32
    %dma_start3A_70 = tpu.memref_slice %arg7[%dma_start3A_68, %dma_start3A_69] : memref<10240x16xf32, #tpu.memory_space<vmem_shared>> -> memref<10240x16xf32, #tpu.memory_space<vmem_shared>>
    tpu.enqueue_indirect_dma source(%dma_start3A_70 : memref<10240x16xf32, #tpu.memory_space<vmem_shared>>) target(%dma_start3A_64 : memref<128x16xf32, #tpu.memory_space<vmem>>) offsets(%dma_start3A_67 : memref<128xi32, #tpu.memory_space<vmem>>) semaphore(%arg13 : memref<!tpu.dma_semaphore, #tpu.memory_space<semaphore_mem>>)
    %scan3A = arith.constant 0 : i32
    %scan3A_71 = arith.constant 20 : i32
    %scan3A_72 = arith.addi %scan3A, %scan3A_71 : i32
    %scan3A_73 = arith.constant 1 : i32
    scf.for %scan3A_116 = %scan3A to %scan3A_72 step %scan3A_73  : i32 {
      %mul3A_117 = arith.constant 2 : i32
      %mul3A_118 = arith.muli %scan3A_116, %mul3A_117 : i32
      %add3A = arith.constant 0 : i32
      %add3A_119 = arith.addi %add3A, %mul3A_118 : i32
      %add3A_120 = arith.constant 0 : i32
      %add3A_121 = arith.addi %add3A_119, %add3A_120 : i32
      %ge3A = arith.constant 1 : i32
      %ge3A_122 = arith.cmpi sge, %add3A_121, %ge3A : i32
      %convert_element_type3A = arith.extui %ge3A_122 : i1 to i32
      %cond3A = arith.constant 0 : i32
      %cond3A_123 = arith.cmpi ne, %convert_element_type3A, %cond3A : i32
      scf.if %cond3A_123 {
        %sub3A = arith.constant 1 : i32
        %sub3A_352 = arith.subi %add3A_121, %sub3A : i32
        %mul3A_353 = arith.constant 4 : i32
        %mul3A_354 = arith.muli %sub3A_352, %mul3A_353 : i32
        %add3A_355 = arith.constant 0 : i32
        %add3A_356 = arith.addi %mul3A_354, %add3A_355 : i32
        %dma_wait3A_357 = arith.constant 0 : i32
        %dma_wait3A_358 = arith.constant 0 : i32
        %dma_wait3A_359 = tpu.memref_slice %arg11[%dma_wait3A_357, %dma_wait3A_358] : memref<512x16xf32, #tpu.memory_space<vmem>> -> memref<128x16xf32, #tpu.memory_space<vmem>>
        %dma_wait3A_360 = arith.constant 0 : i32
        %dma_wait3A_361 = tpu.memref_slice %arg9[%add3A_356, %dma_wait3A_360] : memref<160x128xi32, #tpu.memory_space<vmem>> -> memref<1x128xi32, #tpu.memory_space<vmem>>
        %dma_wait3A_362 = tpu.memref_squeeze %dma_wait3A_361 : memref<1x128xi32, #tpu.memory_space<vmem>> -> memref<128xi32, #tpu.memory_space<vmem>>
        %dma_wait3A_363 = arith.constant 0 : i32
        %dma_wait3A_364 = arith.constant 0 : i32
        %dma_wait3A_365 = tpu.memref_slice %arg6[%dma_wait3A_363, %dma_wait3A_364] : memref<10240x16xf32, #tpu.memory_space<vmem_shared>> -> memref<10240x16xf32, #tpu.memory_space<vmem_shared>>
        tpu.wait_indirect_dma semaphore(%arg16 : memref<!tpu.dma_semaphore, #tpu.memory_space<semaphore_mem>>) src(%dma_wait3A_359 : memref<128x16xf32, #tpu.memory_space<vmem>>) dst(%dma_wait3A_365 : memref<10240x16xf32, #tpu.memory_space<vmem_shared>>)
        %sub3A_366 = arith.constant 1 : i32
        %sub3A_367 = arith.subi %add3A_121, %sub3A_366 : i32
        %mul3A_368 = arith.constant 4 : i32
        %mul3A_369 = arith.muli %sub3A_367, %mul3A_368 : i32
        %add3A_370 = arith.constant 1 : i32
        %add3A_371 = arith.addi %mul3A_369, %add3A_370 : i32
        %dma_wait3A_372 = arith.constant 128 : i32
        %dma_wait3A_373 = arith.constant 0 : i32
        %dma_wait3A_374 = tpu.memref_slice %arg11[%dma_wait3A_372, %dma_wait3A_373] : memref<512x16xf32, #tpu.memory_space<vmem>> -> memref<128x16xf32, #tpu.memory_space<vmem>>
        %dma_wait3A_375 = arith.constant 0 : i32
        %dma_wait3A_376 = tpu.memref_slice %arg9[%add3A_371, %dma_wait3A_375] : memref<160x128xi32, #tpu.memory_space<vmem>> -> memref<1x128xi32, #tpu.memory_space<vmem>>
        %dma_wait3A_377 = tpu.memref_squeeze %dma_wait3A_376 : memref<1x128xi32, #tpu.memory_space<vmem>> -> memref<128xi32, #tpu.memory_space<vmem>>
        %dma_wait3A_378 = arith.constant 0 : i32
        %dma_wait3A_379 = arith.constant 0 : i32
        %dma_wait3A_380 = tpu.memref_slice %arg6[%dma_wait3A_378, %dma_wait3A_379] : memref<10240x16xf32, #tpu.memory_space<vmem_shared>> -> memref<10240x16xf32, #tpu.memory_space<vmem_shared>>
        tpu.wait_indirect_dma semaphore(%arg16 : memref<!tpu.dma_semaphore, #tpu.memory_space<semaphore_mem>>) src(%dma_wait3A_374 : memref<128x16xf32, #tpu.memory_space<vmem>>) dst(%dma_wait3A_380 : memref<10240x16xf32, #tpu.memory_space<vmem_shared>>)
        %sub3A_381 = arith.constant 1 : i32
        %sub3A_382 = arith.subi %add3A_121, %sub3A_381 : i32
        %mul3A_383 = arith.constant 4 : i32
        %mul3A_384 = arith.muli %sub3A_382, %mul3A_383 : i32
        %add3A_385 = arith.constant 2 : i32
        %add3A_386 = arith.addi %mul3A_384, %add3A_385 : i32
        %dma_wait3A_387 = arith.constant 256 : i32
        %dma_wait3A_388 = arith.constant 0 : i32
        %dma_wait3A_389 = tpu.memref_slice %arg11[%dma_wait3A_387, %dma_wait3A_388] : memref<512x16xf32, #tpu.memory_space<vmem>> -> memref<128x16xf32, #tpu.memory_space<vmem>>
        %dma_wait3A_390 = arith.constant 0 : i32
        %dma_wait3A_391 = tpu.memref_slice %arg9[%add3A_386, %dma_wait3A_390] : memref<160x128xi32, #tpu.memory_space<vmem>> -> memref<1x128xi32, #tpu.memory_space<vmem>>
        %dma_wait3A_392 = tpu.memref_squeeze %dma_wait3A_391 : memref<1x128xi32, #tpu.memory_space<vmem>> -> memref<128xi32, #tpu.memory_space<vmem>>
        %dma_wait3A_393 = arith.constant 0 : i32
        %dma_wait3A_394 = arith.constant 0 : i32
        %dma_wait3A_395 = tpu.memref_slice %arg6[%dma_wait3A_393, %dma_wait3A_394] : memref<10240x16xf32, #tpu.memory_space<vmem_shared>> -> memref<10240x16xf32, #tpu.memory_space<vmem_shared>>
        tpu.wait_indirect_dma semaphore(%arg16 : memref<!tpu.dma_semaphore, #tpu.memory_space<semaphore_mem>>) src(%dma_wait3A_389 : memref<128x16xf32, #tpu.memory_space<vmem>>) dst(%dma_wait3A_395 : memref<10240x16xf32, #tpu.memory_space<vmem_shared>>)
        %sub3A_396 = arith.constant 1 : i32
        %sub3A_397 = arith.subi %add3A_121, %sub3A_396 : i32
        %mul3A_398 = arith.constant 4 : i32
        %mul3A_399 = arith.muli %sub3A_397, %mul3A_398 : i32
        %add3A_400 = arith.constant 3 : i32
        %add3A_401 = arith.addi %mul3A_399, %add3A_400 : i32
        %dma_wait3A_402 = arith.constant 384 : i32
        %dma_wait3A_403 = arith.constant 0 : i32
        %dma_wait3A_404 = tpu.memref_slice %arg11[%dma_wait3A_402, %dma_wait3A_403] : memref<512x16xf32, #tpu.memory_space<vmem>> -> memref<128x16xf32, #tpu.memory_space<vmem>>
        %dma_wait3A_405 = arith.constant 0 : i32
        %dma_wait3A_406 = tpu.memref_slice %arg9[%add3A_401, %dma_wait3A_405] : memref<160x128xi32, #tpu.memory_space<vmem>> -> memref<1x128xi32, #tpu.memory_space<vmem>>
        %dma_wait3A_407 = tpu.memref_squeeze %dma_wait3A_406 : memref<1x128xi32, #tpu.memory_space<vmem>> -> memref<128xi32, #tpu.memory_space<vmem>>
        %dma_wait3A_408 = arith.constant 0 : i32
        %dma_wait3A_409 = arith.constant 0 : i32
        %dma_wait3A_410 = tpu.memref_slice %arg6[%dma_wait3A_408, %dma_wait3A_409] : memref<10240x16xf32, #tpu.memory_space<vmem_shared>> -> memref<10240x16xf32, #tpu.memory_space<vmem_shared>>
        tpu.wait_indirect_dma semaphore(%arg16 : memref<!tpu.dma_semaphore, #tpu.memory_space<semaphore_mem>>) src(%dma_wait3A_404 : memref<128x16xf32, #tpu.memory_space<vmem>>) dst(%dma_wait3A_410 : memref<10240x16xf32, #tpu.memory_space<vmem_shared>>)
      } else {
      }
      %add3A_124 = arith.constant 1 : i32
      %add3A_125 = arith.addi %add3A_121, %add3A_124 : i32
      %lt3A = arith.constant 40 : i32
      %lt3A_126 = arith.cmpi slt, %add3A_125, %lt3A : i32
      %convert_element_type3A_127 = arith.extui %lt3A_126 : i1 to i32
      %cond3A_128 = arith.constant 0 : i32
      %cond3A_129 = arith.cmpi ne, %convert_element_type3A_127, %cond3A_128 : i32
      scf.if %cond3A_129 {
        %add3A_352 = arith.constant 1 : i32
        %add3A_353 = arith.addi %add3A_121, %add3A_352 : i32
        %mul3A_354 = arith.constant 4 : i32
        %mul3A_355 = arith.muli %add3A_353, %mul3A_354 : i32
        %add3A_356 = arith.constant 0 : i32
        %add3A_357 = arith.addi %mul3A_355, %add3A_356 : i32
        %dma_start3A_358 = arith.constant 0 : i32
        %dma_start3A_359 = arith.constant 0 : i32
        %dma_start3A_360 = tpu.memref_slice %arg11[%dma_start3A_358, %dma_start3A_359] : memref<512x16xf32, #tpu.memory_space<vmem>> -> memref<128x16xf32, #tpu.memory_space<vmem>>
        %dma_start3A_361 = arith.constant 0 : i32
        %dma_start3A_362 = tpu.memref_slice %arg8[%add3A_357, %dma_start3A_361] : memref<160x128xi32, #tpu.memory_space<vmem>> -> memref<1x128xi32, #tpu.memory_space<vmem>>
        %dma_start3A_363 = tpu.memref_squeeze %dma_start3A_362 : memref<1x128xi32, #tpu.memory_space<vmem>> -> memref<128xi32, #tpu.memory_space<vmem>>
        %dma_start3A_364 = arith.constant 0 : i32
        %dma_start3A_365 = arith.constant 0 : i32
        %dma_start3A_366 = tpu.memref_slice %arg7[%dma_start3A_364, %dma_start3A_365] : memref<10240x16xf32, #tpu.memory_space<vmem_shared>> -> memref<10240x16xf32, #tpu.memory_space<vmem_shared>>
        tpu.enqueue_indirect_dma source(%dma_start3A_366 : memref<10240x16xf32, #tpu.memory_space<vmem_shared>>) target(%dma_start3A_360 : memref<128x16xf32, #tpu.memory_space<vmem>>) offsets(%dma_start3A_363 : memref<128xi32, #tpu.memory_space<vmem>>) semaphore(%arg14 : memref<!tpu.dma_semaphore, #tpu.memory_space<semaphore_mem>>)
        %add3A_367 = arith.constant 1 : i32
        %add3A_368 = arith.addi %add3A_121, %add3A_367 : i32
        %mul3A_369 = arith.constant 4 : i32
        %mul3A_370 = arith.muli %add3A_368, %mul3A_369 : i32
        %add3A_371 = arith.constant 1 : i32
        %add3A_372 = arith.addi %mul3A_370, %add3A_371 : i32
        %dma_start3A_373 = arith.constant 128 : i32
        %dma_start3A_374 = arith.constant 0 : i32
        %dma_start3A_375 = tpu.memref_slice %arg11[%dma_start3A_373, %dma_start3A_374] : memref<512x16xf32, #tpu.memory_space<vmem>> -> memref<128x16xf32, #tpu.memory_space<vmem>>
        %dma_start3A_376 = arith.constant 0 : i32
        %dma_start3A_377 = tpu.memref_slice %arg8[%add3A_372, %dma_start3A_376] : memref<160x128xi32, #tpu.memory_space<vmem>> -> memref<1x128xi32, #tpu.memory_space<vmem>>
        %dma_start3A_378 = tpu.memref_squeeze %dma_start3A_377 : memref<1x128xi32, #tpu.memory_space<vmem>> -> memref<128xi32, #tpu.memory_space<vmem>>
        %dma_start3A_379 = arith.constant 0 : i32
        %dma_start3A_380 = arith.constant 0 : i32
        %dma_start3A_381 = tpu.memref_slice %arg7[%dma_start3A_379, %dma_start3A_380] : memref<10240x16xf32, #tpu.memory_space<vmem_shared>> -> memref<10240x16xf32, #tpu.memory_space<vmem_shared>>
        tpu.enqueue_indirect_dma source(%dma_start3A_381 : memref<10240x16xf32, #tpu.memory_space<vmem_shared>>) target(%dma_start3A_375 : memref<128x16xf32, #tpu.memory_space<vmem>>) offsets(%dma_start3A_378 : memref<128xi32, #tpu.memory_space<vmem>>) semaphore(%arg14 : memref<!tpu.dma_semaphore, #tpu.memory_space<semaphore_mem>>)
        %add3A_382 = arith.constant 1 : i32
        %add3A_383 = arith.addi %add3A_121, %add3A_382 : i32
        %mul3A_384 = arith.constant 4 : i32
        %mul3A_385 = arith.muli %add3A_383, %mul3A_384 : i32
        %add3A_386 = arith.constant 2 : i32
        %add3A_387 = arith.addi %mul3A_385, %add3A_386 : i32
        %dma_start3A_388 = arith.constant 256 : i32
        %dma_start3A_389 = arith.constant 0 : i32
        %dma_start3A_390 = tpu.memref_slice %arg11[%dma_start3A_388, %dma_start3A_389] : memref<512x16xf32, #tpu.memory_space<vmem>> -> memref<128x16xf32, #tpu.memory_space<vmem>>
        %dma_start3A_391 = arith.constant 0 : i32
        %dma_start3A_392 = tpu.memref_slice %arg8[%add3A_387, %dma_start3A_391] : memref<160x128xi32, #tpu.memory_space<vmem>> -> memref<1x128xi32, #tpu.memory_space<vmem>>
        %dma_start3A_393 = tpu.memref_squeeze %dma_start3A_392 : memref<1x128xi32, #tpu.memory_space<vmem>> -> memref<128xi32, #tpu.memory_space<vmem>>
        %dma_start3A_394 = arith.constant 0 : i32
        %dma_start3A_395 = arith.constant 0 : i32
        %dma_start3A_396 = tpu.memref_slice %arg7[%dma_start3A_394, %dma_start3A_395] : memref<10240x16xf32, #tpu.memory_space<vmem_shared>> -> memref<10240x16xf32, #tpu.memory_space<vmem_shared>>
        tpu.enqueue_indirect_dma source(%dma_start3A_396 : memref<10240x16xf32, #tpu.memory_space<vmem_shared>>) target(%dma_start3A_390 : memref<128x16xf32, #tpu.memory_space<vmem>>) offsets(%dma_start3A_393 : memref<128xi32, #tpu.memory_space<vmem>>) semaphore(%arg14 : memref<!tpu.dma_semaphore, #tpu.memory_space<semaphore_mem>>)
        %add3A_397 = arith.constant 1 : i32
        %add3A_398 = arith.addi %add3A_121, %add3A_397 : i32
        %mul3A_399 = arith.constant 4 : i32
        %mul3A_400 = arith.muli %add3A_398, %mul3A_399 : i32
        %add3A_401 = arith.constant 3 : i32
        %add3A_402 = arith.addi %mul3A_400, %add3A_401 : i32
        %dma_start3A_403 = arith.constant 384 : i32
        %dma_start3A_404 = arith.constant 0 : i32
        %dma_start3A_405 = tpu.memref_slice %arg11[%dma_start3A_403, %dma_start3A_404] : memref<512x16xf32, #tpu.memory_space<vmem>> -> memref<128x16xf32, #tpu.memory_space<vmem>>
        %dma_start3A_406 = arith.constant 0 : i32
        %dma_start3A_407 = tpu.memref_slice %arg8[%add3A_402, %dma_start3A_406] : memref<160x128xi32, #tpu.memory_space<vmem>> -> memref<1x128xi32, #tpu.memory_space<vmem>>
        %dma_start3A_408 = tpu.memref_squeeze %dma_start3A_407 : memref<1x128xi32, #tpu.memory_space<vmem>> -> memref<128xi32, #tpu.memory_space<vmem>>
        %dma_start3A_409 = arith.constant 0 : i32
        %dma_start3A_410 = arith.constant 0 : i32
        %dma_start3A_411 = tpu.memref_slice %arg7[%dma_start3A_409, %dma_start3A_410] : memref<10240x16xf32, #tpu.memory_space<vmem_shared>> -> memref<10240x16xf32, #tpu.memory_space<vmem_shared>>
        tpu.enqueue_indirect_dma source(%dma_start3A_411 : memref<10240x16xf32, #tpu.memory_space<vmem_shared>>) target(%dma_start3A_405 : memref<128x16xf32, #tpu.memory_space<vmem>>) offsets(%dma_start3A_408 : memref<128xi32, #tpu.memory_space<vmem>>) semaphore(%arg14 : memref<!tpu.dma_semaphore, #tpu.memory_space<semaphore_mem>>)
      } else {
      }
      %mul3A_130 = arith.constant 4 : i32
      %mul3A_131 = arith.muli %add3A_121, %mul3A_130 : i32
      %add3A_132 = arith.constant 0 : i32
      %add3A_133 = arith.addi %mul3A_131, %add3A_132 : i32
      %dma_wait3A_134 = arith.constant 0 : i32
      %dma_wait3A_135 = arith.constant 0 : i32
      %dma_wait3A_136 = tpu.memref_slice %arg10[%dma_wait3A_134, %dma_wait3A_135] : memref<512x16xf32, #tpu.memory_space<vmem>> -> memref<128x16xf32, #tpu.memory_space<vmem>>
      %dma_wait3A_137 = arith.constant 0 : i32
      %dma_wait3A_138 = tpu.memref_slice %arg8[%add3A_133, %dma_wait3A_137] : memref<160x128xi32, #tpu.memory_space<vmem>> -> memref<1x128xi32, #tpu.memory_space<vmem>>
      %dma_wait3A_139 = tpu.memref_squeeze %dma_wait3A_138 : memref<1x128xi32, #tpu.memory_space<vmem>> -> memref<128xi32, #tpu.memory_space<vmem>>
      %dma_wait3A_140 = arith.constant 0 : i32
      %dma_wait3A_141 = arith.constant 0 : i32
      %dma_wait3A_142 = tpu.memref_slice %arg7[%dma_wait3A_140, %dma_wait3A_141] : memref<10240x16xf32, #tpu.memory_space<vmem_shared>> -> memref<10240x16xf32, #tpu.memory_space<vmem_shared>>
      tpu.wait_indirect_dma semaphore(%arg13 : memref<!tpu.dma_semaphore, #tpu.memory_space<semaphore_mem>>) src(%dma_wait3A_142 : memref<10240x16xf32, #tpu.memory_space<vmem_shared>>) dst(%dma_wait3A_136 : memref<128x16xf32, #tpu.memory_space<vmem>>)
      %mul3A_143 = arith.constant 4 : i32
      %mul3A_144 = arith.muli %add3A_121, %mul3A_143 : i32
      %add3A_145 = arith.constant 1 : i32
      %add3A_146 = arith.addi %mul3A_144, %add3A_145 : i32
      %dma_wait3A_147 = arith.constant 128 : i32
      %dma_wait3A_148 = arith.constant 0 : i32
      %dma_wait3A_149 = tpu.memref_slice %arg10[%dma_wait3A_147, %dma_wait3A_148] : memref<512x16xf32, #tpu.memory_space<vmem>> -> memref<128x16xf32, #tpu.memory_space<vmem>>
      %dma_wait3A_150 = arith.constant 0 : i32
      %dma_wait3A_151 = tpu.memref_slice %arg8[%add3A_146, %dma_wait3A_150] : memref<160x128xi32, #tpu.memory_space<vmem>> -> memref<1x128xi32, #tpu.memory_space<vmem>>
      %dma_wait3A_152 = tpu.memref_squeeze %dma_wait3A_151 : memref<1x128xi32, #tpu.memory_space<vmem>> -> memref<128xi32, #tpu.memory_space<vmem>>
      %dma_wait3A_153 = arith.constant 0 : i32
      %dma_wait3A_154 = arith.constant 0 : i32
      %dma_wait3A_155 = tpu.memref_slice %arg7[%dma_wait3A_153, %dma_wait3A_154] : memref<10240x16xf32, #tpu.memory_space<vmem_shared>> -> memref<10240x16xf32, #tpu.memory_space<vmem_shared>>
      tpu.wait_indirect_dma semaphore(%arg13 : memref<!tpu.dma_semaphore, #tpu.memory_space<semaphore_mem>>) src(%dma_wait3A_155 : memref<10240x16xf32, #tpu.memory_space<vmem_shared>>) dst(%dma_wait3A_149 : memref<128x16xf32, #tpu.memory_space<vmem>>)
      %mul3A_156 = arith.constant 4 : i32
      %mul3A_157 = arith.muli %add3A_121, %mul3A_156 : i32
      %add3A_158 = arith.constant 2 : i32
      %add3A_159 = arith.addi %mul3A_157, %add3A_158 : i32
      %dma_wait3A_160 = arith.constant 256 : i32
      %dma_wait3A_161 = arith.constant 0 : i32
      %dma_wait3A_162 = tpu.memref_slice %arg10[%dma_wait3A_160, %dma_wait3A_161] : memref<512x16xf32, #tpu.memory_space<vmem>> -> memref<128x16xf32, #tpu.memory_space<vmem>>
      %dma_wait3A_163 = arith.constant 0 : i32
      %dma_wait3A_164 = tpu.memref_slice %arg8[%add3A_159, %dma_wait3A_163] : memref<160x128xi32, #tpu.memory_space<vmem>> -> memref<1x128xi32, #tpu.memory_space<vmem>>
      %dma_wait3A_165 = tpu.memref_squeeze %dma_wait3A_164 : memref<1x128xi32, #tpu.memory_space<vmem>> -> memref<128xi32, #tpu.memory_space<vmem>>
      %dma_wait3A_166 = arith.constant 0 : i32
      %dma_wait3A_167 = arith.constant 0 : i32
      %dma_wait3A_168 = tpu.memref_slice %arg7[%dma_wait3A_166, %dma_wait3A_167] : memref<10240x16xf32, #tpu.memory_space<vmem_shared>> -> memref<10240x16xf32, #tpu.memory_space<vmem_shared>>
      tpu.wait_indirect_dma semaphore(%arg13 : memref<!tpu.dma_semaphore, #tpu.memory_space<semaphore_mem>>) src(%dma_wait3A_168 : memref<10240x16xf32, #tpu.memory_space<vmem_shared>>) dst(%dma_wait3A_162 : memref<128x16xf32, #tpu.memory_space<vmem>>)
      %mul3A_169 = arith.constant 4 : i32
      %mul3A_170 = arith.muli %add3A_121, %mul3A_169 : i32
      %add3A_171 = arith.constant 3 : i32
      %add3A_172 = arith.addi %mul3A_170, %add3A_171 : i32
      %dma_wait3A_173 = arith.constant 384 : i32
      %dma_wait3A_174 = arith.constant 0 : i32
      %dma_wait3A_175 = tpu.memref_slice %arg10[%dma_wait3A_173, %dma_wait3A_174] : memref<512x16xf32, #tpu.memory_space<vmem>> -> memref<128x16xf32, #tpu.memory_space<vmem>>
      %dma_wait3A_176 = arith.constant 0 : i32
      %dma_wait3A_177 = tpu.memref_slice %arg8[%add3A_172, %dma_wait3A_176] : memref<160x128xi32, #tpu.memory_space<vmem>> -> memref<1x128xi32, #tpu.memory_space<vmem>>
      %dma_wait3A_178 = tpu.memref_squeeze %dma_wait3A_177 : memref<1x128xi32, #tpu.memory_space<vmem>> -> memref<128xi32, #tpu.memory_space<vmem>>
      %dma_wait3A_179 = arith.constant 0 : i32
      %dma_wait3A_180 = arith.constant 0 : i32
      %dma_wait3A_181 = tpu.memref_slice %arg7[%dma_wait3A_179, %dma_wait3A_180] : memref<10240x16xf32, #tpu.memory_space<vmem_shared>> -> memref<10240x16xf32, #tpu.memory_space<vmem_shared>>
      tpu.wait_indirect_dma semaphore(%arg13 : memref<!tpu.dma_semaphore, #tpu.memory_space<semaphore_mem>>) src(%dma_wait3A_181 : memref<10240x16xf32, #tpu.memory_space<vmem_shared>>) dst(%dma_wait3A_175 : memref<128x16xf32, #tpu.memory_space<vmem>>)
      %mul3A_182 = arith.constant 4 : i32
      %mul3A_183 = arith.muli %add3A_121, %mul3A_182 : i32
      %add3A_184 = arith.constant 0 : i32
      %add3A_185 = arith.addi %mul3A_183, %add3A_184 : i32
      %dma_start3A_186 = arith.constant 0 : i32
      %dma_start3A_187 = arith.constant 0 : i32
      %dma_start3A_188 = tpu.memref_slice %arg10[%dma_start3A_186, %dma_start3A_187] : memref<512x16xf32, #tpu.memory_space<vmem>> -> memref<128x16xf32, #tpu.memory_space<vmem>>
      %dma_start3A_189 = arith.constant 0 : i32
      %dma_start3A_190 = tpu.memref_slice %arg9[%add3A_185, %dma_start3A_189] : memref<160x128xi32, #tpu.memory_space<vmem>> -> memref<1x128xi32, #tpu.memory_space<vmem>>
      %dma_start3A_191 = tpu.memref_squeeze %dma_start3A_190 : memref<1x128xi32, #tpu.memory_space<vmem>> -> memref<128xi32, #tpu.memory_space<vmem>>
      %dma_start3A_192 = arith.constant 0 : i32
      %dma_start3A_193 = arith.constant 0 : i32
      %dma_start3A_194 = tpu.memref_slice %arg6[%dma_start3A_192, %dma_start3A_193] : memref<10240x16xf32, #tpu.memory_space<vmem_shared>> -> memref<10240x16xf32, #tpu.memory_space<vmem_shared>>
      tpu.enqueue_indirect_dma source(%dma_start3A_188 : memref<128x16xf32, #tpu.memory_space<vmem>>) target(%dma_start3A_194 : memref<10240x16xf32, #tpu.memory_space<vmem_shared>>) offsets(%dma_start3A_191 : memref<128xi32, #tpu.memory_space<vmem>>) semaphore(%arg15 : memref<!tpu.dma_semaphore, #tpu.memory_space<semaphore_mem>>) {add = true}
      %mul3A_195 = arith.constant 4 : i32
      %mul3A_196 = arith.muli %add3A_121, %mul3A_195 : i32
      %add3A_197 = arith.constant 1 : i32
      %add3A_198 = arith.addi %mul3A_196, %add3A_197 : i32
      %dma_start3A_199 = arith.constant 128 : i32
      %dma_start3A_200 = arith.constant 0 : i32
      %dma_start3A_201 = tpu.memref_slice %arg10[%dma_start3A_199, %dma_start3A_200] : memref<512x16xf32, #tpu.memory_space<vmem>> -> memref<128x16xf32, #tpu.memory_space<vmem>>
      %dma_start3A_202 = arith.constant 0 : i32
      %dma_start3A_203 = tpu.memref_slice %arg9[%add3A_198, %dma_start3A_202] : memref<160x128xi32, #tpu.memory_space<vmem>> -> memref<1x128xi32, #tpu.memory_space<vmem>>
      %dma_start3A_204 = tpu.memref_squeeze %dma_start3A_203 : memref<1x128xi32, #tpu.memory_space<vmem>> -> memref<128xi32, #tpu.memory_space<vmem>>
      %dma_start3A_205 = arith.constant 0 : i32
      %dma_start3A_206 = arith.constant 0 : i32
      %dma_start3A_207 = tpu.memref_slice %arg6[%dma_start3A_205, %dma_start3A_206] : memref<10240x16xf32, #tpu.memory_space<vmem_shared>> -> memref<10240x16xf32, #tpu.memory_space<vmem_shared>>
      tpu.enqueue_indirect_dma source(%dma_start3A_201 : memref<128x16xf32, #tpu.memory_space<vmem>>) target(%dma_start3A_207 : memref<10240x16xf32, #tpu.memory_space<vmem_shared>>) offsets(%dma_start3A_204 : memref<128xi32, #tpu.memory_space<vmem>>) semaphore(%arg15 : memref<!tpu.dma_semaphore, #tpu.memory_space<semaphore_mem>>) {add = true}
      %mul3A_208 = arith.constant 4 : i32
      %mul3A_209 = arith.muli %add3A_121, %mul3A_208 : i32
      %add3A_210 = arith.constant 2 : i32
      %add3A_211 = arith.addi %mul3A_209, %add3A_210 : i32
      %dma_start3A_212 = arith.constant 256 : i32
      %dma_start3A_213 = arith.constant 0 : i32
      %dma_start3A_214 = tpu.memref_slice %arg10[%dma_start3A_212, %dma_start3A_213] : memref<512x16xf32, #tpu.memory_space<vmem>> -> memref<128x16xf32, #tpu.memory_space<vmem>>
      %dma_start3A_215 = arith.constant 0 : i32
      %dma_start3A_216 = tpu.memref_slice %arg9[%add3A_211, %dma_start3A_215] : memref<160x128xi32, #tpu.memory_space<vmem>> -> memref<1x128xi32, #tpu.memory_space<vmem>>
      %dma_start3A_217 = tpu.memref_squeeze %dma_start3A_216 : memref<1x128xi32, #tpu.memory_space<vmem>> -> memref<128xi32, #tpu.memory_space<vmem>>
      %dma_start3A_218 = arith.constant 0 : i32
      %dma_start3A_219 = arith.constant 0 : i32
      %dma_start3A_220 = tpu.memref_slice %arg6[%dma_start3A_218, %dma_start3A_219] : memref<10240x16xf32, #tpu.memory_space<vmem_shared>> -> memref<10240x16xf32, #tpu.memory_space<vmem_shared>>
      tpu.enqueue_indirect_dma source(%dma_start3A_214 : memref<128x16xf32, #tpu.memory_space<vmem>>) target(%dma_start3A_220 : memref<10240x16xf32, #tpu.memory_space<vmem_shared>>) offsets(%dma_start3A_217 : memref<128xi32, #tpu.memory_space<vmem>>) semaphore(%arg15 : memref<!tpu.dma_semaphore, #tpu.memory_space<semaphore_mem>>) {add = true}
      %mul3A_221 = arith.constant 4 : i32
      %mul3A_222 = arith.muli %add3A_121, %mul3A_221 : i32
      %add3A_223 = arith.constant 3 : i32
      %add3A_224 = arith.addi %mul3A_222, %add3A_223 : i32
      %dma_start3A_225 = arith.constant 384 : i32
      %dma_start3A_226 = arith.constant 0 : i32
      %dma_start3A_227 = tpu.memref_slice %arg10[%dma_start3A_225, %dma_start3A_226] : memref<512x16xf32, #tpu.memory_space<vmem>> -> memref<128x16xf32, #tpu.memory_space<vmem>>
      %dma_start3A_228 = arith.constant 0 : i32
      %dma_start3A_229 = tpu.memref_slice %arg9[%add3A_224, %dma_start3A_228] : memref<160x128xi32, #tpu.memory_space<vmem>> -> memref<1x128xi32, #tpu.memory_space<vmem>>
      %dma_start3A_230 = tpu.memref_squeeze %dma_start3A_229 : memref<1x128xi32, #tpu.memory_space<vmem>> -> memref<128xi32, #tpu.memory_space<vmem>>
      %dma_start3A_231 = arith.constant 0 : i32
      %dma_start3A_232 = arith.constant 0 : i32
      %dma_start3A_233 = tpu.memref_slice %arg6[%dma_start3A_231, %dma_start3A_232] : memref<10240x16xf32, #tpu.memory_space<vmem_shared>> -> memref<10240x16xf32, #tpu.memory_space<vmem_shared>>
      tpu.enqueue_indirect_dma source(%dma_start3A_227 : memref<128x16xf32, #tpu.memory_space<vmem>>) target(%dma_start3A_233 : memref<10240x16xf32, #tpu.memory_space<vmem_shared>>) offsets(%dma_start3A_230 : memref<128xi32, #tpu.memory_space<vmem>>) semaphore(%arg15 : memref<!tpu.dma_semaphore, #tpu.memory_space<semaphore_mem>>) {add = true}
      %add3A_234 = arith.constant 1 : i32
      %add3A_235 = arith.addi %add3A_119, %add3A_234 : i32
      %ge3A_236 = arith.constant 1 : i32
      %ge3A_237 = arith.cmpi sge, %add3A_235, %ge3A_236 : i32
      %convert_element_type3A_238 = arith.extui %ge3A_237 : i1 to i32
      %cond3A_239 = arith.constant 0 : i32
      %cond3A_240 = arith.cmpi ne, %convert_element_type3A_238, %cond3A_239 : i32
      scf.if %cond3A_240 {
        %sub3A = arith.constant 1 : i32
        %sub3A_352 = arith.subi %add3A_235, %sub3A : i32
        %mul3A_353 = arith.constant 4 : i32
        %mul3A_354 = arith.muli %sub3A_352, %mul3A_353 : i32
        %add3A_355 = arith.constant 0 : i32
        %add3A_356 = arith.addi %mul3A_354, %add3A_355 : i32
        %dma_wait3A_357 = arith.constant 0 : i32
        %dma_wait3A_358 = arith.constant 0 : i32
        %dma_wait3A_359 = tpu.memref_slice %arg10[%dma_wait3A_357, %dma_wait3A_358] : memref<512x16xf32, #tpu.memory_space<vmem>> -> memref<128x16xf32, #tpu.memory_space<vmem>>
        %dma_wait3A_360 = arith.constant 0 : i32
        %dma_wait3A_361 = tpu.memref_slice %arg9[%add3A_356, %dma_wait3A_360] : memref<160x128xi32, #tpu.memory_space<vmem>> -> memref<1x128xi32, #tpu.memory_space<vmem>>
        %dma_wait3A_362 = tpu.memref_squeeze %dma_wait3A_361 : memref<1x128xi32, #tpu.memory_space<vmem>> -> memref<128xi32, #tpu.memory_space<vmem>>
        %dma_wait3A_363 = arith.constant 0 : i32
        %dma_wait3A_364 = arith.constant 0 : i32
        %dma_wait3A_365 = tpu.memref_slice %arg6[%dma_wait3A_363, %dma_wait3A_364] : memref<10240x16xf32, #tpu.memory_space<vmem_shared>> -> memref<10240x16xf32, #tpu.memory_space<vmem_shared>>
        tpu.wait_indirect_dma semaphore(%arg15 : memref<!tpu.dma_semaphore, #tpu.memory_space<semaphore_mem>>) src(%dma_wait3A_359 : memref<128x16xf32, #tpu.memory_space<vmem>>) dst(%dma_wait3A_365 : memref<10240x16xf32, #tpu.memory_space<vmem_shared>>)
        %sub3A_366 = arith.constant 1 : i32
        %sub3A_367 = arith.subi %add3A_235, %sub3A_366 : i32
        %mul3A_368 = arith.constant 4 : i32
        %mul3A_369 = arith.muli %sub3A_367, %mul3A_368 : i32
        %add3A_370 = arith.constant 1 : i32
        %add3A_371 = arith.addi %mul3A_369, %add3A_370 : i32
        %dma_wait3A_372 = arith.constant 128 : i32
        %dma_wait3A_373 = arith.constant 0 : i32
        %dma_wait3A_374 = tpu.memref_slice %arg10[%dma_wait3A_372, %dma_wait3A_373] : memref<512x16xf32, #tpu.memory_space<vmem>> -> memref<128x16xf32, #tpu.memory_space<vmem>>
        %dma_wait3A_375 = arith.constant 0 : i32
        %dma_wait3A_376 = tpu.memref_slice %arg9[%add3A_371, %dma_wait3A_375] : memref<160x128xi32, #tpu.memory_space<vmem>> -> memref<1x128xi32, #tpu.memory_space<vmem>>
        %dma_wait3A_377 = tpu.memref_squeeze %dma_wait3A_376 : memref<1x128xi32, #tpu.memory_space<vmem>> -> memref<128xi32, #tpu.memory_space<vmem>>
        %dma_wait3A_378 = arith.constant 0 : i32
        %dma_wait3A_379 = arith.constant 0 : i32
        %dma_wait3A_380 = tpu.memref_slice %arg6[%dma_wait3A_378, %dma_wait3A_379] : memref<10240x16xf32, #tpu.memory_space<vmem_shared>> -> memref<10240x16xf32, #tpu.memory_space<vmem_shared>>
        tpu.wait_indirect_dma semaphore(%arg15 : memref<!tpu.dma_semaphore, #tpu.memory_space<semaphore_mem>>) src(%dma_wait3A_374 : memref<128x16xf32, #tpu.memory_space<vmem>>) dst(%dma_wait3A_380 : memref<10240x16xf32, #tpu.memory_space<vmem_shared>>)
        %sub3A_381 = arith.constant 1 : i32
        %sub3A_382 = arith.subi %add3A_235, %sub3A_381 : i32
        %mul3A_383 = arith.constant 4 : i32
        %mul3A_384 = arith.muli %sub3A_382, %mul3A_383 : i32
        %add3A_385 = arith.constant 2 : i32
        %add3A_386 = arith.addi %mul3A_384, %add3A_385 : i32
        %dma_wait3A_387 = arith.constant 256 : i32
        %dma_wait3A_388 = arith.constant 0 : i32
        %dma_wait3A_389 = tpu.memref_slice %arg10[%dma_wait3A_387, %dma_wait3A_388] : memref<512x16xf32, #tpu.memory_space<vmem>> -> memref<128x16xf32, #tpu.memory_space<vmem>>
        %dma_wait3A_390 = arith.constant 0 : i32
        %dma_wait3A_391 = tpu.memref_slice %arg9[%add3A_386, %dma_wait3A_390] : memref<160x128xi32, #tpu.memory_space<vmem>> -> memref<1x128xi32, #tpu.memory_space<vmem>>
        %dma_wait3A_392 = tpu.memref_squeeze %dma_wait3A_391 : memref<1x128xi32, #tpu.memory_space<vmem>> -> memref<128xi32, #tpu.memory_space<vmem>>
        %dma_wait3A_393 = arith.constant 0 : i32
        %dma_wait3A_394 = arith.constant 0 : i32
        %dma_wait3A_395 = tpu.memref_slice %arg6[%dma_wait3A_393, %dma_wait3A_394] : memref<10240x16xf32, #tpu.memory_space<vmem_shared>> -> memref<10240x16xf32, #tpu.memory_space<vmem_shared>>
        tpu.wait_indirect_dma semaphore(%arg15 : memref<!tpu.dma_semaphore, #tpu.memory_space<semaphore_mem>>) src(%dma_wait3A_389 : memref<128x16xf32, #tpu.memory_space<vmem>>) dst(%dma_wait3A_395 : memref<10240x16xf32, #tpu.memory_space<vmem_shared>>)
        %sub3A_396 = arith.constant 1 : i32
        %sub3A_397 = arith.subi %add3A_235, %sub3A_396 : i32
        %mul3A_398 = arith.constant 4 : i32
        %mul3A_399 = arith.muli %sub3A_397, %mul3A_398 : i32
        %add3A_400 = arith.constant 3 : i32
        %add3A_401 = arith.addi %mul3A_399, %add3A_400 : i32
        %dma_wait3A_402 = arith.constant 384 : i32
        %dma_wait3A_403 = arith.constant 0 : i32
        %dma_wait3A_404 = tpu.memref_slice %arg10[%dma_wait3A_402, %dma_wait3A_403] : memref<512x16xf32, #tpu.memory_space<vmem>> -> memref<128x16xf32, #tpu.memory_space<vmem>>
        %dma_wait3A_405 = arith.constant 0 : i32
        %dma_wait3A_406 = tpu.memref_slice %arg9[%add3A_401, %dma_wait3A_405] : memref<160x128xi32, #tpu.memory_space<vmem>> -> memref<1x128xi32, #tpu.memory_space<vmem>>
        %dma_wait3A_407 = tpu.memref_squeeze %dma_wait3A_406 : memref<1x128xi32, #tpu.memory_space<vmem>> -> memref<128xi32, #tpu.memory_space<vmem>>
        %dma_wait3A_408 = arith.constant 0 : i32
        %dma_wait3A_409 = arith.constant 0 : i32
        %dma_wait3A_410 = tpu.memref_slice %arg6[%dma_wait3A_408, %dma_wait3A_409] : memref<10240x16xf32, #tpu.memory_space<vmem_shared>> -> memref<10240x16xf32, #tpu.memory_space<vmem_shared>>
        tpu.wait_indirect_dma semaphore(%arg15 : memref<!tpu.dma_semaphore, #tpu.memory_space<semaphore_mem>>) src(%dma_wait3A_404 : memref<128x16xf32, #tpu.memory_space<vmem>>) dst(%dma_wait3A_410 : memref<10240x16xf32, #tpu.memory_space<vmem_shared>>)
      } else {
      }
      %add3A_241 = arith.constant 1 : i32
      %add3A_242 = arith.addi %add3A_235, %add3A_241 : i32
      %lt3A_243 = arith.constant 40 : i32
      %lt3A_244 = arith.cmpi slt, %add3A_242, %lt3A_243 : i32
      %convert_element_type3A_245 = arith.extui %lt3A_244 : i1 to i32
      %cond3A_246 = arith.constant 0 : i32
      %cond3A_247 = arith.cmpi ne, %convert_element_type3A_245, %cond3A_246 : i32
      scf.if %cond3A_247 {
        %add3A_352 = arith.constant 1 : i32
        %add3A_353 = arith.addi %add3A_235, %add3A_352 : i32
        %mul3A_354 = arith.constant 4 : i32
        %mul3A_355 = arith.muli %add3A_353, %mul3A_354 : i32
        %add3A_356 = arith.constant 0 : i32
        %add3A_357 = arith.addi %mul3A_355, %add3A_356 : i32
        %dma_start3A_358 = arith.constant 0 : i32
        %dma_start3A_359 = arith.constant 0 : i32
        %dma_start3A_360 = tpu.memref_slice %arg10[%dma_start3A_358, %dma_start3A_359] : memref<512x16xf32, #tpu.memory_space<vmem>> -> memref<128x16xf32, #tpu.memory_space<vmem>>
        %dma_start3A_361 = arith.constant 0 : i32
        %dma_start3A_362 = tpu.memref_slice %arg8[%add3A_357, %dma_start3A_361] : memref<160x128xi32, #tpu.memory_space<vmem>> -> memref<1x128xi32, #tpu.memory_space<vmem>>
        %dma_start3A_363 = tpu.memref_squeeze %dma_start3A_362 : memref<1x128xi32, #tpu.memory_space<vmem>> -> memref<128xi32, #tpu.memory_space<vmem>>
        %dma_start3A_364 = arith.constant 0 : i32
        %dma_start3A_365 = arith.constant 0 : i32
        %dma_start3A_366 = tpu.memref_slice %arg7[%dma_start3A_364, %dma_start3A_365] : memref<10240x16xf32, #tpu.memory_space<vmem_shared>> -> memref<10240x16xf32, #tpu.memory_space<vmem_shared>>
        tpu.enqueue_indirect_dma source(%dma_start3A_366 : memref<10240x16xf32, #tpu.memory_space<vmem_shared>>) target(%dma_start3A_360 : memref<128x16xf32, #tpu.memory_space<vmem>>) offsets(%dma_start3A_363 : memref<128xi32, #tpu.memory_space<vmem>>) semaphore(%arg13 : memref<!tpu.dma_semaphore, #tpu.memory_space<semaphore_mem>>)
        %add3A_367 = arith.constant 1 : i32
        %add3A_368 = arith.addi %add3A_235, %add3A_367 : i32
        %mul3A_369 = arith.constant 4 : i32
        %mul3A_370 = arith.muli %add3A_368, %mul3A_369 : i32
        %add3A_371 = arith.constant 1 : i32
        %add3A_372 = arith.addi %mul3A_370, %add3A_371 : i32
        %dma_start3A_373 = arith.constant 128 : i32
        %dma_start3A_374 = arith.constant 0 : i32
        %dma_start3A_375 = tpu.memref_slice %arg10[%dma_start3A_373, %dma_start3A_374] : memref<512x16xf32, #tpu.memory_space<vmem>> -> memref<128x16xf32, #tpu.memory_space<vmem>>
        %dma_start3A_376 = arith.constant 0 : i32
        %dma_start3A_377 = tpu.memref_slice %arg8[%add3A_372, %dma_start3A_376] : memref<160x128xi32, #tpu.memory_space<vmem>> -> memref<1x128xi32, #tpu.memory_space<vmem>>
        %dma_start3A_378 = tpu.memref_squeeze %dma_start3A_377 : memref<1x128xi32, #tpu.memory_space<vmem>> -> memref<128xi32, #tpu.memory_space<vmem>>
        %dma_start3A_379 = arith.constant 0 : i32
        %dma_start3A_380 = arith.constant 0 : i32
        %dma_start3A_381 = tpu.memref_slice %arg7[%dma_start3A_379, %dma_start3A_380] : memref<10240x16xf32, #tpu.memory_space<vmem_shared>> -> memref<10240x16xf32, #tpu.memory_space<vmem_shared>>
        tpu.enqueue_indirect_dma source(%dma_start3A_381 : memref<10240x16xf32, #tpu.memory_space<vmem_shared>>) target(%dma_start3A_375 : memref<128x16xf32, #tpu.memory_space<vmem>>) offsets(%dma_start3A_378 : memref<128xi32, #tpu.memory_space<vmem>>) semaphore(%arg13 : memref<!tpu.dma_semaphore, #tpu.memory_space<semaphore_mem>>)
        %add3A_382 = arith.constant 1 : i32
        %add3A_383 = arith.addi %add3A_235, %add3A_382 : i32
        %mul3A_384 = arith.constant 4 : i32
        %mul3A_385 = arith.muli %add3A_383, %mul3A_384 : i32
        %add3A_386 = arith.constant 2 : i32
        %add3A_387 = arith.addi %mul3A_385, %add3A_386 : i32
        %dma_start3A_388 = arith.constant 256 : i32
        %dma_start3A_389 = arith.constant 0 : i32
        %dma_start3A_390 = tpu.memref_slice %arg10[%dma_start3A_388, %dma_start3A_389] : memref<512x16xf32, #tpu.memory_space<vmem>> -> memref<128x16xf32, #tpu.memory_space<vmem>>
        %dma_start3A_391 = arith.constant 0 : i32
        %dma_start3A_392 = tpu.memref_slice %arg8[%add3A_387, %dma_start3A_391] : memref<160x128xi32, #tpu.memory_space<vmem>> -> memref<1x128xi32, #tpu.memory_space<vmem>>
        %dma_start3A_393 = tpu.memref_squeeze %dma_start3A_392 : memref<1x128xi32, #tpu.memory_space<vmem>> -> memref<128xi32, #tpu.memory_space<vmem>>
        %dma_start3A_394 = arith.constant 0 : i32
        %dma_start3A_395 = arith.constant 0 : i32
        %dma_start3A_396 = tpu.memref_slice %arg7[%dma_start3A_394, %dma_start3A_395] : memref<10240x16xf32, #tpu.memory_space<vmem_shared>> -> memref<10240x16xf32, #tpu.memory_space<vmem_shared>>
        tpu.enqueue_indirect_dma source(%dma_start3A_396 : memref<10240x16xf32, #tpu.memory_space<vmem_shared>>) target(%dma_start3A_390 : memref<128x16xf32, #tpu.memory_space<vmem>>) offsets(%dma_start3A_393 : memref<128xi32, #tpu.memory_space<vmem>>) semaphore(%arg13 : memref<!tpu.dma_semaphore, #tpu.memory_space<semaphore_mem>>)
        %add3A_397 = arith.constant 1 : i32
        %add3A_398 = arith.addi %add3A_235, %add3A_397 : i32
        %mul3A_399 = arith.constant 4 : i32
        %mul3A_400 = arith.muli %add3A_398, %mul3A_399 : i32
        %add3A_401 = arith.constant 3 : i32
        %add3A_402 = arith.addi %mul3A_400, %add3A_401 : i32
        %dma_start3A_403 = arith.constant 384 : i32
        %dma_start3A_404 = arith.constant 0 : i32
        %dma_start3A_405 = tpu.memref_slice %arg10[%dma_start3A_403, %dma_start3A_404] : memref<512x16xf32, #tpu.memory_space<vmem>> -> memref<128x16xf32, #tpu.memory_space<vmem>>
        %dma_start3A_406 = arith.constant 0 : i32
        %dma_start3A_407 = tpu.memref_slice %arg8[%add3A_402, %dma_start3A_406] : memref<160x128xi32, #tpu.memory_space<vmem>> -> memref<1x128xi32, #tpu.memory_space<vmem>>
        %dma_start3A_408 = tpu.memref_squeeze %dma_start3A_407 : memref<1x128xi32, #tpu.memory_space<vmem>> -> memref<128xi32, #tpu.memory_space<vmem>>
        %dma_start3A_409 = arith.constant 0 : i32
        %dma_start3A_410 = arith.constant 0 : i32
        %dma_start3A_411 = tpu.memref_slice %arg7[%dma_start3A_409, %dma_start3A_410] : memref<10240x16xf32, #tpu.memory_space<vmem_shared>> -> memref<10240x16xf32, #tpu.memory_space<vmem_shared>>
        tpu.enqueue_indirect_dma source(%dma_start3A_411 : memref<10240x16xf32, #tpu.memory_space<vmem_shared>>) target(%dma_start3A_405 : memref<128x16xf32, #tpu.memory_space<vmem>>) offsets(%dma_start3A_408 : memref<128xi32, #tpu.memory_space<vmem>>) semaphore(%arg13 : memref<!tpu.dma_semaphore, #tpu.memory_space<semaphore_mem>>)
      } else {
      }
      %mul3A_248 = arith.constant 4 : i32
      %mul3A_249 = arith.muli %add3A_235, %mul3A_248 : i32
      %add3A_250 = arith.constant 0 : i32
      %add3A_251 = arith.addi %mul3A_249, %add3A_250 : i32
      %dma_wait3A_252 = arith.constant 0 : i32
      %dma_wait3A_253 = arith.constant 0 : i32
      %dma_wait3A_254 = tpu.memref_slice %arg11[%dma_wait3A_252, %dma_wait3A_253] : memref<512x16xf32, #tpu.memory_space<vmem>> -> memref<128x16xf32, #tpu.memory_space<vmem>>
      %dma_wait3A_255 = arith.constant 0 : i32
      %dma_wait3A_256 = tpu.memref_slice %arg8[%add3A_251, %dma_wait3A_255] : memref<160x128xi32, #tpu.memory_space<vmem>> -> memref<1x128xi32, #tpu.memory_space<vmem>>
      %dma_wait3A_257 = tpu.memref_squeeze %dma_wait3A_256 : memref<1x128xi32, #tpu.memory_space<vmem>> -> memref<128xi32, #tpu.memory_space<vmem>>
      %dma_wait3A_258 = arith.constant 0 : i32
      %dma_wait3A_259 = arith.constant 0 : i32
      %dma_wait3A_260 = tpu.memref_slice %arg7[%dma_wait3A_258, %dma_wait3A_259] : memref<10240x16xf32, #tpu.memory_space<vmem_shared>> -> memref<10240x16xf32, #tpu.memory_space<vmem_shared>>
      tpu.wait_indirect_dma semaphore(%arg14 : memref<!tpu.dma_semaphore, #tpu.memory_space<semaphore_mem>>) src(%dma_wait3A_260 : memref<10240x16xf32, #tpu.memory_space<vmem_shared>>) dst(%dma_wait3A_254 : memref<128x16xf32, #tpu.memory_space<vmem>>)
      %mul3A_261 = arith.constant 4 : i32
      %mul3A_262 = arith.muli %add3A_235, %mul3A_261 : i32
      %add3A_263 = arith.constant 1 : i32
      %add3A_264 = arith.addi %mul3A_262, %add3A_263 : i32
      %dma_wait3A_265 = arith.constant 128 : i32
      %dma_wait3A_266 = arith.constant 0 : i32
      %dma_wait3A_267 = tpu.memref_slice %arg11[%dma_wait3A_265, %dma_wait3A_266] : memref<512x16xf32, #tpu.memory_space<vmem>> -> memref<128x16xf32, #tpu.memory_space<vmem>>
      %dma_wait3A_268 = arith.constant 0 : i32
      %dma_wait3A_269 = tpu.memref_slice %arg8[%add3A_264, %dma_wait3A_268] : memref<160x128xi32, #tpu.memory_space<vmem>> -> memref<1x128xi32, #tpu.memory_space<vmem>>
      %dma_wait3A_270 = tpu.memref_squeeze %dma_wait3A_269 : memref<1x128xi32, #tpu.memory_space<vmem>> -> memref<128xi32, #tpu.memory_space<vmem>>
      %dma_wait3A_271 = arith.constant 0 : i32
      %dma_wait3A_272 = arith.constant 0 : i32
      %dma_wait3A_273 = tpu.memref_slice %arg7[%dma_wait3A_271, %dma_wait3A_272] : memref<10240x16xf32, #tpu.memory_space<vmem_shared>> -> memref<10240x16xf32, #tpu.memory_space<vmem_shared>>
      tpu.wait_indirect_dma semaphore(%arg14 : memref<!tpu.dma_semaphore, #tpu.memory_space<semaphore_mem>>) src(%dma_wait3A_273 : memref<10240x16xf32, #tpu.memory_space<vmem_shared>>) dst(%dma_wait3A_267 : memref<128x16xf32, #tpu.memory_space<vmem>>)
      %mul3A_274 = arith.constant 4 : i32
      %mul3A_275 = arith.muli %add3A_235, %mul3A_274 : i32
      %add3A_276 = arith.constant 2 : i32
      %add3A_277 = arith.addi %mul3A_275, %add3A_276 : i32
      %dma_wait3A_278 = arith.constant 256 : i32
      %dma_wait3A_279 = arith.constant 0 : i32
      %dma_wait3A_280 = tpu.memref_slice %arg11[%dma_wait3A_278, %dma_wait3A_279] : memref<512x16xf32, #tpu.memory_space<vmem>> -> memref<128x16xf32, #tpu.memory_space<vmem>>
      %dma_wait3A_281 = arith.constant 0 : i32
      %dma_wait3A_282 = tpu.memref_slice %arg8[%add3A_277, %dma_wait3A_281] : memref<160x128xi32, #tpu.memory_space<vmem>> -> memref<1x128xi32, #tpu.memory_space<vmem>>
      %dma_wait3A_283 = tpu.memref_squeeze %dma_wait3A_282 : memref<1x128xi32, #tpu.memory_space<vmem>> -> memref<128xi32, #tpu.memory_space<vmem>>
      %dma_wait3A_284 = arith.constant 0 : i32
      %dma_wait3A_285 = arith.constant 0 : i32
      %dma_wait3A_286 = tpu.memref_slice %arg7[%dma_wait3A_284, %dma_wait3A_285] : memref<10240x16xf32, #tpu.memory_space<vmem_shared>> -> memref<10240x16xf32, #tpu.memory_space<vmem_shared>>
      tpu.wait_indirect_dma semaphore(%arg14 : memref<!tpu.dma_semaphore, #tpu.memory_space<semaphore_mem>>) src(%dma_wait3A_286 : memref<10240x16xf32, #tpu.memory_space<vmem_shared>>) dst(%dma_wait3A_280 : memref<128x16xf32, #tpu.memory_space<vmem>>)
      %mul3A_287 = arith.constant 4 : i32
      %mul3A_288 = arith.muli %add3A_235, %mul3A_287 : i32
      %add3A_289 = arith.constant 3 : i32
      %add3A_290 = arith.addi %mul3A_288, %add3A_289 : i32
      %dma_wait3A_291 = arith.constant 384 : i32
      %dma_wait3A_292 = arith.constant 0 : i32
      %dma_wait3A_293 = tpu.memref_slice %arg11[%dma_wait3A_291, %dma_wait3A_292] : memref<512x16xf32, #tpu.memory_space<vmem>> -> memref<128x16xf32, #tpu.memory_space<vmem>>
      %dma_wait3A_294 = arith.constant 0 : i32
      %dma_wait3A_295 = tpu.memref_slice %arg8[%add3A_290, %dma_wait3A_294] : memref<160x128xi32, #tpu.memory_space<vmem>> -> memref<1x128xi32, #tpu.memory_space<vmem>>
      %dma_wait3A_296 = tpu.memref_squeeze %dma_wait3A_295 : memref<1x128xi32, #tpu.memory_space<vmem>> -> memref<128xi32, #tpu.memory_space<vmem>>
      %dma_wait3A_297 = arith.constant 0 : i32
      %dma_wait3A_298 = arith.constant 0 : i32
      %dma_wait3A_299 = tpu.memref_slice %arg7[%dma_wait3A_297, %dma_wait3A_298] : memref<10240x16xf32, #tpu.memory_space<vmem_shared>> -> memref<10240x16xf32, #tpu.memory_space<vmem_shared>>
      tpu.wait_indirect_dma semaphore(%arg14 : memref<!tpu.dma_semaphore, #tpu.memory_space<semaphore_mem>>) src(%dma_wait3A_299 : memref<10240x16xf32, #tpu.memory_space<vmem_shared>>) dst(%dma_wait3A_293 : memref<128x16xf32, #tpu.memory_space<vmem>>)
      %mul3A_300 = arith.constant 4 : i32
      %mul3A_301 = arith.muli %add3A_235, %mul3A_300 : i32
      %add3A_302 = arith.constant 0 : i32
      %add3A_303 = arith.addi %mul3A_301, %add3A_302 : i32
      %dma_start3A_304 = arith.constant 0 : i32
      %dma_start3A_305 = arith.constant 0 : i32
      %dma_start3A_306 = tpu.memref_slice %arg11[%dma_start3A_304, %dma_start3A_305] : memref<512x16xf32, #tpu.memory_space<vmem>> -> memref<128x16xf32, #tpu.memory_space<vmem>>
      %dma_start3A_307 = arith.constant 0 : i32
      %dma_start3A_308 = tpu.memref_slice %arg9[%add3A_303, %dma_start3A_307] : memref<160x128xi32, #tpu.memory_space<vmem>> -> memref<1x128xi32, #tpu.memory_space<vmem>>
      %dma_start3A_309 = tpu.memref_squeeze %dma_start3A_308 : memref<1x128xi32, #tpu.memory_space<vmem>> -> memref<128xi32, #tpu.memory_space<vmem>>
      %dma_start3A_310 = arith.constant 0 : i32
      %dma_start3A_311 = arith.constant 0 : i32
      %dma_start3A_312 = tpu.memref_slice %arg6[%dma_start3A_310, %dma_start3A_311] : memref<10240x16xf32, #tpu.memory_space<vmem_shared>> -> memref<10240x16xf32, #tpu.memory_space<vmem_shared>>
      tpu.enqueue_indirect_dma source(%dma_start3A_306 : memref<128x16xf32, #tpu.memory_space<vmem>>) target(%dma_start3A_312 : memref<10240x16xf32, #tpu.memory_space<vmem_shared>>) offsets(%dma_start3A_309 : memref<128xi32, #tpu.memory_space<vmem>>) semaphore(%arg16 : memref<!tpu.dma_semaphore, #tpu.memory_space<semaphore_mem>>) {add = true}
      %mul3A_313 = arith.constant 4 : i32
      %mul3A_314 = arith.muli %add3A_235, %mul3A_313 : i32
      %add3A_315 = arith.constant 1 : i32
      %add3A_316 = arith.addi %mul3A_314, %add3A_315 : i32
      %dma_start3A_317 = arith.constant 128 : i32
      %dma_start3A_318 = arith.constant 0 : i32
      %dma_start3A_319 = tpu.memref_slice %arg11[%dma_start3A_317, %dma_start3A_318] : memref<512x16xf32, #tpu.memory_space<vmem>> -> memref<128x16xf32, #tpu.memory_space<vmem>>
      %dma_start3A_320 = arith.constant 0 : i32
      %dma_start3A_321 = tpu.memref_slice %arg9[%add3A_316, %dma_start3A_320] : memref<160x128xi32, #tpu.memory_space<vmem>> -> memref<1x128xi32, #tpu.memory_space<vmem>>
      %dma_start3A_322 = tpu.memref_squeeze %dma_start3A_321 : memref<1x128xi32, #tpu.memory_space<vmem>> -> memref<128xi32, #tpu.memory_space<vmem>>
      %dma_start3A_323 = arith.constant 0 : i32
      %dma_start3A_324 = arith.constant 0 : i32
      %dma_start3A_325 = tpu.memref_slice %arg6[%dma_start3A_323, %dma_start3A_324] : memref<10240x16xf32, #tpu.memory_space<vmem_shared>> -> memref<10240x16xf32, #tpu.memory_space<vmem_shared>>
      tpu.enqueue_indirect_dma source(%dma_start3A_319 : memref<128x16xf32, #tpu.memory_space<vmem>>) target(%dma_start3A_325 : memref<10240x16xf32, #tpu.memory_space<vmem_shared>>) offsets(%dma_start3A_322 : memref<128xi32, #tpu.memory_space<vmem>>) semaphore(%arg16 : memref<!tpu.dma_semaphore, #tpu.memory_space<semaphore_mem>>) {add = true}
      %mul3A_326 = arith.constant 4 : i32
      %mul3A_327 = arith.muli %add3A_235, %mul3A_326 : i32
      %add3A_328 = arith.constant 2 : i32
      %add3A_329 = arith.addi %mul3A_327, %add3A_328 : i32
      %dma_start3A_330 = arith.constant 256 : i32
      %dma_start3A_331 = arith.constant 0 : i32
      %dma_start3A_332 = tpu.memref_slice %arg11[%dma_start3A_330, %dma_start3A_331] : memref<512x16xf32, #tpu.memory_space<vmem>> -> memref<128x16xf32, #tpu.memory_space<vmem>>
      %dma_start3A_333 = arith.constant 0 : i32
      %dma_start3A_334 = tpu.memref_slice %arg9[%add3A_329, %dma_start3A_333] : memref<160x128xi32, #tpu.memory_space<vmem>> -> memref<1x128xi32, #tpu.memory_space<vmem>>
      %dma_start3A_335 = tpu.memref_squeeze %dma_start3A_334 : memref<1x128xi32, #tpu.memory_space<vmem>> -> memref<128xi32, #tpu.memory_space<vmem>>
      %dma_start3A_336 = arith.constant 0 : i32
      %dma_start3A_337 = arith.constant 0 : i32
      %dma_start3A_338 = tpu.memref_slice %arg6[%dma_start3A_336, %dma_start3A_337] : memref<10240x16xf32, #tpu.memory_space<vmem_shared>> -> memref<10240x16xf32, #tpu.memory_space<vmem_shared>>
      tpu.enqueue_indirect_dma source(%dma_start3A_332 : memref<128x16xf32, #tpu.memory_space<vmem>>) target(%dma_start3A_338 : memref<10240x16xf32, #tpu.memory_space<vmem_shared>>) offsets(%dma_start3A_335 : memref<128xi32, #tpu.memory_space<vmem>>) semaphore(%arg16 : memref<!tpu.dma_semaphore, #tpu.memory_space<semaphore_mem>>) {add = true}
      %mul3A_339 = arith.constant 4 : i32
      %mul3A_340 = arith.muli %add3A_235, %mul3A_339 : i32
      %add3A_341 = arith.constant 3 : i32
      %add3A_342 = arith.addi %mul3A_340, %add3A_341 : i32
      %dma_start3A_343 = arith.constant 384 : i32
      %dma_start3A_344 = arith.constant 0 : i32
      %dma_start3A_345 = tpu.memref_slice %arg11[%dma_start3A_343, %dma_start3A_344] : memref<512x16xf32, #tpu.memory_space<vmem>> -> memref<128x16xf32, #tpu.memory_space<vmem>>
      %dma_start3A_346 = arith.constant 0 : i32
      %dma_start3A_347 = tpu.memref_slice %arg9[%add3A_342, %dma_start3A_346] : memref<160x128xi32, #tpu.memory_space<vmem>> -> memref<1x128xi32, #tpu.memory_space<vmem>>
      %dma_start3A_348 = tpu.memref_squeeze %dma_start3A_347 : memref<1x128xi32, #tpu.memory_space<vmem>> -> memref<128xi32, #tpu.memory_space<vmem>>
      %dma_start3A_349 = arith.constant 0 : i32
      %dma_start3A_350 = arith.constant 0 : i32
      %dma_start3A_351 = tpu.memref_slice %arg6[%dma_start3A_349, %dma_start3A_350] : memref<10240x16xf32, #tpu.memory_space<vmem_shared>> -> memref<10240x16xf32, #tpu.memory_space<vmem_shared>>
      tpu.enqueue_indirect_dma source(%dma_start3A_345 : memref<128x16xf32, #tpu.memory_space<vmem>>) target(%dma_start3A_351 : memref<10240x16xf32, #tpu.memory_space<vmem_shared>>) offsets(%dma_start3A_348 : memref<128xi32, #tpu.memory_space<vmem>>) semaphore(%arg16 : memref<!tpu.dma_semaphore, #tpu.memory_space<semaphore_mem>>) {add = true}
    }
    %scan3A_74 = arith.constant 20 : i32
    %dma_wait3A_75 = arith.constant 156 : i32
    %dma_wait3A_76 = arith.constant 0 : i32
    %dma_wait3A_77 = arith.constant 0 : i32
    %dma_wait3A_78 = tpu.memref_slice %arg11[%dma_wait3A_76, %dma_wait3A_77] : memref<512x16xf32, #tpu.memory_space<vmem>> -> memref<128x16xf32, #tpu.memory_space<vmem>>
    %dma_wait3A_79 = arith.constant 0 : i32
    %dma_wait3A_80 = tpu.memref_slice %arg9[%dma_wait3A_75, %dma_wait3A_79] : memref<160x128xi32, #tpu.memory_space<vmem>> -> memref<1x128xi32, #tpu.memory_space<vmem>>
    %dma_wait3A_81 = tpu.memref_squeeze %dma_wait3A_80 : memref<1x128xi32, #tpu.memory_space<vmem>> -> memref<128xi32, #tpu.memory_space<vmem>>
    %dma_wait3A_82 = arith.constant 0 : i32
    %dma_wait3A_83 = arith.constant 0 : i32
    %dma_wait3A_84 = tpu.memref_slice %arg6[%dma_wait3A_82, %dma_wait3A_83] : memref<10240x16xf32, #tpu.memory_space<vmem_shared>> -> memref<10240x16xf32, #tpu.memory_space<vmem_shared>>
    tpu.wait_indirect_dma semaphore(%arg16 : memref<!tpu.dma_semaphore, #tpu.memory_space<semaphore_mem>>) src(%dma_wait3A_78 : memref<128x16xf32, #tpu.memory_space<vmem>>) dst(%dma_wait3A_84 : memref<10240x16xf32, #tpu.memory_space<vmem_shared>>)
    %dma_wait3A_85 = arith.constant 157 : i32
    %dma_wait3A_86 = arith.constant 128 : i32
    %dma_wait3A_87 = arith.constant 0 : i32
    %dma_wait3A_88 = tpu.memref_slice %arg11[%dma_wait3A_86, %dma_wait3A_87] : memref<512x16xf32, #tpu.memory_space<vmem>> -> memref<128x16xf32, #tpu.memory_space<vmem>>
    %dma_wait3A_89 = arith.constant 0 : i32
    %dma_wait3A_90 = tpu.memref_slice %arg9[%dma_wait3A_85, %dma_wait3A_89] : memref<160x128xi32, #tpu.memory_space<vmem>> -> memref<1x128xi32, #tpu.memory_space<vmem>>
    %dma_wait3A_91 = tpu.memref_squeeze %dma_wait3A_90 : memref<1x128xi32, #tpu.memory_space<vmem>> -> memref<128xi32, #tpu.memory_space<vmem>>
    %dma_wait3A_92 = arith.constant 0 : i32
    %dma_wait3A_93 = arith.constant 0 : i32
    %dma_wait3A_94 = tpu.memref_slice %arg6[%dma_wait3A_92, %dma_wait3A_93] : memref<10240x16xf32, #tpu.memory_space<vmem_shared>> -> memref<10240x16xf32, #tpu.memory_space<vmem_shared>>
    tpu.wait_indirect_dma semaphore(%arg16 : memref<!tpu.dma_semaphore, #tpu.memory_space<semaphore_mem>>) src(%dma_wait3A_88 : memref<128x16xf32, #tpu.memory_space<vmem>>) dst(%dma_wait3A_94 : memref<10240x16xf32, #tpu.memory_space<vmem_shared>>)
    %dma_wait3A_95 = arith.constant 158 : i32
    %dma_wait3A_96 = arith.constant 256 : i32
    %dma_wait3A_97 = arith.constant 0 : i32
    %dma_wait3A_98 = tpu.memref_slice %arg11[%dma_wait3A_96, %dma_wait3A_97] : memref<512x16xf32, #tpu.memory_space<vmem>> -> memref<128x16xf32, #tpu.memory_space<vmem>>
    %dma_wait3A_99 = arith.constant 0 : i32
    %dma_wait3A_100 = tpu.memref_slice %arg9[%dma_wait3A_95, %dma_wait3A_99] : memref<160x128xi32, #tpu.memory_space<vmem>> -> memref<1x128xi32, #tpu.memory_space<vmem>>
    %dma_wait3A_101 = tpu.memref_squeeze %dma_wait3A_100 : memref<1x128xi32, #tpu.memory_space<vmem>> -> memref<128xi32, #tpu.memory_space<vmem>>
    %dma_wait3A_102 = arith.constant 0 : i32
    %dma_wait3A_103 = arith.constant 0 : i32
    %dma_wait3A_104 = tpu.memref_slice %arg6[%dma_wait3A_102, %dma_wait3A_103] : memref<10240x16xf32, #tpu.memory_space<vmem_shared>> -> memref<10240x16xf32, #tpu.memory_space<vmem_shared>>
    tpu.wait_indirect_dma semaphore(%arg16 : memref<!tpu.dma_semaphore, #tpu.memory_space<semaphore_mem>>) src(%dma_wait3A_98 : memref<128x16xf32, #tpu.memory_space<vmem>>) dst(%dma_wait3A_104 : memref<10240x16xf32, #tpu.memory_space<vmem_shared>>)
    %dma_wait3A_105 = arith.constant 159 : i32
    %dma_wait3A_106 = arith.constant 384 : i32
    %dma_wait3A_107 = arith.constant 0 : i32
    %dma_wait3A_108 = tpu.memref_slice %arg11[%dma_wait3A_106, %dma_wait3A_107] : memref<512x16xf32, #tpu.memory_space<vmem>> -> memref<128x16xf32, #tpu.memory_space<vmem>>
    %dma_wait3A_109 = arith.constant 0 : i32
    %dma_wait3A_110 = tpu.memref_slice %arg9[%dma_wait3A_105, %dma_wait3A_109] : memref<160x128xi32, #tpu.memory_space<vmem>> -> memref<1x128xi32, #tpu.memory_space<vmem>>
    %dma_wait3A_111 = tpu.memref_squeeze %dma_wait3A_110 : memref<1x128xi32, #tpu.memory_space<vmem>> -> memref<128xi32, #tpu.memory_space<vmem>>
    %dma_wait3A_112 = arith.constant 0 : i32
    %dma_wait3A_113 = arith.constant 0 : i32
    %dma_wait3A_114 = tpu.memref_slice %arg6[%dma_wait3A_112, %dma_wait3A_113] : memref<10240x16xf32, #tpu.memory_space<vmem_shared>> -> memref<10240x16xf32, #tpu.memory_space<vmem_shared>>
    tpu.wait_indirect_dma semaphore(%arg16 : memref<!tpu.dma_semaphore, #tpu.memory_space<semaphore_mem>>) src(%dma_wait3A_108 : memref<128x16xf32, #tpu.memory_space<vmem>>) dst(%dma_wait3A_114 : memref<10240x16xf32, #tpu.memory_space<vmem_shared>>)
    %barrier3A_115 = arith.constant 0 : index
    tpu.barrier barrier_id(%barrier3A_115)
    "tpu.region"() ({
      %run_scoped3A = tpu.sem_alloc : memref<!tpu.dma_semaphore, #tpu.memory_space<semaphore_mem>>
      %dma_start3A_116 = tpu.memref_slice %arg5[%mul3A_0, %mul3A_4] : memref<10240x32xf32, #tpu.memory_space<hbm>> -> memref<640x16xf32, #tpu.memory_space<hbm>>
      %dma_start3A_117 = arith.constant 0 : i32
      %dma_start3A_118 = tpu.memref_slice %arg6[%mul3A_0, %dma_start3A_117] : memref<10240x16xf32, #tpu.memory_space<vmem_shared>> -> memref<640x16xf32, #tpu.memory_space<vmem_shared>>
      tpu.enqueue_dma source(%dma_start3A_118 : memref<640x16xf32, #tpu.memory_space<vmem_shared>>) target(%dma_start3A_116 : memref<640x16xf32, #tpu.memory_space<hbm>>) target_semaphore(%run_scoped3A : memref<!tpu.dma_semaphore, #tpu.memory_space<semaphore_mem>>)
      %dma_wait3A_119 = tpu.memref_slice %arg5[%mul3A_0, %mul3A_4] : memref<10240x32xf32, #tpu.memory_space<hbm>> -> memref<640x16xf32, #tpu.memory_space<hbm>>
      %dma_wait3A_120 = arith.constant 0 : i32
      %dma_wait3A_121 = tpu.memref_slice %arg6[%mul3A_0, %dma_wait3A_120] : memref<10240x16xf32, #tpu.memory_space<vmem_shared>> -> memref<640x16xf32, #tpu.memory_space<vmem_shared>>
      tpu.wait_dma2 semaphore(%run_scoped3A : memref<!tpu.dma_semaphore, #tpu.memory_space<semaphore_mem>>) src(%dma_wait3A_121 : memref<640x16xf32, #tpu.memory_space<vmem_shared>>) dst(%dma_wait3A_119 : memref<640x16xf32, #tpu.memory_space<hbm>>)
      tpu.yield
    }) : () -> ()
    return
  }
}

#map = affine_map<(d0, d1) -> (0, 0)>
module attributes {stable_mosaic.version = 14 : i64} {
  func.func @prop(%arg0: i32, %arg1: i32, %arg2: memref<10240x64xf32, #tpu.memory_space<hbm>>, %arg3: memref<2560x128xi32, #tpu.memory_space<hbm>>, %arg4: memref<2560x128xi32, #tpu.memory_space<hbm>>, %arg5: memref<10240x64xf32, #tpu.memory_space<hbm>>, %arg6: memref<10240x32xf32, #tpu.memory_space<vmem_shared>>, %arg7: memref<10240x32xf32, #tpu.memory_space<vmem_shared>>, %arg8: memref<160x128xi32, #tpu.memory_space<vmem>>, %arg9: memref<160x128xi32, #tpu.memory_space<vmem>>, %arg10: memref<512x32xf32, #tpu.memory_space<vmem>>, %arg11: memref<512x32xf32, #tpu.memory_space<vmem>>, %arg12: memref<!tpu.dma_semaphore, #tpu.memory_space<semaphore_mem>>, %arg13: memref<!tpu.dma_semaphore, #tpu.memory_space<semaphore_mem>>, %arg14: memref<!tpu.dma_semaphore, #tpu.memory_space<semaphore_mem>>, %arg15: memref<!tpu.dma_semaphore, #tpu.memory_space<semaphore_mem>>, %arg16: memref<!tpu.dma_semaphore, #tpu.memory_space<semaphore_mem>>) attributes {dimension_semantics = [#tpu.dimension_semantics<core_parallel>, #tpu.dimension_semantics<subcore_parallel>], iteration_bounds = array<i64: 2, 16>, scalar_prefetch = 0 : i64, scratch_operands = 11 : i64, tpu.core_type = #tpu.core_type<sc_vector_subcore>, window_params = [{transform_indices = #map}, {transform_indices = #map}, {transform_indices = #map}, {transform_indices = #map}]} {
    %mul3A = arith.constant 640 : i32
    %mul3A_0 = arith.muli %arg1, %mul3A : i32
    %mul3A_1 = arith.constant 160 : i32
    %mul3A_2 = arith.muli %arg1, %mul3A_1 : i32
    %mul3A_3 = arith.constant 32 : i32
    %mul3A_4 = arith.muli %arg0, %mul3A_3 : i32
    %dma_start3A = arith.constant 0 : i32
    %dma_start3A_5 = tpu.memref_slice %arg7[%mul3A_0, %dma_start3A] : memref<10240x32xf32, #tpu.memory_space<vmem_shared>> -> memref<640x32xf32, #tpu.memory_space<vmem_shared>>
    %dma_start3A_6 = tpu.memref_slice %arg2[%mul3A_0, %mul3A_4] : memref<10240x64xf32, #tpu.memory_space<hbm>> -> memref<640x32xf32, #tpu.memory_space<hbm>>
    tpu.enqueue_dma source(%dma_start3A_6 : memref<640x32xf32, #tpu.memory_space<hbm>>) target(%dma_start3A_5 : memref<640x32xf32, #tpu.memory_space<vmem_shared>>) target_semaphore(%arg12 : memref<!tpu.dma_semaphore, #tpu.memory_space<semaphore_mem>>)
    %dma_start3A_7 = arith.constant 0 : i32
    %dma_start3A_8 = tpu.memref_slice %arg6[%mul3A_0, %dma_start3A_7] : memref<10240x32xf32, #tpu.memory_space<vmem_shared>> -> memref<640x32xf32, #tpu.memory_space<vmem_shared>>
    %dma_start3A_9 = tpu.memref_slice %arg2[%mul3A_0, %mul3A_4] : memref<10240x64xf32, #tpu.memory_space<hbm>> -> memref<640x32xf32, #tpu.memory_space<hbm>>
    tpu.enqueue_dma source(%dma_start3A_9 : memref<640x32xf32, #tpu.memory_space<hbm>>) target(%dma_start3A_8 : memref<640x32xf32, #tpu.memory_space<vmem_shared>>) target_semaphore(%arg12 : memref<!tpu.dma_semaphore, #tpu.memory_space<semaphore_mem>>)
    %dma_start3A_10 = arith.constant 0 : i32
    %dma_start3A_11 = tpu.memref_slice %arg3[%mul3A_2, %dma_start3A_10] : memref<2560x128xi32, #tpu.memory_space<hbm>> -> memref<160x128xi32, #tpu.memory_space<hbm>>
    %dma_start3A_12 = arith.constant 0 : i32
    %dma_start3A_13 = tpu.memref_slice %arg3[%mul3A_2, %dma_start3A_12] : memref<2560x128xi32, #tpu.memory_space<hbm>> -> memref<160x128xi32, #tpu.memory_space<hbm>>
    tpu.enqueue_dma source(%dma_start3A_13 : memref<160x128xi32, #tpu.memory_space<hbm>>) target(%arg8 : memref<160x128xi32, #tpu.memory_space<vmem>>) target_semaphore(%arg12 : memref<!tpu.dma_semaphore, #tpu.memory_space<semaphore_mem>>)
    %dma_start3A_14 = arith.constant 0 : i32
    %dma_start3A_15 = tpu.memref_slice %arg4[%mul3A_2, %dma_start3A_14] : memref<2560x128xi32, #tpu.memory_space<hbm>> -> memref<160x128xi32, #tpu.memory_space<hbm>>
    %dma_start3A_16 = arith.constant 0 : i32
    %dma_start3A_17 = tpu.memref_slice %arg4[%mul3A_2, %dma_start3A_16] : memref<2560x128xi32, #tpu.memory_space<hbm>> -> memref<160x128xi32, #tpu.memory_space<hbm>>
    tpu.enqueue_dma source(%dma_start3A_17 : memref<160x128xi32, #tpu.memory_space<hbm>>) target(%arg9 : memref<160x128xi32, #tpu.memory_space<vmem>>) target_semaphore(%arg12 : memref<!tpu.dma_semaphore, #tpu.memory_space<semaphore_mem>>)
    %dma_wait3A = arith.constant 0 : i32
    %dma_wait3A_18 = tpu.memref_slice %arg7[%mul3A_0, %dma_wait3A] : memref<10240x32xf32, #tpu.memory_space<vmem_shared>> -> memref<640x32xf32, #tpu.memory_space<vmem_shared>>
    %dma_wait3A_19 = tpu.memref_slice %arg2[%mul3A_0, %mul3A_4] : memref<10240x64xf32, #tpu.memory_space<hbm>> -> memref<640x32xf32, #tpu.memory_space<hbm>>
    tpu.wait_dma2 semaphore(%arg12 : memref<!tpu.dma_semaphore, #tpu.memory_space<semaphore_mem>>) src(%dma_wait3A_19 : memref<640x32xf32, #tpu.memory_space<hbm>>) dst(%dma_wait3A_18 : memref<640x32xf32, #tpu.memory_space<vmem_shared>>)
    %dma_wait3A_20 = arith.constant 0 : i32
    %dma_wait3A_21 = tpu.memref_slice %arg6[%mul3A_0, %dma_wait3A_20] : memref<10240x32xf32, #tpu.memory_space<vmem_shared>> -> memref<640x32xf32, #tpu.memory_space<vmem_shared>>
    %dma_wait3A_22 = tpu.memref_slice %arg2[%mul3A_0, %mul3A_4] : memref<10240x64xf32, #tpu.memory_space<hbm>> -> memref<640x32xf32, #tpu.memory_space<hbm>>
    tpu.wait_dma2 semaphore(%arg12 : memref<!tpu.dma_semaphore, #tpu.memory_space<semaphore_mem>>) src(%dma_wait3A_22 : memref<640x32xf32, #tpu.memory_space<hbm>>) dst(%dma_wait3A_21 : memref<640x32xf32, #tpu.memory_space<vmem_shared>>)
    %dma_wait3A_23 = arith.constant 0 : i32
    %dma_wait3A_24 = tpu.memref_slice %arg3[%mul3A_2, %dma_wait3A_23] : memref<2560x128xi32, #tpu.memory_space<hbm>> -> memref<160x128xi32, #tpu.memory_space<hbm>>
    %dma_wait3A_25 = arith.constant 0 : i32
    %dma_wait3A_26 = tpu.memref_slice %arg3[%mul3A_2, %dma_wait3A_25] : memref<2560x128xi32, #tpu.memory_space<hbm>> -> memref<160x128xi32, #tpu.memory_space<hbm>>
    tpu.wait_dma2 semaphore(%arg12 : memref<!tpu.dma_semaphore, #tpu.memory_space<semaphore_mem>>) src(%dma_wait3A_26 : memref<160x128xi32, #tpu.memory_space<hbm>>) dst(%arg8 : memref<160x128xi32, #tpu.memory_space<vmem>>)
    %dma_wait3A_27 = arith.constant 0 : i32
    %dma_wait3A_28 = tpu.memref_slice %arg4[%mul3A_2, %dma_wait3A_27] : memref<2560x128xi32, #tpu.memory_space<hbm>> -> memref<160x128xi32, #tpu.memory_space<hbm>>
    %dma_wait3A_29 = arith.constant 0 : i32
    %dma_wait3A_30 = tpu.memref_slice %arg4[%mul3A_2, %dma_wait3A_29] : memref<2560x128xi32, #tpu.memory_space<hbm>> -> memref<160x128xi32, #tpu.memory_space<hbm>>
    tpu.wait_dma2 semaphore(%arg12 : memref<!tpu.dma_semaphore, #tpu.memory_space<semaphore_mem>>) src(%dma_wait3A_30 : memref<160x128xi32, #tpu.memory_space<hbm>>) dst(%arg9 : memref<160x128xi32, #tpu.memory_space<vmem>>)
    %barrier3A = arith.constant 0 : index
    tpu.barrier barrier_id(%barrier3A)
    %dma_start3A_31 = arith.constant 0 : i32
    %dma_start3A_32 = arith.constant 0 : i32
    %dma_start3A_33 = arith.constant 0 : i32
    %dma_start3A_34 = tpu.memref_slice %arg10[%dma_start3A_32, %dma_start3A_33] : memref<512x32xf32, #tpu.memory_space<vmem>> -> memref<128x32xf32, #tpu.memory_space<vmem>>
    %dma_start3A_35 = arith.constant 0 : i32
    %dma_start3A_36 = tpu.memref_slice %arg8[%dma_start3A_31, %dma_start3A_35] : memref<160x128xi32, #tpu.memory_space<vmem>> -> memref<1x128xi32, #tpu.memory_space<vmem>>
    %dma_start3A_37 = tpu.memref_squeeze %dma_start3A_36 : memref<1x128xi32, #tpu.memory_space<vmem>> -> memref<128xi32, #tpu.memory_space<vmem>>
    %dma_start3A_38 = arith.constant 0 : i32
    %dma_start3A_39 = arith.constant 0 : i32
    %dma_start3A_40 = tpu.memref_slice %arg7[%dma_start3A_38, %dma_start3A_39] : memref<10240x32xf32, #tpu.memory_space<vmem_shared>> -> memref<10240x32xf32, #tpu.memory_space<vmem_shared>>
    tpu.enqueue_indirect_dma source(%dma_start3A_40 : memref<10240x32xf32, #tpu.memory_space<vmem_shared>>) target(%dma_start3A_34 : memref<128x32xf32, #tpu.memory_space<vmem>>) offsets(%dma_start3A_37 : memref<128xi32, #tpu.memory_space<vmem>>) semaphore(%arg13 : memref<!tpu.dma_semaphore, #tpu.memory_space<semaphore_mem>>)
    %dma_start3A_41 = arith.constant 1 : i32
    %dma_start3A_42 = arith.constant 128 : i32
    %dma_start3A_43 = arith.constant 0 : i32
    %dma_start3A_44 = tpu.memref_slice %arg10[%dma_start3A_42, %dma_start3A_43] : memref<512x32xf32, #tpu.memory_space<vmem>> -> memref<128x32xf32, #tpu.memory_space<vmem>>
    %dma_start3A_45 = arith.constant 0 : i32
    %dma_start3A_46 = tpu.memref_slice %arg8[%dma_start3A_41, %dma_start3A_45] : memref<160x128xi32, #tpu.memory_space<vmem>> -> memref<1x128xi32, #tpu.memory_space<vmem>>
    %dma_start3A_47 = tpu.memref_squeeze %dma_start3A_46 : memref<1x128xi32, #tpu.memory_space<vmem>> -> memref<128xi32, #tpu.memory_space<vmem>>
    %dma_start3A_48 = arith.constant 0 : i32
    %dma_start3A_49 = arith.constant 0 : i32
    %dma_start3A_50 = tpu.memref_slice %arg7[%dma_start3A_48, %dma_start3A_49] : memref<10240x32xf32, #tpu.memory_space<vmem_shared>> -> memref<10240x32xf32, #tpu.memory_space<vmem_shared>>
    tpu.enqueue_indirect_dma source(%dma_start3A_50 : memref<10240x32xf32, #tpu.memory_space<vmem_shared>>) target(%dma_start3A_44 : memref<128x32xf32, #tpu.memory_space<vmem>>) offsets(%dma_start3A_47 : memref<128xi32, #tpu.memory_space<vmem>>) semaphore(%arg13 : memref<!tpu.dma_semaphore, #tpu.memory_space<semaphore_mem>>)
    %dma_start3A_51 = arith.constant 2 : i32
    %dma_start3A_52 = arith.constant 256 : i32
    %dma_start3A_53 = arith.constant 0 : i32
    %dma_start3A_54 = tpu.memref_slice %arg10[%dma_start3A_52, %dma_start3A_53] : memref<512x32xf32, #tpu.memory_space<vmem>> -> memref<128x32xf32, #tpu.memory_space<vmem>>
    %dma_start3A_55 = arith.constant 0 : i32
    %dma_start3A_56 = tpu.memref_slice %arg8[%dma_start3A_51, %dma_start3A_55] : memref<160x128xi32, #tpu.memory_space<vmem>> -> memref<1x128xi32, #tpu.memory_space<vmem>>
    %dma_start3A_57 = tpu.memref_squeeze %dma_start3A_56 : memref<1x128xi32, #tpu.memory_space<vmem>> -> memref<128xi32, #tpu.memory_space<vmem>>
    %dma_start3A_58 = arith.constant 0 : i32
    %dma_start3A_59 = arith.constant 0 : i32
    %dma_start3A_60 = tpu.memref_slice %arg7[%dma_start3A_58, %dma_start3A_59] : memref<10240x32xf32, #tpu.memory_space<vmem_shared>> -> memref<10240x32xf32, #tpu.memory_space<vmem_shared>>
    tpu.enqueue_indirect_dma source(%dma_start3A_60 : memref<10240x32xf32, #tpu.memory_space<vmem_shared>>) target(%dma_start3A_54 : memref<128x32xf32, #tpu.memory_space<vmem>>) offsets(%dma_start3A_57 : memref<128xi32, #tpu.memory_space<vmem>>) semaphore(%arg13 : memref<!tpu.dma_semaphore, #tpu.memory_space<semaphore_mem>>)
    %dma_start3A_61 = arith.constant 3 : i32
    %dma_start3A_62 = arith.constant 384 : i32
    %dma_start3A_63 = arith.constant 0 : i32
    %dma_start3A_64 = tpu.memref_slice %arg10[%dma_start3A_62, %dma_start3A_63] : memref<512x32xf32, #tpu.memory_space<vmem>> -> memref<128x32xf32, #tpu.memory_space<vmem>>
    %dma_start3A_65 = arith.constant 0 : i32
    %dma_start3A_66 = tpu.memref_slice %arg8[%dma_start3A_61, %dma_start3A_65] : memref<160x128xi32, #tpu.memory_space<vmem>> -> memref<1x128xi32, #tpu.memory_space<vmem>>
    %dma_start3A_67 = tpu.memref_squeeze %dma_start3A_66 : memref<1x128xi32, #tpu.memory_space<vmem>> -> memref<128xi32, #tpu.memory_space<vmem>>
    %dma_start3A_68 = arith.constant 0 : i32
    %dma_start3A_69 = arith.constant 0 : i32
    %dma_start3A_70 = tpu.memref_slice %arg7[%dma_start3A_68, %dma_start3A_69] : memref<10240x32xf32, #tpu.memory_space<vmem_shared>> -> memref<10240x32xf32, #tpu.memory_space<vmem_shared>>
    tpu.enqueue_indirect_dma source(%dma_start3A_70 : memref<10240x32xf32, #tpu.memory_space<vmem_shared>>) target(%dma_start3A_64 : memref<128x32xf32, #tpu.memory_space<vmem>>) offsets(%dma_start3A_67 : memref<128xi32, #tpu.memory_space<vmem>>) semaphore(%arg13 : memref<!tpu.dma_semaphore, #tpu.memory_space<semaphore_mem>>)
    %scan3A = arith.constant 0 : i32
    %scan3A_71 = arith.constant 20 : i32
    %scan3A_72 = arith.addi %scan3A, %scan3A_71 : i32
    %scan3A_73 = arith.constant 1 : i32
    scf.for %scan3A_254 = %scan3A to %scan3A_72 step %scan3A_73  : i32 {
      %mul3A_255 = arith.constant 2 : i32
      %mul3A_256 = arith.muli %scan3A_254, %mul3A_255 : i32
      %add3A_257 = arith.constant 0 : i32
      %add3A_258 = arith.addi %add3A_257, %mul3A_256 : i32
      %add3A_259 = arith.constant 0 : i32
      %add3A_260 = arith.addi %add3A_258, %add3A_259 : i32
      %ge3A = arith.constant 1 : i32
      %ge3A_261 = arith.cmpi sge, %add3A_260, %ge3A : i32
      %convert_element_type3A = arith.extui %ge3A_261 : i1 to i32
      %cond3A = arith.constant 0 : i32
      %cond3A_262 = arith.cmpi ne, %convert_element_type3A, %cond3A : i32
      scf.if %cond3A_262 {
        %sub3A = arith.constant 1 : i32
        %sub3A_491 = arith.subi %add3A_260, %sub3A : i32
        %mul3A_492 = arith.constant 4 : i32
        %mul3A_493 = arith.muli %sub3A_491, %mul3A_492 : i32
        %add3A_494 = arith.constant 0 : i32
        %add3A_495 = arith.addi %mul3A_493, %add3A_494 : i32
        %dma_wait3A_496 = arith.constant 0 : i32
        %dma_wait3A_497 = arith.constant 0 : i32
        %dma_wait3A_498 = tpu.memref_slice %arg11[%dma_wait3A_496, %dma_wait3A_497] : memref<512x32xf32, #tpu.memory_space<vmem>> -> memref<128x32xf32, #tpu.memory_space<vmem>>
        %dma_wait3A_499 = arith.constant 0 : i32
        %dma_wait3A_500 = tpu.memref_slice %arg9[%add3A_495, %dma_wait3A_499] : memref<160x128xi32, #tpu.memory_space<vmem>> -> memref<1x128xi32, #tpu.memory_space<vmem>>
        %dma_wait3A_501 = tpu.memref_squeeze %dma_wait3A_500 : memref<1x128xi32, #tpu.memory_space<vmem>> -> memref<128xi32, #tpu.memory_space<vmem>>
        %dma_wait3A_502 = arith.constant 0 : i32
        %dma_wait3A_503 = arith.constant 0 : i32
        %dma_wait3A_504 = tpu.memref_slice %arg6[%dma_wait3A_502, %dma_wait3A_503] : memref<10240x32xf32, #tpu.memory_space<vmem_shared>> -> memref<10240x32xf32, #tpu.memory_space<vmem_shared>>
        tpu.wait_indirect_dma semaphore(%arg16 : memref<!tpu.dma_semaphore, #tpu.memory_space<semaphore_mem>>) src(%dma_wait3A_498 : memref<128x32xf32, #tpu.memory_space<vmem>>) dst(%dma_wait3A_504 : memref<10240x32xf32, #tpu.memory_space<vmem_shared>>)
        %sub3A_505 = arith.constant 1 : i32
        %sub3A_506 = arith.subi %add3A_260, %sub3A_505 : i32
        %mul3A_507 = arith.constant 4 : i32
        %mul3A_508 = arith.muli %sub3A_506, %mul3A_507 : i32
        %add3A_509 = arith.constant 1 : i32
        %add3A_510 = arith.addi %mul3A_508, %add3A_509 : i32
        %dma_wait3A_511 = arith.constant 128 : i32
        %dma_wait3A_512 = arith.constant 0 : i32
        %dma_wait3A_513 = tpu.memref_slice %arg11[%dma_wait3A_511, %dma_wait3A_512] : memref<512x32xf32, #tpu.memory_space<vmem>> -> memref<128x32xf32, #tpu.memory_space<vmem>>
        %dma_wait3A_514 = arith.constant 0 : i32
        %dma_wait3A_515 = tpu.memref_slice %arg9[%add3A_510, %dma_wait3A_514] : memref<160x128xi32, #tpu.memory_space<vmem>> -> memref<1x128xi32, #tpu.memory_space<vmem>>
        %dma_wait3A_516 = tpu.memref_squeeze %dma_wait3A_515 : memref<1x128xi32, #tpu.memory_space<vmem>> -> memref<128xi32, #tpu.memory_space<vmem>>
        %dma_wait3A_517 = arith.constant 0 : i32
        %dma_wait3A_518 = arith.constant 0 : i32
        %dma_wait3A_519 = tpu.memref_slice %arg6[%dma_wait3A_517, %dma_wait3A_518] : memref<10240x32xf32, #tpu.memory_space<vmem_shared>> -> memref<10240x32xf32, #tpu.memory_space<vmem_shared>>
        tpu.wait_indirect_dma semaphore(%arg16 : memref<!tpu.dma_semaphore, #tpu.memory_space<semaphore_mem>>) src(%dma_wait3A_513 : memref<128x32xf32, #tpu.memory_space<vmem>>) dst(%dma_wait3A_519 : memref<10240x32xf32, #tpu.memory_space<vmem_shared>>)
        %sub3A_520 = arith.constant 1 : i32
        %sub3A_521 = arith.subi %add3A_260, %sub3A_520 : i32
        %mul3A_522 = arith.constant 4 : i32
        %mul3A_523 = arith.muli %sub3A_521, %mul3A_522 : i32
        %add3A_524 = arith.constant 2 : i32
        %add3A_525 = arith.addi %mul3A_523, %add3A_524 : i32
        %dma_wait3A_526 = arith.constant 256 : i32
        %dma_wait3A_527 = arith.constant 0 : i32
        %dma_wait3A_528 = tpu.memref_slice %arg11[%dma_wait3A_526, %dma_wait3A_527] : memref<512x32xf32, #tpu.memory_space<vmem>> -> memref<128x32xf32, #tpu.memory_space<vmem>>
        %dma_wait3A_529 = arith.constant 0 : i32
        %dma_wait3A_530 = tpu.memref_slice %arg9[%add3A_525, %dma_wait3A_529] : memref<160x128xi32, #tpu.memory_space<vmem>> -> memref<1x128xi32, #tpu.memory_space<vmem>>
        %dma_wait3A_531 = tpu.memref_squeeze %dma_wait3A_530 : memref<1x128xi32, #tpu.memory_space<vmem>> -> memref<128xi32, #tpu.memory_space<vmem>>
        %dma_wait3A_532 = arith.constant 0 : i32
        %dma_wait3A_533 = arith.constant 0 : i32
        %dma_wait3A_534 = tpu.memref_slice %arg6[%dma_wait3A_532, %dma_wait3A_533] : memref<10240x32xf32, #tpu.memory_space<vmem_shared>> -> memref<10240x32xf32, #tpu.memory_space<vmem_shared>>
        tpu.wait_indirect_dma semaphore(%arg16 : memref<!tpu.dma_semaphore, #tpu.memory_space<semaphore_mem>>) src(%dma_wait3A_528 : memref<128x32xf32, #tpu.memory_space<vmem>>) dst(%dma_wait3A_534 : memref<10240x32xf32, #tpu.memory_space<vmem_shared>>)
        %sub3A_535 = arith.constant 1 : i32
        %sub3A_536 = arith.subi %add3A_260, %sub3A_535 : i32
        %mul3A_537 = arith.constant 4 : i32
        %mul3A_538 = arith.muli %sub3A_536, %mul3A_537 : i32
        %add3A_539 = arith.constant 3 : i32
        %add3A_540 = arith.addi %mul3A_538, %add3A_539 : i32
        %dma_wait3A_541 = arith.constant 384 : i32
        %dma_wait3A_542 = arith.constant 0 : i32
        %dma_wait3A_543 = tpu.memref_slice %arg11[%dma_wait3A_541, %dma_wait3A_542] : memref<512x32xf32, #tpu.memory_space<vmem>> -> memref<128x32xf32, #tpu.memory_space<vmem>>
        %dma_wait3A_544 = arith.constant 0 : i32
        %dma_wait3A_545 = tpu.memref_slice %arg9[%add3A_540, %dma_wait3A_544] : memref<160x128xi32, #tpu.memory_space<vmem>> -> memref<1x128xi32, #tpu.memory_space<vmem>>
        %dma_wait3A_546 = tpu.memref_squeeze %dma_wait3A_545 : memref<1x128xi32, #tpu.memory_space<vmem>> -> memref<128xi32, #tpu.memory_space<vmem>>
        %dma_wait3A_547 = arith.constant 0 : i32
        %dma_wait3A_548 = arith.constant 0 : i32
        %dma_wait3A_549 = tpu.memref_slice %arg6[%dma_wait3A_547, %dma_wait3A_548] : memref<10240x32xf32, #tpu.memory_space<vmem_shared>> -> memref<10240x32xf32, #tpu.memory_space<vmem_shared>>
        tpu.wait_indirect_dma semaphore(%arg16 : memref<!tpu.dma_semaphore, #tpu.memory_space<semaphore_mem>>) src(%dma_wait3A_543 : memref<128x32xf32, #tpu.memory_space<vmem>>) dst(%dma_wait3A_549 : memref<10240x32xf32, #tpu.memory_space<vmem_shared>>)
      } else {
      }
      %add3A_263 = arith.constant 1 : i32
      %add3A_264 = arith.addi %add3A_260, %add3A_263 : i32
      %lt3A = arith.constant 40 : i32
      %lt3A_265 = arith.cmpi slt, %add3A_264, %lt3A : i32
      %convert_element_type3A_266 = arith.extui %lt3A_265 : i1 to i32
      %cond3A_267 = arith.constant 0 : i32
      %cond3A_268 = arith.cmpi ne, %convert_element_type3A_266, %cond3A_267 : i32
      scf.if %cond3A_268 {
        %add3A_491 = arith.constant 1 : i32
        %add3A_492 = arith.addi %add3A_260, %add3A_491 : i32
        %mul3A_493 = arith.constant 4 : i32
        %mul3A_494 = arith.muli %add3A_492, %mul3A_493 : i32
        %add3A_495 = arith.constant 0 : i32
        %add3A_496 = arith.addi %mul3A_494, %add3A_495 : i32
        %dma_start3A_497 = arith.constant 0 : i32
        %dma_start3A_498 = arith.constant 0 : i32
        %dma_start3A_499 = tpu.memref_slice %arg11[%dma_start3A_497, %dma_start3A_498] : memref<512x32xf32, #tpu.memory_space<vmem>> -> memref<128x32xf32, #tpu.memory_space<vmem>>
        %dma_start3A_500 = arith.constant 0 : i32
        %dma_start3A_501 = tpu.memref_slice %arg8[%add3A_496, %dma_start3A_500] : memref<160x128xi32, #tpu.memory_space<vmem>> -> memref<1x128xi32, #tpu.memory_space<vmem>>
        %dma_start3A_502 = tpu.memref_squeeze %dma_start3A_501 : memref<1x128xi32, #tpu.memory_space<vmem>> -> memref<128xi32, #tpu.memory_space<vmem>>
        %dma_start3A_503 = arith.constant 0 : i32
        %dma_start3A_504 = arith.constant 0 : i32
        %dma_start3A_505 = tpu.memref_slice %arg7[%dma_start3A_503, %dma_start3A_504] : memref<10240x32xf32, #tpu.memory_space<vmem_shared>> -> memref<10240x32xf32, #tpu.memory_space<vmem_shared>>
        tpu.enqueue_indirect_dma source(%dma_start3A_505 : memref<10240x32xf32, #tpu.memory_space<vmem_shared>>) target(%dma_start3A_499 : memref<128x32xf32, #tpu.memory_space<vmem>>) offsets(%dma_start3A_502 : memref<128xi32, #tpu.memory_space<vmem>>) semaphore(%arg14 : memref<!tpu.dma_semaphore, #tpu.memory_space<semaphore_mem>>)
        %add3A_506 = arith.constant 1 : i32
        %add3A_507 = arith.addi %add3A_260, %add3A_506 : i32
        %mul3A_508 = arith.constant 4 : i32
        %mul3A_509 = arith.muli %add3A_507, %mul3A_508 : i32
        %add3A_510 = arith.constant 1 : i32
        %add3A_511 = arith.addi %mul3A_509, %add3A_510 : i32
        %dma_start3A_512 = arith.constant 128 : i32
        %dma_start3A_513 = arith.constant 0 : i32
        %dma_start3A_514 = tpu.memref_slice %arg11[%dma_start3A_512, %dma_start3A_513] : memref<512x32xf32, #tpu.memory_space<vmem>> -> memref<128x32xf32, #tpu.memory_space<vmem>>
        %dma_start3A_515 = arith.constant 0 : i32
        %dma_start3A_516 = tpu.memref_slice %arg8[%add3A_511, %dma_start3A_515] : memref<160x128xi32, #tpu.memory_space<vmem>> -> memref<1x128xi32, #tpu.memory_space<vmem>>
        %dma_start3A_517 = tpu.memref_squeeze %dma_start3A_516 : memref<1x128xi32, #tpu.memory_space<vmem>> -> memref<128xi32, #tpu.memory_space<vmem>>
        %dma_start3A_518 = arith.constant 0 : i32
        %dma_start3A_519 = arith.constant 0 : i32
        %dma_start3A_520 = tpu.memref_slice %arg7[%dma_start3A_518, %dma_start3A_519] : memref<10240x32xf32, #tpu.memory_space<vmem_shared>> -> memref<10240x32xf32, #tpu.memory_space<vmem_shared>>
        tpu.enqueue_indirect_dma source(%dma_start3A_520 : memref<10240x32xf32, #tpu.memory_space<vmem_shared>>) target(%dma_start3A_514 : memref<128x32xf32, #tpu.memory_space<vmem>>) offsets(%dma_start3A_517 : memref<128xi32, #tpu.memory_space<vmem>>) semaphore(%arg14 : memref<!tpu.dma_semaphore, #tpu.memory_space<semaphore_mem>>)
        %add3A_521 = arith.constant 1 : i32
        %add3A_522 = arith.addi %add3A_260, %add3A_521 : i32
        %mul3A_523 = arith.constant 4 : i32
        %mul3A_524 = arith.muli %add3A_522, %mul3A_523 : i32
        %add3A_525 = arith.constant 2 : i32
        %add3A_526 = arith.addi %mul3A_524, %add3A_525 : i32
        %dma_start3A_527 = arith.constant 256 : i32
        %dma_start3A_528 = arith.constant 0 : i32
        %dma_start3A_529 = tpu.memref_slice %arg11[%dma_start3A_527, %dma_start3A_528] : memref<512x32xf32, #tpu.memory_space<vmem>> -> memref<128x32xf32, #tpu.memory_space<vmem>>
        %dma_start3A_530 = arith.constant 0 : i32
        %dma_start3A_531 = tpu.memref_slice %arg8[%add3A_526, %dma_start3A_530] : memref<160x128xi32, #tpu.memory_space<vmem>> -> memref<1x128xi32, #tpu.memory_space<vmem>>
        %dma_start3A_532 = tpu.memref_squeeze %dma_start3A_531 : memref<1x128xi32, #tpu.memory_space<vmem>> -> memref<128xi32, #tpu.memory_space<vmem>>
        %dma_start3A_533 = arith.constant 0 : i32
        %dma_start3A_534 = arith.constant 0 : i32
        %dma_start3A_535 = tpu.memref_slice %arg7[%dma_start3A_533, %dma_start3A_534] : memref<10240x32xf32, #tpu.memory_space<vmem_shared>> -> memref<10240x32xf32, #tpu.memory_space<vmem_shared>>
        tpu.enqueue_indirect_dma source(%dma_start3A_535 : memref<10240x32xf32, #tpu.memory_space<vmem_shared>>) target(%dma_start3A_529 : memref<128x32xf32, #tpu.memory_space<vmem>>) offsets(%dma_start3A_532 : memref<128xi32, #tpu.memory_space<vmem>>) semaphore(%arg14 : memref<!tpu.dma_semaphore, #tpu.memory_space<semaphore_mem>>)
        %add3A_536 = arith.constant 1 : i32
        %add3A_537 = arith.addi %add3A_260, %add3A_536 : i32
        %mul3A_538 = arith.constant 4 : i32
        %mul3A_539 = arith.muli %add3A_537, %mul3A_538 : i32
        %add3A_540 = arith.constant 3 : i32
        %add3A_541 = arith.addi %mul3A_539, %add3A_540 : i32
        %dma_start3A_542 = arith.constant 384 : i32
        %dma_start3A_543 = arith.constant 0 : i32
        %dma_start3A_544 = tpu.memref_slice %arg11[%dma_start3A_542, %dma_start3A_543] : memref<512x32xf32, #tpu.memory_space<vmem>> -> memref<128x32xf32, #tpu.memory_space<vmem>>
        %dma_start3A_545 = arith.constant 0 : i32
        %dma_start3A_546 = tpu.memref_slice %arg8[%add3A_541, %dma_start3A_545] : memref<160x128xi32, #tpu.memory_space<vmem>> -> memref<1x128xi32, #tpu.memory_space<vmem>>
        %dma_start3A_547 = tpu.memref_squeeze %dma_start3A_546 : memref<1x128xi32, #tpu.memory_space<vmem>> -> memref<128xi32, #tpu.memory_space<vmem>>
        %dma_start3A_548 = arith.constant 0 : i32
        %dma_start3A_549 = arith.constant 0 : i32
        %dma_start3A_550 = tpu.memref_slice %arg7[%dma_start3A_548, %dma_start3A_549] : memref<10240x32xf32, #tpu.memory_space<vmem_shared>> -> memref<10240x32xf32, #tpu.memory_space<vmem_shared>>
        tpu.enqueue_indirect_dma source(%dma_start3A_550 : memref<10240x32xf32, #tpu.memory_space<vmem_shared>>) target(%dma_start3A_544 : memref<128x32xf32, #tpu.memory_space<vmem>>) offsets(%dma_start3A_547 : memref<128xi32, #tpu.memory_space<vmem>>) semaphore(%arg14 : memref<!tpu.dma_semaphore, #tpu.memory_space<semaphore_mem>>)
      } else {
      }
      %mul3A_269 = arith.constant 4 : i32
      %mul3A_270 = arith.muli %add3A_260, %mul3A_269 : i32
      %add3A_271 = arith.constant 0 : i32
      %add3A_272 = arith.addi %mul3A_270, %add3A_271 : i32
      %dma_wait3A_273 = arith.constant 0 : i32
      %dma_wait3A_274 = arith.constant 0 : i32
      %dma_wait3A_275 = tpu.memref_slice %arg10[%dma_wait3A_273, %dma_wait3A_274] : memref<512x32xf32, #tpu.memory_space<vmem>> -> memref<128x32xf32, #tpu.memory_space<vmem>>
      %dma_wait3A_276 = arith.constant 0 : i32
      %dma_wait3A_277 = tpu.memref_slice %arg8[%add3A_272, %dma_wait3A_276] : memref<160x128xi32, #tpu.memory_space<vmem>> -> memref<1x128xi32, #tpu.memory_space<vmem>>
      %dma_wait3A_278 = tpu.memref_squeeze %dma_wait3A_277 : memref<1x128xi32, #tpu.memory_space<vmem>> -> memref<128xi32, #tpu.memory_space<vmem>>
      %dma_wait3A_279 = arith.constant 0 : i32
      %dma_wait3A_280 = arith.constant 0 : i32
      %dma_wait3A_281 = tpu.memref_slice %arg7[%dma_wait3A_279, %dma_wait3A_280] : memref<10240x32xf32, #tpu.memory_space<vmem_shared>> -> memref<10240x32xf32, #tpu.memory_space<vmem_shared>>
      tpu.wait_indirect_dma semaphore(%arg13 : memref<!tpu.dma_semaphore, #tpu.memory_space<semaphore_mem>>) src(%dma_wait3A_281 : memref<10240x32xf32, #tpu.memory_space<vmem_shared>>) dst(%dma_wait3A_275 : memref<128x32xf32, #tpu.memory_space<vmem>>)
      %mul3A_282 = arith.constant 4 : i32
      %mul3A_283 = arith.muli %add3A_260, %mul3A_282 : i32
      %add3A_284 = arith.constant 1 : i32
      %add3A_285 = arith.addi %mul3A_283, %add3A_284 : i32
      %dma_wait3A_286 = arith.constant 128 : i32
      %dma_wait3A_287 = arith.constant 0 : i32
      %dma_wait3A_288 = tpu.memref_slice %arg10[%dma_wait3A_286, %dma_wait3A_287] : memref<512x32xf32, #tpu.memory_space<vmem>> -> memref<128x32xf32, #tpu.memory_space<vmem>>
      %dma_wait3A_289 = arith.constant 0 : i32
      %dma_wait3A_290 = tpu.memref_slice %arg8[%add3A_285, %dma_wait3A_289] : memref<160x128xi32, #tpu.memory_space<vmem>> -> memref<1x128xi32, #tpu.memory_space<vmem>>
      %dma_wait3A_291 = tpu.memref_squeeze %dma_wait3A_290 : memref<1x128xi32, #tpu.memory_space<vmem>> -> memref<128xi32, #tpu.memory_space<vmem>>
      %dma_wait3A_292 = arith.constant 0 : i32
      %dma_wait3A_293 = arith.constant 0 : i32
      %dma_wait3A_294 = tpu.memref_slice %arg7[%dma_wait3A_292, %dma_wait3A_293] : memref<10240x32xf32, #tpu.memory_space<vmem_shared>> -> memref<10240x32xf32, #tpu.memory_space<vmem_shared>>
      tpu.wait_indirect_dma semaphore(%arg13 : memref<!tpu.dma_semaphore, #tpu.memory_space<semaphore_mem>>) src(%dma_wait3A_294 : memref<10240x32xf32, #tpu.memory_space<vmem_shared>>) dst(%dma_wait3A_288 : memref<128x32xf32, #tpu.memory_space<vmem>>)
      %mul3A_295 = arith.constant 4 : i32
      %mul3A_296 = arith.muli %add3A_260, %mul3A_295 : i32
      %add3A_297 = arith.constant 2 : i32
      %add3A_298 = arith.addi %mul3A_296, %add3A_297 : i32
      %dma_wait3A_299 = arith.constant 256 : i32
      %dma_wait3A_300 = arith.constant 0 : i32
      %dma_wait3A_301 = tpu.memref_slice %arg10[%dma_wait3A_299, %dma_wait3A_300] : memref<512x32xf32, #tpu.memory_space<vmem>> -> memref<128x32xf32, #tpu.memory_space<vmem>>
      %dma_wait3A_302 = arith.constant 0 : i32
      %dma_wait3A_303 = tpu.memref_slice %arg8[%add3A_298, %dma_wait3A_302] : memref<160x128xi32, #tpu.memory_space<vmem>> -> memref<1x128xi32, #tpu.memory_space<vmem>>
      %dma_wait3A_304 = tpu.memref_squeeze %dma_wait3A_303 : memref<1x128xi32, #tpu.memory_space<vmem>> -> memref<128xi32, #tpu.memory_space<vmem>>
      %dma_wait3A_305 = arith.constant 0 : i32
      %dma_wait3A_306 = arith.constant 0 : i32
      %dma_wait3A_307 = tpu.memref_slice %arg7[%dma_wait3A_305, %dma_wait3A_306] : memref<10240x32xf32, #tpu.memory_space<vmem_shared>> -> memref<10240x32xf32, #tpu.memory_space<vmem_shared>>
      tpu.wait_indirect_dma semaphore(%arg13 : memref<!tpu.dma_semaphore, #tpu.memory_space<semaphore_mem>>) src(%dma_wait3A_307 : memref<10240x32xf32, #tpu.memory_space<vmem_shared>>) dst(%dma_wait3A_301 : memref<128x32xf32, #tpu.memory_space<vmem>>)
      %mul3A_308 = arith.constant 4 : i32
      %mul3A_309 = arith.muli %add3A_260, %mul3A_308 : i32
      %add3A_310 = arith.constant 3 : i32
      %add3A_311 = arith.addi %mul3A_309, %add3A_310 : i32
      %dma_wait3A_312 = arith.constant 384 : i32
      %dma_wait3A_313 = arith.constant 0 : i32
      %dma_wait3A_314 = tpu.memref_slice %arg10[%dma_wait3A_312, %dma_wait3A_313] : memref<512x32xf32, #tpu.memory_space<vmem>> -> memref<128x32xf32, #tpu.memory_space<vmem>>
      %dma_wait3A_315 = arith.constant 0 : i32
      %dma_wait3A_316 = tpu.memref_slice %arg8[%add3A_311, %dma_wait3A_315] : memref<160x128xi32, #tpu.memory_space<vmem>> -> memref<1x128xi32, #tpu.memory_space<vmem>>
      %dma_wait3A_317 = tpu.memref_squeeze %dma_wait3A_316 : memref<1x128xi32, #tpu.memory_space<vmem>> -> memref<128xi32, #tpu.memory_space<vmem>>
      %dma_wait3A_318 = arith.constant 0 : i32
      %dma_wait3A_319 = arith.constant 0 : i32
      %dma_wait3A_320 = tpu.memref_slice %arg7[%dma_wait3A_318, %dma_wait3A_319] : memref<10240x32xf32, #tpu.memory_space<vmem_shared>> -> memref<10240x32xf32, #tpu.memory_space<vmem_shared>>
      tpu.wait_indirect_dma semaphore(%arg13 : memref<!tpu.dma_semaphore, #tpu.memory_space<semaphore_mem>>) src(%dma_wait3A_320 : memref<10240x32xf32, #tpu.memory_space<vmem_shared>>) dst(%dma_wait3A_314 : memref<128x32xf32, #tpu.memory_space<vmem>>)
      %mul3A_321 = arith.constant 4 : i32
      %mul3A_322 = arith.muli %add3A_260, %mul3A_321 : i32
      %add3A_323 = arith.constant 0 : i32
      %add3A_324 = arith.addi %mul3A_322, %add3A_323 : i32
      %dma_start3A_325 = arith.constant 0 : i32
      %dma_start3A_326 = arith.constant 0 : i32
      %dma_start3A_327 = tpu.memref_slice %arg10[%dma_start3A_325, %dma_start3A_326] : memref<512x32xf32, #tpu.memory_space<vmem>> -> memref<128x32xf32, #tpu.memory_space<vmem>>
      %dma_start3A_328 = arith.constant 0 : i32
      %dma_start3A_329 = tpu.memref_slice %arg9[%add3A_324, %dma_start3A_328] : memref<160x128xi32, #tpu.memory_space<vmem>> -> memref<1x128xi32, #tpu.memory_space<vmem>>
      %dma_start3A_330 = tpu.memref_squeeze %dma_start3A_329 : memref<1x128xi32, #tpu.memory_space<vmem>> -> memref<128xi32, #tpu.memory_space<vmem>>
      %dma_start3A_331 = arith.constant 0 : i32
      %dma_start3A_332 = arith.constant 0 : i32
      %dma_start3A_333 = tpu.memref_slice %arg6[%dma_start3A_331, %dma_start3A_332] : memref<10240x32xf32, #tpu.memory_space<vmem_shared>> -> memref<10240x32xf32, #tpu.memory_space<vmem_shared>>
      tpu.enqueue_indirect_dma source(%dma_start3A_327 : memref<128x32xf32, #tpu.memory_space<vmem>>) target(%dma_start3A_333 : memref<10240x32xf32, #tpu.memory_space<vmem_shared>>) offsets(%dma_start3A_330 : memref<128xi32, #tpu.memory_space<vmem>>) semaphore(%arg15 : memref<!tpu.dma_semaphore, #tpu.memory_space<semaphore_mem>>) {add = true}
      %mul3A_334 = arith.constant 4 : i32
      %mul3A_335 = arith.muli %add3A_260, %mul3A_334 : i32
      %add3A_336 = arith.constant 1 : i32
      %add3A_337 = arith.addi %mul3A_335, %add3A_336 : i32
      %dma_start3A_338 = arith.constant 128 : i32
      %dma_start3A_339 = arith.constant 0 : i32
      %dma_start3A_340 = tpu.memref_slice %arg10[%dma_start3A_338, %dma_start3A_339] : memref<512x32xf32, #tpu.memory_space<vmem>> -> memref<128x32xf32, #tpu.memory_space<vmem>>
      %dma_start3A_341 = arith.constant 0 : i32
      %dma_start3A_342 = tpu.memref_slice %arg9[%add3A_337, %dma_start3A_341] : memref<160x128xi32, #tpu.memory_space<vmem>> -> memref<1x128xi32, #tpu.memory_space<vmem>>
      %dma_start3A_343 = tpu.memref_squeeze %dma_start3A_342 : memref<1x128xi32, #tpu.memory_space<vmem>> -> memref<128xi32, #tpu.memory_space<vmem>>
      %dma_start3A_344 = arith.constant 0 : i32
      %dma_start3A_345 = arith.constant 0 : i32
      %dma_start3A_346 = tpu.memref_slice %arg6[%dma_start3A_344, %dma_start3A_345] : memref<10240x32xf32, #tpu.memory_space<vmem_shared>> -> memref<10240x32xf32, #tpu.memory_space<vmem_shared>>
      tpu.enqueue_indirect_dma source(%dma_start3A_340 : memref<128x32xf32, #tpu.memory_space<vmem>>) target(%dma_start3A_346 : memref<10240x32xf32, #tpu.memory_space<vmem_shared>>) offsets(%dma_start3A_343 : memref<128xi32, #tpu.memory_space<vmem>>) semaphore(%arg15 : memref<!tpu.dma_semaphore, #tpu.memory_space<semaphore_mem>>) {add = true}
      %mul3A_347 = arith.constant 4 : i32
      %mul3A_348 = arith.muli %add3A_260, %mul3A_347 : i32
      %add3A_349 = arith.constant 2 : i32
      %add3A_350 = arith.addi %mul3A_348, %add3A_349 : i32
      %dma_start3A_351 = arith.constant 256 : i32
      %dma_start3A_352 = arith.constant 0 : i32
      %dma_start3A_353 = tpu.memref_slice %arg10[%dma_start3A_351, %dma_start3A_352] : memref<512x32xf32, #tpu.memory_space<vmem>> -> memref<128x32xf32, #tpu.memory_space<vmem>>
      %dma_start3A_354 = arith.constant 0 : i32
      %dma_start3A_355 = tpu.memref_slice %arg9[%add3A_350, %dma_start3A_354] : memref<160x128xi32, #tpu.memory_space<vmem>> -> memref<1x128xi32, #tpu.memory_space<vmem>>
      %dma_start3A_356 = tpu.memref_squeeze %dma_start3A_355 : memref<1x128xi32, #tpu.memory_space<vmem>> -> memref<128xi32, #tpu.memory_space<vmem>>
      %dma_start3A_357 = arith.constant 0 : i32
      %dma_start3A_358 = arith.constant 0 : i32
      %dma_start3A_359 = tpu.memref_slice %arg6[%dma_start3A_357, %dma_start3A_358] : memref<10240x32xf32, #tpu.memory_space<vmem_shared>> -> memref<10240x32xf32, #tpu.memory_space<vmem_shared>>
      tpu.enqueue_indirect_dma source(%dma_start3A_353 : memref<128x32xf32, #tpu.memory_space<vmem>>) target(%dma_start3A_359 : memref<10240x32xf32, #tpu.memory_space<vmem_shared>>) offsets(%dma_start3A_356 : memref<128xi32, #tpu.memory_space<vmem>>) semaphore(%arg15 : memref<!tpu.dma_semaphore, #tpu.memory_space<semaphore_mem>>) {add = true}
      %mul3A_360 = arith.constant 4 : i32
      %mul3A_361 = arith.muli %add3A_260, %mul3A_360 : i32
      %add3A_362 = arith.constant 3 : i32
      %add3A_363 = arith.addi %mul3A_361, %add3A_362 : i32
      %dma_start3A_364 = arith.constant 384 : i32
      %dma_start3A_365 = arith.constant 0 : i32
      %dma_start3A_366 = tpu.memref_slice %arg10[%dma_start3A_364, %dma_start3A_365] : memref<512x32xf32, #tpu.memory_space<vmem>> -> memref<128x32xf32, #tpu.memory_space<vmem>>
      %dma_start3A_367 = arith.constant 0 : i32
      %dma_start3A_368 = tpu.memref_slice %arg9[%add3A_363, %dma_start3A_367] : memref<160x128xi32, #tpu.memory_space<vmem>> -> memref<1x128xi32, #tpu.memory_space<vmem>>
      %dma_start3A_369 = tpu.memref_squeeze %dma_start3A_368 : memref<1x128xi32, #tpu.memory_space<vmem>> -> memref<128xi32, #tpu.memory_space<vmem>>
      %dma_start3A_370 = arith.constant 0 : i32
      %dma_start3A_371 = arith.constant 0 : i32
      %dma_start3A_372 = tpu.memref_slice %arg6[%dma_start3A_370, %dma_start3A_371] : memref<10240x32xf32, #tpu.memory_space<vmem_shared>> -> memref<10240x32xf32, #tpu.memory_space<vmem_shared>>
      tpu.enqueue_indirect_dma source(%dma_start3A_366 : memref<128x32xf32, #tpu.memory_space<vmem>>) target(%dma_start3A_372 : memref<10240x32xf32, #tpu.memory_space<vmem_shared>>) offsets(%dma_start3A_369 : memref<128xi32, #tpu.memory_space<vmem>>) semaphore(%arg15 : memref<!tpu.dma_semaphore, #tpu.memory_space<semaphore_mem>>) {add = true}
      %add3A_373 = arith.constant 1 : i32
      %add3A_374 = arith.addi %add3A_258, %add3A_373 : i32
      %ge3A_375 = arith.constant 1 : i32
      %ge3A_376 = arith.cmpi sge, %add3A_374, %ge3A_375 : i32
      %convert_element_type3A_377 = arith.extui %ge3A_376 : i1 to i32
      %cond3A_378 = arith.constant 0 : i32
      %cond3A_379 = arith.cmpi ne, %convert_element_type3A_377, %cond3A_378 : i32
      scf.if %cond3A_379 {
        %sub3A = arith.constant 1 : i32
        %sub3A_491 = arith.subi %add3A_374, %sub3A : i32
        %mul3A_492 = arith.constant 4 : i32
        %mul3A_493 = arith.muli %sub3A_491, %mul3A_492 : i32
        %add3A_494 = arith.constant 0 : i32
        %add3A_495 = arith.addi %mul3A_493, %add3A_494 : i32
        %dma_wait3A_496 = arith.constant 0 : i32
        %dma_wait3A_497 = arith.constant 0 : i32
        %dma_wait3A_498 = tpu.memref_slice %arg10[%dma_wait3A_496, %dma_wait3A_497] : memref<512x32xf32, #tpu.memory_space<vmem>> -> memref<128x32xf32, #tpu.memory_space<vmem>>
        %dma_wait3A_499 = arith.constant 0 : i32
        %dma_wait3A_500 = tpu.memref_slice %arg9[%add3A_495, %dma_wait3A_499] : memref<160x128xi32, #tpu.memory_space<vmem>> -> memref<1x128xi32, #tpu.memory_space<vmem>>
        %dma_wait3A_501 = tpu.memref_squeeze %dma_wait3A_500 : memref<1x128xi32, #tpu.memory_space<vmem>> -> memref<128xi32, #tpu.memory_space<vmem>>
        %dma_wait3A_502 = arith.constant 0 : i32
        %dma_wait3A_503 = arith.constant 0 : i32
        %dma_wait3A_504 = tpu.memref_slice %arg6[%dma_wait3A_502, %dma_wait3A_503] : memref<10240x32xf32, #tpu.memory_space<vmem_shared>> -> memref<10240x32xf32, #tpu.memory_space<vmem_shared>>
        tpu.wait_indirect_dma semaphore(%arg15 : memref<!tpu.dma_semaphore, #tpu.memory_space<semaphore_mem>>) src(%dma_wait3A_498 : memref<128x32xf32, #tpu.memory_space<vmem>>) dst(%dma_wait3A_504 : memref<10240x32xf32, #tpu.memory_space<vmem_shared>>)
        %sub3A_505 = arith.constant 1 : i32
        %sub3A_506 = arith.subi %add3A_374, %sub3A_505 : i32
        %mul3A_507 = arith.constant 4 : i32
        %mul3A_508 = arith.muli %sub3A_506, %mul3A_507 : i32
        %add3A_509 = arith.constant 1 : i32
        %add3A_510 = arith.addi %mul3A_508, %add3A_509 : i32
        %dma_wait3A_511 = arith.constant 128 : i32
        %dma_wait3A_512 = arith.constant 0 : i32
        %dma_wait3A_513 = tpu.memref_slice %arg10[%dma_wait3A_511, %dma_wait3A_512] : memref<512x32xf32, #tpu.memory_space<vmem>> -> memref<128x32xf32, #tpu.memory_space<vmem>>
        %dma_wait3A_514 = arith.constant 0 : i32
        %dma_wait3A_515 = tpu.memref_slice %arg9[%add3A_510, %dma_wait3A_514] : memref<160x128xi32, #tpu.memory_space<vmem>> -> memref<1x128xi32, #tpu.memory_space<vmem>>
        %dma_wait3A_516 = tpu.memref_squeeze %dma_wait3A_515 : memref<1x128xi32, #tpu.memory_space<vmem>> -> memref<128xi32, #tpu.memory_space<vmem>>
        %dma_wait3A_517 = arith.constant 0 : i32
        %dma_wait3A_518 = arith.constant 0 : i32
        %dma_wait3A_519 = tpu.memref_slice %arg6[%dma_wait3A_517, %dma_wait3A_518] : memref<10240x32xf32, #tpu.memory_space<vmem_shared>> -> memref<10240x32xf32, #tpu.memory_space<vmem_shared>>
        tpu.wait_indirect_dma semaphore(%arg15 : memref<!tpu.dma_semaphore, #tpu.memory_space<semaphore_mem>>) src(%dma_wait3A_513 : memref<128x32xf32, #tpu.memory_space<vmem>>) dst(%dma_wait3A_519 : memref<10240x32xf32, #tpu.memory_space<vmem_shared>>)
        %sub3A_520 = arith.constant 1 : i32
        %sub3A_521 = arith.subi %add3A_374, %sub3A_520 : i32
        %mul3A_522 = arith.constant 4 : i32
        %mul3A_523 = arith.muli %sub3A_521, %mul3A_522 : i32
        %add3A_524 = arith.constant 2 : i32
        %add3A_525 = arith.addi %mul3A_523, %add3A_524 : i32
        %dma_wait3A_526 = arith.constant 256 : i32
        %dma_wait3A_527 = arith.constant 0 : i32
        %dma_wait3A_528 = tpu.memref_slice %arg10[%dma_wait3A_526, %dma_wait3A_527] : memref<512x32xf32, #tpu.memory_space<vmem>> -> memref<128x32xf32, #tpu.memory_space<vmem>>
        %dma_wait3A_529 = arith.constant 0 : i32
        %dma_wait3A_530 = tpu.memref_slice %arg9[%add3A_525, %dma_wait3A_529] : memref<160x128xi32, #tpu.memory_space<vmem>> -> memref<1x128xi32, #tpu.memory_space<vmem>>
        %dma_wait3A_531 = tpu.memref_squeeze %dma_wait3A_530 : memref<1x128xi32, #tpu.memory_space<vmem>> -> memref<128xi32, #tpu.memory_space<vmem>>
        %dma_wait3A_532 = arith.constant 0 : i32
        %dma_wait3A_533 = arith.constant 0 : i32
        %dma_wait3A_534 = tpu.memref_slice %arg6[%dma_wait3A_532, %dma_wait3A_533] : memref<10240x32xf32, #tpu.memory_space<vmem_shared>> -> memref<10240x32xf32, #tpu.memory_space<vmem_shared>>
        tpu.wait_indirect_dma semaphore(%arg15 : memref<!tpu.dma_semaphore, #tpu.memory_space<semaphore_mem>>) src(%dma_wait3A_528 : memref<128x32xf32, #tpu.memory_space<vmem>>) dst(%dma_wait3A_534 : memref<10240x32xf32, #tpu.memory_space<vmem_shared>>)
        %sub3A_535 = arith.constant 1 : i32
        %sub3A_536 = arith.subi %add3A_374, %sub3A_535 : i32
        %mul3A_537 = arith.constant 4 : i32
        %mul3A_538 = arith.muli %sub3A_536, %mul3A_537 : i32
        %add3A_539 = arith.constant 3 : i32
        %add3A_540 = arith.addi %mul3A_538, %add3A_539 : i32
        %dma_wait3A_541 = arith.constant 384 : i32
        %dma_wait3A_542 = arith.constant 0 : i32
        %dma_wait3A_543 = tpu.memref_slice %arg10[%dma_wait3A_541, %dma_wait3A_542] : memref<512x32xf32, #tpu.memory_space<vmem>> -> memref<128x32xf32, #tpu.memory_space<vmem>>
        %dma_wait3A_544 = arith.constant 0 : i32
        %dma_wait3A_545 = tpu.memref_slice %arg9[%add3A_540, %dma_wait3A_544] : memref<160x128xi32, #tpu.memory_space<vmem>> -> memref<1x128xi32, #tpu.memory_space<vmem>>
        %dma_wait3A_546 = tpu.memref_squeeze %dma_wait3A_545 : memref<1x128xi32, #tpu.memory_space<vmem>> -> memref<128xi32, #tpu.memory_space<vmem>>
        %dma_wait3A_547 = arith.constant 0 : i32
        %dma_wait3A_548 = arith.constant 0 : i32
        %dma_wait3A_549 = tpu.memref_slice %arg6[%dma_wait3A_547, %dma_wait3A_548] : memref<10240x32xf32, #tpu.memory_space<vmem_shared>> -> memref<10240x32xf32, #tpu.memory_space<vmem_shared>>
        tpu.wait_indirect_dma semaphore(%arg15 : memref<!tpu.dma_semaphore, #tpu.memory_space<semaphore_mem>>) src(%dma_wait3A_543 : memref<128x32xf32, #tpu.memory_space<vmem>>) dst(%dma_wait3A_549 : memref<10240x32xf32, #tpu.memory_space<vmem_shared>>)
      } else {
      }
      %add3A_380 = arith.constant 1 : i32
      %add3A_381 = arith.addi %add3A_374, %add3A_380 : i32
      %lt3A_382 = arith.constant 40 : i32
      %lt3A_383 = arith.cmpi slt, %add3A_381, %lt3A_382 : i32
      %convert_element_type3A_384 = arith.extui %lt3A_383 : i1 to i32
      %cond3A_385 = arith.constant 0 : i32
      %cond3A_386 = arith.cmpi ne, %convert_element_type3A_384, %cond3A_385 : i32
      scf.if %cond3A_386 {
        %add3A_491 = arith.constant 1 : i32
        %add3A_492 = arith.addi %add3A_374, %add3A_491 : i32
        %mul3A_493 = arith.constant 4 : i32
        %mul3A_494 = arith.muli %add3A_492, %mul3A_493 : i32
        %add3A_495 = arith.constant 0 : i32
        %add3A_496 = arith.addi %mul3A_494, %add3A_495 : i32
        %dma_start3A_497 = arith.constant 0 : i32
        %dma_start3A_498 = arith.constant 0 : i32
        %dma_start3A_499 = tpu.memref_slice %arg10[%dma_start3A_497, %dma_start3A_498] : memref<512x32xf32, #tpu.memory_space<vmem>> -> memref<128x32xf32, #tpu.memory_space<vmem>>
        %dma_start3A_500 = arith.constant 0 : i32
        %dma_start3A_501 = tpu.memref_slice %arg8[%add3A_496, %dma_start3A_500] : memref<160x128xi32, #tpu.memory_space<vmem>> -> memref<1x128xi32, #tpu.memory_space<vmem>>
        %dma_start3A_502 = tpu.memref_squeeze %dma_start3A_501 : memref<1x128xi32, #tpu.memory_space<vmem>> -> memref<128xi32, #tpu.memory_space<vmem>>
        %dma_start3A_503 = arith.constant 0 : i32
        %dma_start3A_504 = arith.constant 0 : i32
        %dma_start3A_505 = tpu.memref_slice %arg7[%dma_start3A_503, %dma_start3A_504] : memref<10240x32xf32, #tpu.memory_space<vmem_shared>> -> memref<10240x32xf32, #tpu.memory_space<vmem_shared>>
        tpu.enqueue_indirect_dma source(%dma_start3A_505 : memref<10240x32xf32, #tpu.memory_space<vmem_shared>>) target(%dma_start3A_499 : memref<128x32xf32, #tpu.memory_space<vmem>>) offsets(%dma_start3A_502 : memref<128xi32, #tpu.memory_space<vmem>>) semaphore(%arg13 : memref<!tpu.dma_semaphore, #tpu.memory_space<semaphore_mem>>)
        %add3A_506 = arith.constant 1 : i32
        %add3A_507 = arith.addi %add3A_374, %add3A_506 : i32
        %mul3A_508 = arith.constant 4 : i32
        %mul3A_509 = arith.muli %add3A_507, %mul3A_508 : i32
        %add3A_510 = arith.constant 1 : i32
        %add3A_511 = arith.addi %mul3A_509, %add3A_510 : i32
        %dma_start3A_512 = arith.constant 128 : i32
        %dma_start3A_513 = arith.constant 0 : i32
        %dma_start3A_514 = tpu.memref_slice %arg10[%dma_start3A_512, %dma_start3A_513] : memref<512x32xf32, #tpu.memory_space<vmem>> -> memref<128x32xf32, #tpu.memory_space<vmem>>
        %dma_start3A_515 = arith.constant 0 : i32
        %dma_start3A_516 = tpu.memref_slice %arg8[%add3A_511, %dma_start3A_515] : memref<160x128xi32, #tpu.memory_space<vmem>> -> memref<1x128xi32, #tpu.memory_space<vmem>>
        %dma_start3A_517 = tpu.memref_squeeze %dma_start3A_516 : memref<1x128xi32, #tpu.memory_space<vmem>> -> memref<128xi32, #tpu.memory_space<vmem>>
        %dma_start3A_518 = arith.constant 0 : i32
        %dma_start3A_519 = arith.constant 0 : i32
        %dma_start3A_520 = tpu.memref_slice %arg7[%dma_start3A_518, %dma_start3A_519] : memref<10240x32xf32, #tpu.memory_space<vmem_shared>> -> memref<10240x32xf32, #tpu.memory_space<vmem_shared>>
        tpu.enqueue_indirect_dma source(%dma_start3A_520 : memref<10240x32xf32, #tpu.memory_space<vmem_shared>>) target(%dma_start3A_514 : memref<128x32xf32, #tpu.memory_space<vmem>>) offsets(%dma_start3A_517 : memref<128xi32, #tpu.memory_space<vmem>>) semaphore(%arg13 : memref<!tpu.dma_semaphore, #tpu.memory_space<semaphore_mem>>)
        %add3A_521 = arith.constant 1 : i32
        %add3A_522 = arith.addi %add3A_374, %add3A_521 : i32
        %mul3A_523 = arith.constant 4 : i32
        %mul3A_524 = arith.muli %add3A_522, %mul3A_523 : i32
        %add3A_525 = arith.constant 2 : i32
        %add3A_526 = arith.addi %mul3A_524, %add3A_525 : i32
        %dma_start3A_527 = arith.constant 256 : i32
        %dma_start3A_528 = arith.constant 0 : i32
        %dma_start3A_529 = tpu.memref_slice %arg10[%dma_start3A_527, %dma_start3A_528] : memref<512x32xf32, #tpu.memory_space<vmem>> -> memref<128x32xf32, #tpu.memory_space<vmem>>
        %dma_start3A_530 = arith.constant 0 : i32
        %dma_start3A_531 = tpu.memref_slice %arg8[%add3A_526, %dma_start3A_530] : memref<160x128xi32, #tpu.memory_space<vmem>> -> memref<1x128xi32, #tpu.memory_space<vmem>>
        %dma_start3A_532 = tpu.memref_squeeze %dma_start3A_531 : memref<1x128xi32, #tpu.memory_space<vmem>> -> memref<128xi32, #tpu.memory_space<vmem>>
        %dma_start3A_533 = arith.constant 0 : i32
        %dma_start3A_534 = arith.constant 0 : i32
        %dma_start3A_535 = tpu.memref_slice %arg7[%dma_start3A_533, %dma_start3A_534] : memref<10240x32xf32, #tpu.memory_space<vmem_shared>> -> memref<10240x32xf32, #tpu.memory_space<vmem_shared>>
        tpu.enqueue_indirect_dma source(%dma_start3A_535 : memref<10240x32xf32, #tpu.memory_space<vmem_shared>>) target(%dma_start3A_529 : memref<128x32xf32, #tpu.memory_space<vmem>>) offsets(%dma_start3A_532 : memref<128xi32, #tpu.memory_space<vmem>>) semaphore(%arg13 : memref<!tpu.dma_semaphore, #tpu.memory_space<semaphore_mem>>)
        %add3A_536 = arith.constant 1 : i32
        %add3A_537 = arith.addi %add3A_374, %add3A_536 : i32
        %mul3A_538 = arith.constant 4 : i32
        %mul3A_539 = arith.muli %add3A_537, %mul3A_538 : i32
        %add3A_540 = arith.constant 3 : i32
        %add3A_541 = arith.addi %mul3A_539, %add3A_540 : i32
        %dma_start3A_542 = arith.constant 384 : i32
        %dma_start3A_543 = arith.constant 0 : i32
        %dma_start3A_544 = tpu.memref_slice %arg10[%dma_start3A_542, %dma_start3A_543] : memref<512x32xf32, #tpu.memory_space<vmem>> -> memref<128x32xf32, #tpu.memory_space<vmem>>
        %dma_start3A_545 = arith.constant 0 : i32
        %dma_start3A_546 = tpu.memref_slice %arg8[%add3A_541, %dma_start3A_545] : memref<160x128xi32, #tpu.memory_space<vmem>> -> memref<1x128xi32, #tpu.memory_space<vmem>>
        %dma_start3A_547 = tpu.memref_squeeze %dma_start3A_546 : memref<1x128xi32, #tpu.memory_space<vmem>> -> memref<128xi32, #tpu.memory_space<vmem>>
        %dma_start3A_548 = arith.constant 0 : i32
        %dma_start3A_549 = arith.constant 0 : i32
        %dma_start3A_550 = tpu.memref_slice %arg7[%dma_start3A_548, %dma_start3A_549] : memref<10240x32xf32, #tpu.memory_space<vmem_shared>> -> memref<10240x32xf32, #tpu.memory_space<vmem_shared>>
        tpu.enqueue_indirect_dma source(%dma_start3A_550 : memref<10240x32xf32, #tpu.memory_space<vmem_shared>>) target(%dma_start3A_544 : memref<128x32xf32, #tpu.memory_space<vmem>>) offsets(%dma_start3A_547 : memref<128xi32, #tpu.memory_space<vmem>>) semaphore(%arg13 : memref<!tpu.dma_semaphore, #tpu.memory_space<semaphore_mem>>)
      } else {
      }
      %mul3A_387 = arith.constant 4 : i32
      %mul3A_388 = arith.muli %add3A_374, %mul3A_387 : i32
      %add3A_389 = arith.constant 0 : i32
      %add3A_390 = arith.addi %mul3A_388, %add3A_389 : i32
      %dma_wait3A_391 = arith.constant 0 : i32
      %dma_wait3A_392 = arith.constant 0 : i32
      %dma_wait3A_393 = tpu.memref_slice %arg11[%dma_wait3A_391, %dma_wait3A_392] : memref<512x32xf32, #tpu.memory_space<vmem>> -> memref<128x32xf32, #tpu.memory_space<vmem>>
      %dma_wait3A_394 = arith.constant 0 : i32
      %dma_wait3A_395 = tpu.memref_slice %arg8[%add3A_390, %dma_wait3A_394] : memref<160x128xi32, #tpu.memory_space<vmem>> -> memref<1x128xi32, #tpu.memory_space<vmem>>
      %dma_wait3A_396 = tpu.memref_squeeze %dma_wait3A_395 : memref<1x128xi32, #tpu.memory_space<vmem>> -> memref<128xi32, #tpu.memory_space<vmem>>
      %dma_wait3A_397 = arith.constant 0 : i32
      %dma_wait3A_398 = arith.constant 0 : i32
      %dma_wait3A_399 = tpu.memref_slice %arg7[%dma_wait3A_397, %dma_wait3A_398] : memref<10240x32xf32, #tpu.memory_space<vmem_shared>> -> memref<10240x32xf32, #tpu.memory_space<vmem_shared>>
      tpu.wait_indirect_dma semaphore(%arg14 : memref<!tpu.dma_semaphore, #tpu.memory_space<semaphore_mem>>) src(%dma_wait3A_399 : memref<10240x32xf32, #tpu.memory_space<vmem_shared>>) dst(%dma_wait3A_393 : memref<128x32xf32, #tpu.memory_space<vmem>>)
      %mul3A_400 = arith.constant 4 : i32
      %mul3A_401 = arith.muli %add3A_374, %mul3A_400 : i32
      %add3A_402 = arith.constant 1 : i32
      %add3A_403 = arith.addi %mul3A_401, %add3A_402 : i32
      %dma_wait3A_404 = arith.constant 128 : i32
      %dma_wait3A_405 = arith.constant 0 : i32
      %dma_wait3A_406 = tpu.memref_slice %arg11[%dma_wait3A_404, %dma_wait3A_405] : memref<512x32xf32, #tpu.memory_space<vmem>> -> memref<128x32xf32, #tpu.memory_space<vmem>>
      %dma_wait3A_407 = arith.constant 0 : i32
      %dma_wait3A_408 = tpu.memref_slice %arg8[%add3A_403, %dma_wait3A_407] : memref<160x128xi32, #tpu.memory_space<vmem>> -> memref<1x128xi32, #tpu.memory_space<vmem>>
      %dma_wait3A_409 = tpu.memref_squeeze %dma_wait3A_408 : memref<1x128xi32, #tpu.memory_space<vmem>> -> memref<128xi32, #tpu.memory_space<vmem>>
      %dma_wait3A_410 = arith.constant 0 : i32
      %dma_wait3A_411 = arith.constant 0 : i32
      %dma_wait3A_412 = tpu.memref_slice %arg7[%dma_wait3A_410, %dma_wait3A_411] : memref<10240x32xf32, #tpu.memory_space<vmem_shared>> -> memref<10240x32xf32, #tpu.memory_space<vmem_shared>>
      tpu.wait_indirect_dma semaphore(%arg14 : memref<!tpu.dma_semaphore, #tpu.memory_space<semaphore_mem>>) src(%dma_wait3A_412 : memref<10240x32xf32, #tpu.memory_space<vmem_shared>>) dst(%dma_wait3A_406 : memref<128x32xf32, #tpu.memory_space<vmem>>)
      %mul3A_413 = arith.constant 4 : i32
      %mul3A_414 = arith.muli %add3A_374, %mul3A_413 : i32
      %add3A_415 = arith.constant 2 : i32
      %add3A_416 = arith.addi %mul3A_414, %add3A_415 : i32
      %dma_wait3A_417 = arith.constant 256 : i32
      %dma_wait3A_418 = arith.constant 0 : i32
      %dma_wait3A_419 = tpu.memref_slice %arg11[%dma_wait3A_417, %dma_wait3A_418] : memref<512x32xf32, #tpu.memory_space<vmem>> -> memref<128x32xf32, #tpu.memory_space<vmem>>
      %dma_wait3A_420 = arith.constant 0 : i32
      %dma_wait3A_421 = tpu.memref_slice %arg8[%add3A_416, %dma_wait3A_420] : memref<160x128xi32, #tpu.memory_space<vmem>> -> memref<1x128xi32, #tpu.memory_space<vmem>>
      %dma_wait3A_422 = tpu.memref_squeeze %dma_wait3A_421 : memref<1x128xi32, #tpu.memory_space<vmem>> -> memref<128xi32, #tpu.memory_space<vmem>>
      %dma_wait3A_423 = arith.constant 0 : i32
      %dma_wait3A_424 = arith.constant 0 : i32
      %dma_wait3A_425 = tpu.memref_slice %arg7[%dma_wait3A_423, %dma_wait3A_424] : memref<10240x32xf32, #tpu.memory_space<vmem_shared>> -> memref<10240x32xf32, #tpu.memory_space<vmem_shared>>
      tpu.wait_indirect_dma semaphore(%arg14 : memref<!tpu.dma_semaphore, #tpu.memory_space<semaphore_mem>>) src(%dma_wait3A_425 : memref<10240x32xf32, #tpu.memory_space<vmem_shared>>) dst(%dma_wait3A_419 : memref<128x32xf32, #tpu.memory_space<vmem>>)
      %mul3A_426 = arith.constant 4 : i32
      %mul3A_427 = arith.muli %add3A_374, %mul3A_426 : i32
      %add3A_428 = arith.constant 3 : i32
      %add3A_429 = arith.addi %mul3A_427, %add3A_428 : i32
      %dma_wait3A_430 = arith.constant 384 : i32
      %dma_wait3A_431 = arith.constant 0 : i32
      %dma_wait3A_432 = tpu.memref_slice %arg11[%dma_wait3A_430, %dma_wait3A_431] : memref<512x32xf32, #tpu.memory_space<vmem>> -> memref<128x32xf32, #tpu.memory_space<vmem>>
      %dma_wait3A_433 = arith.constant 0 : i32
      %dma_wait3A_434 = tpu.memref_slice %arg8[%add3A_429, %dma_wait3A_433] : memref<160x128xi32, #tpu.memory_space<vmem>> -> memref<1x128xi32, #tpu.memory_space<vmem>>
      %dma_wait3A_435 = tpu.memref_squeeze %dma_wait3A_434 : memref<1x128xi32, #tpu.memory_space<vmem>> -> memref<128xi32, #tpu.memory_space<vmem>>
      %dma_wait3A_436 = arith.constant 0 : i32
      %dma_wait3A_437 = arith.constant 0 : i32
      %dma_wait3A_438 = tpu.memref_slice %arg7[%dma_wait3A_436, %dma_wait3A_437] : memref<10240x32xf32, #tpu.memory_space<vmem_shared>> -> memref<10240x32xf32, #tpu.memory_space<vmem_shared>>
      tpu.wait_indirect_dma semaphore(%arg14 : memref<!tpu.dma_semaphore, #tpu.memory_space<semaphore_mem>>) src(%dma_wait3A_438 : memref<10240x32xf32, #tpu.memory_space<vmem_shared>>) dst(%dma_wait3A_432 : memref<128x32xf32, #tpu.memory_space<vmem>>)
      %mul3A_439 = arith.constant 4 : i32
      %mul3A_440 = arith.muli %add3A_374, %mul3A_439 : i32
      %add3A_441 = arith.constant 0 : i32
      %add3A_442 = arith.addi %mul3A_440, %add3A_441 : i32
      %dma_start3A_443 = arith.constant 0 : i32
      %dma_start3A_444 = arith.constant 0 : i32
      %dma_start3A_445 = tpu.memref_slice %arg11[%dma_start3A_443, %dma_start3A_444] : memref<512x32xf32, #tpu.memory_space<vmem>> -> memref<128x32xf32, #tpu.memory_space<vmem>>
      %dma_start3A_446 = arith.constant 0 : i32
      %dma_start3A_447 = tpu.memref_slice %arg9[%add3A_442, %dma_start3A_446] : memref<160x128xi32, #tpu.memory_space<vmem>> -> memref<1x128xi32, #tpu.memory_space<vmem>>
      %dma_start3A_448 = tpu.memref_squeeze %dma_start3A_447 : memref<1x128xi32, #tpu.memory_space<vmem>> -> memref<128xi32, #tpu.memory_space<vmem>>
      %dma_start3A_449 = arith.constant 0 : i32
      %dma_start3A_450 = arith.constant 0 : i32
      %dma_start3A_451 = tpu.memref_slice %arg6[%dma_start3A_449, %dma_start3A_450] : memref<10240x32xf32, #tpu.memory_space<vmem_shared>> -> memref<10240x32xf32, #tpu.memory_space<vmem_shared>>
      tpu.enqueue_indirect_dma source(%dma_start3A_445 : memref<128x32xf32, #tpu.memory_space<vmem>>) target(%dma_start3A_451 : memref<10240x32xf32, #tpu.memory_space<vmem_shared>>) offsets(%dma_start3A_448 : memref<128xi32, #tpu.memory_space<vmem>>) semaphore(%arg16 : memref<!tpu.dma_semaphore, #tpu.memory_space<semaphore_mem>>) {add = true}
      %mul3A_452 = arith.constant 4 : i32
      %mul3A_453 = arith.muli %add3A_374, %mul3A_452 : i32
      %add3A_454 = arith.constant 1 : i32
      %add3A_455 = arith.addi %mul3A_453, %add3A_454 : i32
      %dma_start3A_456 = arith.constant 128 : i32
      %dma_start3A_457 = arith.constant 0 : i32
      %dma_start3A_458 = tpu.memref_slice %arg11[%dma_start3A_456, %dma_start3A_457] : memref<512x32xf32, #tpu.memory_space<vmem>> -> memref<128x32xf32, #tpu.memory_space<vmem>>
      %dma_start3A_459 = arith.constant 0 : i32
      %dma_start3A_460 = tpu.memref_slice %arg9[%add3A_455, %dma_start3A_459] : memref<160x128xi32, #tpu.memory_space<vmem>> -> memref<1x128xi32, #tpu.memory_space<vmem>>
      %dma_start3A_461 = tpu.memref_squeeze %dma_start3A_460 : memref<1x128xi32, #tpu.memory_space<vmem>> -> memref<128xi32, #tpu.memory_space<vmem>>
      %dma_start3A_462 = arith.constant 0 : i32
      %dma_start3A_463 = arith.constant 0 : i32
      %dma_start3A_464 = tpu.memref_slice %arg6[%dma_start3A_462, %dma_start3A_463] : memref<10240x32xf32, #tpu.memory_space<vmem_shared>> -> memref<10240x32xf32, #tpu.memory_space<vmem_shared>>
      tpu.enqueue_indirect_dma source(%dma_start3A_458 : memref<128x32xf32, #tpu.memory_space<vmem>>) target(%dma_start3A_464 : memref<10240x32xf32, #tpu.memory_space<vmem_shared>>) offsets(%dma_start3A_461 : memref<128xi32, #tpu.memory_space<vmem>>) semaphore(%arg16 : memref<!tpu.dma_semaphore, #tpu.memory_space<semaphore_mem>>) {add = true}
      %mul3A_465 = arith.constant 4 : i32
      %mul3A_466 = arith.muli %add3A_374, %mul3A_465 : i32
      %add3A_467 = arith.constant 2 : i32
      %add3A_468 = arith.addi %mul3A_466, %add3A_467 : i32
      %dma_start3A_469 = arith.constant 256 : i32
      %dma_start3A_470 = arith.constant 0 : i32
      %dma_start3A_471 = tpu.memref_slice %arg11[%dma_start3A_469, %dma_start3A_470] : memref<512x32xf32, #tpu.memory_space<vmem>> -> memref<128x32xf32, #tpu.memory_space<vmem>>
      %dma_start3A_472 = arith.constant 0 : i32
      %dma_start3A_473 = tpu.memref_slice %arg9[%add3A_468, %dma_start3A_472] : memref<160x128xi32, #tpu.memory_space<vmem>> -> memref<1x128xi32, #tpu.memory_space<vmem>>
      %dma_start3A_474 = tpu.memref_squeeze %dma_start3A_473 : memref<1x128xi32, #tpu.memory_space<vmem>> -> memref<128xi32, #tpu.memory_space<vmem>>
      %dma_start3A_475 = arith.constant 0 : i32
      %dma_start3A_476 = arith.constant 0 : i32
      %dma_start3A_477 = tpu.memref_slice %arg6[%dma_start3A_475, %dma_start3A_476] : memref<10240x32xf32, #tpu.memory_space<vmem_shared>> -> memref<10240x32xf32, #tpu.memory_space<vmem_shared>>
      tpu.enqueue_indirect_dma source(%dma_start3A_471 : memref<128x32xf32, #tpu.memory_space<vmem>>) target(%dma_start3A_477 : memref<10240x32xf32, #tpu.memory_space<vmem_shared>>) offsets(%dma_start3A_474 : memref<128xi32, #tpu.memory_space<vmem>>) semaphore(%arg16 : memref<!tpu.dma_semaphore, #tpu.memory_space<semaphore_mem>>) {add = true}
      %mul3A_478 = arith.constant 4 : i32
      %mul3A_479 = arith.muli %add3A_374, %mul3A_478 : i32
      %add3A_480 = arith.constant 3 : i32
      %add3A_481 = arith.addi %mul3A_479, %add3A_480 : i32
      %dma_start3A_482 = arith.constant 384 : i32
      %dma_start3A_483 = arith.constant 0 : i32
      %dma_start3A_484 = tpu.memref_slice %arg11[%dma_start3A_482, %dma_start3A_483] : memref<512x32xf32, #tpu.memory_space<vmem>> -> memref<128x32xf32, #tpu.memory_space<vmem>>
      %dma_start3A_485 = arith.constant 0 : i32
      %dma_start3A_486 = tpu.memref_slice %arg9[%add3A_481, %dma_start3A_485] : memref<160x128xi32, #tpu.memory_space<vmem>> -> memref<1x128xi32, #tpu.memory_space<vmem>>
      %dma_start3A_487 = tpu.memref_squeeze %dma_start3A_486 : memref<1x128xi32, #tpu.memory_space<vmem>> -> memref<128xi32, #tpu.memory_space<vmem>>
      %dma_start3A_488 = arith.constant 0 : i32
      %dma_start3A_489 = arith.constant 0 : i32
      %dma_start3A_490 = tpu.memref_slice %arg6[%dma_start3A_488, %dma_start3A_489] : memref<10240x32xf32, #tpu.memory_space<vmem_shared>> -> memref<10240x32xf32, #tpu.memory_space<vmem_shared>>
      tpu.enqueue_indirect_dma source(%dma_start3A_484 : memref<128x32xf32, #tpu.memory_space<vmem>>) target(%dma_start3A_490 : memref<10240x32xf32, #tpu.memory_space<vmem_shared>>) offsets(%dma_start3A_487 : memref<128xi32, #tpu.memory_space<vmem>>) semaphore(%arg16 : memref<!tpu.dma_semaphore, #tpu.memory_space<semaphore_mem>>) {add = true}
    }
    %scan3A_74 = arith.constant 20 : i32
    %dma_wait3A_75 = arith.constant 156 : i32
    %dma_wait3A_76 = arith.constant 0 : i32
    %dma_wait3A_77 = arith.constant 0 : i32
    %dma_wait3A_78 = tpu.memref_slice %arg11[%dma_wait3A_76, %dma_wait3A_77] : memref<512x32xf32, #tpu.memory_space<vmem>> -> memref<128x32xf32, #tpu.memory_space<vmem>>
    %dma_wait3A_79 = arith.constant 0 : i32
    %dma_wait3A_80 = tpu.memref_slice %arg9[%dma_wait3A_75, %dma_wait3A_79] : memref<160x128xi32, #tpu.memory_space<vmem>> -> memref<1x128xi32, #tpu.memory_space<vmem>>
    %dma_wait3A_81 = tpu.memref_squeeze %dma_wait3A_80 : memref<1x128xi32, #tpu.memory_space<vmem>> -> memref<128xi32, #tpu.memory_space<vmem>>
    %dma_wait3A_82 = arith.constant 0 : i32
    %dma_wait3A_83 = arith.constant 0 : i32
    %dma_wait3A_84 = tpu.memref_slice %arg6[%dma_wait3A_82, %dma_wait3A_83] : memref<10240x32xf32, #tpu.memory_space<vmem_shared>> -> memref<10240x32xf32, #tpu.memory_space<vmem_shared>>
    tpu.wait_indirect_dma semaphore(%arg16 : memref<!tpu.dma_semaphore, #tpu.memory_space<semaphore_mem>>) src(%dma_wait3A_78 : memref<128x32xf32, #tpu.memory_space<vmem>>) dst(%dma_wait3A_84 : memref<10240x32xf32, #tpu.memory_space<vmem_shared>>)
    %dma_wait3A_85 = arith.constant 157 : i32
    %dma_wait3A_86 = arith.constant 128 : i32
    %dma_wait3A_87 = arith.constant 0 : i32
    %dma_wait3A_88 = tpu.memref_slice %arg11[%dma_wait3A_86, %dma_wait3A_87] : memref<512x32xf32, #tpu.memory_space<vmem>> -> memref<128x32xf32, #tpu.memory_space<vmem>>
    %dma_wait3A_89 = arith.constant 0 : i32
    %dma_wait3A_90 = tpu.memref_slice %arg9[%dma_wait3A_85, %dma_wait3A_89] : memref<160x128xi32, #tpu.memory_space<vmem>> -> memref<1x128xi32, #tpu.memory_space<vmem>>
    %dma_wait3A_91 = tpu.memref_squeeze %dma_wait3A_90 : memref<1x128xi32, #tpu.memory_space<vmem>> -> memref<128xi32, #tpu.memory_space<vmem>>
    %dma_wait3A_92 = arith.constant 0 : i32
    %dma_wait3A_93 = arith.constant 0 : i32
    %dma_wait3A_94 = tpu.memref_slice %arg6[%dma_wait3A_92, %dma_wait3A_93] : memref<10240x32xf32, #tpu.memory_space<vmem_shared>> -> memref<10240x32xf32, #tpu.memory_space<vmem_shared>>
    tpu.wait_indirect_dma semaphore(%arg16 : memref<!tpu.dma_semaphore, #tpu.memory_space<semaphore_mem>>) src(%dma_wait3A_88 : memref<128x32xf32, #tpu.memory_space<vmem>>) dst(%dma_wait3A_94 : memref<10240x32xf32, #tpu.memory_space<vmem_shared>>)
    %dma_wait3A_95 = arith.constant 158 : i32
    %dma_wait3A_96 = arith.constant 256 : i32
    %dma_wait3A_97 = arith.constant 0 : i32
    %dma_wait3A_98 = tpu.memref_slice %arg11[%dma_wait3A_96, %dma_wait3A_97] : memref<512x32xf32, #tpu.memory_space<vmem>> -> memref<128x32xf32, #tpu.memory_space<vmem>>
    %dma_wait3A_99 = arith.constant 0 : i32
    %dma_wait3A_100 = tpu.memref_slice %arg9[%dma_wait3A_95, %dma_wait3A_99] : memref<160x128xi32, #tpu.memory_space<vmem>> -> memref<1x128xi32, #tpu.memory_space<vmem>>
    %dma_wait3A_101 = tpu.memref_squeeze %dma_wait3A_100 : memref<1x128xi32, #tpu.memory_space<vmem>> -> memref<128xi32, #tpu.memory_space<vmem>>
    %dma_wait3A_102 = arith.constant 0 : i32
    %dma_wait3A_103 = arith.constant 0 : i32
    %dma_wait3A_104 = tpu.memref_slice %arg6[%dma_wait3A_102, %dma_wait3A_103] : memref<10240x32xf32, #tpu.memory_space<vmem_shared>> -> memref<10240x32xf32, #tpu.memory_space<vmem_shared>>
    tpu.wait_indirect_dma semaphore(%arg16 : memref<!tpu.dma_semaphore, #tpu.memory_space<semaphore_mem>>) src(%dma_wait3A_98 : memref<128x32xf32, #tpu.memory_space<vmem>>) dst(%dma_wait3A_104 : memref<10240x32xf32, #tpu.memory_space<vmem_shared>>)
    %dma_wait3A_105 = arith.constant 159 : i32
    %dma_wait3A_106 = arith.constant 384 : i32
    %dma_wait3A_107 = arith.constant 0 : i32
    %dma_wait3A_108 = tpu.memref_slice %arg11[%dma_wait3A_106, %dma_wait3A_107] : memref<512x32xf32, #tpu.memory_space<vmem>> -> memref<128x32xf32, #tpu.memory_space<vmem>>
    %dma_wait3A_109 = arith.constant 0 : i32
    %dma_wait3A_110 = tpu.memref_slice %arg9[%dma_wait3A_105, %dma_wait3A_109] : memref<160x128xi32, #tpu.memory_space<vmem>> -> memref<1x128xi32, #tpu.memory_space<vmem>>
    %dma_wait3A_111 = tpu.memref_squeeze %dma_wait3A_110 : memref<1x128xi32, #tpu.memory_space<vmem>> -> memref<128xi32, #tpu.memory_space<vmem>>
    %dma_wait3A_112 = arith.constant 0 : i32
    %dma_wait3A_113 = arith.constant 0 : i32
    %dma_wait3A_114 = tpu.memref_slice %arg6[%dma_wait3A_112, %dma_wait3A_113] : memref<10240x32xf32, #tpu.memory_space<vmem_shared>> -> memref<10240x32xf32, #tpu.memory_space<vmem_shared>>
    tpu.wait_indirect_dma semaphore(%arg16 : memref<!tpu.dma_semaphore, #tpu.memory_space<semaphore_mem>>) src(%dma_wait3A_108 : memref<128x32xf32, #tpu.memory_space<vmem>>) dst(%dma_wait3A_114 : memref<10240x32xf32, #tpu.memory_space<vmem_shared>>)
    %barrier3A_115 = arith.constant 0 : index
    tpu.barrier barrier_id(%barrier3A_115)
    %add3A = arith.constant 0 : i32
    %add3A_116 = arith.addi %mul3A_0, %add3A : i32
    %dma_start3A_117 = arith.constant 0 : i32
    %dma_start3A_118 = arith.constant 0 : i32
    %dma_start3A_119 = tpu.memref_slice %arg10[%dma_start3A_117, %dma_start3A_118] : memref<512x32xf32, #tpu.memory_space<vmem>> -> memref<512x32xf32, #tpu.memory_space<vmem>>
    %dma_start3A_120 = arith.constant 0 : i32
    %dma_start3A_121 = tpu.memref_slice %arg6[%add3A_116, %dma_start3A_120] : memref<10240x32xf32, #tpu.memory_space<vmem_shared>> -> memref<512x32xf32, #tpu.memory_space<vmem_shared>>
    %dma_start3A_122 = arith.constant 0 : i32
    %dma_start3A_123 = arith.constant 0 : i32
    %dma_start3A_124 = tpu.memref_slice %arg10[%dma_start3A_122, %dma_start3A_123] : memref<512x32xf32, #tpu.memory_space<vmem>> -> memref<512x32xf32, #tpu.memory_space<vmem>>
    %dma_start3A_125 = arith.constant 0 : i32
    %dma_start3A_126 = tpu.memref_slice %arg6[%add3A_116, %dma_start3A_125] : memref<10240x32xf32, #tpu.memory_space<vmem_shared>> -> memref<512x32xf32, #tpu.memory_space<vmem_shared>>
    tpu.enqueue_dma source(%dma_start3A_126 : memref<512x32xf32, #tpu.memory_space<vmem_shared>>) target(%dma_start3A_124 : memref<512x32xf32, #tpu.memory_space<vmem>>) target_semaphore(%arg13 : memref<!tpu.dma_semaphore, #tpu.memory_space<semaphore_mem>>)
    %add3A_127 = arith.constant 512 : i32
    %add3A_128 = arith.addi %mul3A_0, %add3A_127 : i32
    %dma_start3A_129 = arith.constant 0 : i32
    %dma_start3A_130 = arith.constant 0 : i32
    %dma_start3A_131 = tpu.memref_slice %arg11[%dma_start3A_129, %dma_start3A_130] : memref<512x32xf32, #tpu.memory_space<vmem>> -> memref<128x32xf32, #tpu.memory_space<vmem>>
    %dma_start3A_132 = arith.constant 0 : i32
    %dma_start3A_133 = tpu.memref_slice %arg6[%add3A_128, %dma_start3A_132] : memref<10240x32xf32, #tpu.memory_space<vmem_shared>> -> memref<128x32xf32, #tpu.memory_space<vmem_shared>>
    %dma_start3A_134 = arith.constant 0 : i32
    %dma_start3A_135 = arith.constant 0 : i32
    %dma_start3A_136 = tpu.memref_slice %arg11[%dma_start3A_134, %dma_start3A_135] : memref<512x32xf32, #tpu.memory_space<vmem>> -> memref<128x32xf32, #tpu.memory_space<vmem>>
    %dma_start3A_137 = arith.constant 0 : i32
    %dma_start3A_138 = tpu.memref_slice %arg6[%add3A_128, %dma_start3A_137] : memref<10240x32xf32, #tpu.memory_space<vmem_shared>> -> memref<128x32xf32, #tpu.memory_space<vmem_shared>>
    tpu.enqueue_dma source(%dma_start3A_138 : memref<128x32xf32, #tpu.memory_space<vmem_shared>>) target(%dma_start3A_136 : memref<128x32xf32, #tpu.memory_space<vmem>>) target_semaphore(%arg14 : memref<!tpu.dma_semaphore, #tpu.memory_space<semaphore_mem>>)
    %add3A_139 = arith.constant 0 : i32
    %add3A_140 = arith.addi %mul3A_0, %add3A_139 : i32
    %dma_wait3A_141 = arith.constant 0 : i32
    %dma_wait3A_142 = arith.constant 0 : i32
    %dma_wait3A_143 = tpu.memref_slice %arg10[%dma_wait3A_141, %dma_wait3A_142] : memref<512x32xf32, #tpu.memory_space<vmem>> -> memref<512x32xf32, #tpu.memory_space<vmem>>
    %dma_wait3A_144 = arith.constant 0 : i32
    %dma_wait3A_145 = tpu.memref_slice %arg6[%add3A_140, %dma_wait3A_144] : memref<10240x32xf32, #tpu.memory_space<vmem_shared>> -> memref<512x32xf32, #tpu.memory_space<vmem_shared>>
    %dma_wait3A_146 = arith.constant 0 : i32
    %dma_wait3A_147 = arith.constant 0 : i32
    %dma_wait3A_148 = tpu.memref_slice %arg10[%dma_wait3A_146, %dma_wait3A_147] : memref<512x32xf32, #tpu.memory_space<vmem>> -> memref<512x32xf32, #tpu.memory_space<vmem>>
    %dma_wait3A_149 = arith.constant 0 : i32
    %dma_wait3A_150 = tpu.memref_slice %arg6[%add3A_140, %dma_wait3A_149] : memref<10240x32xf32, #tpu.memory_space<vmem_shared>> -> memref<512x32xf32, #tpu.memory_space<vmem_shared>>
    tpu.wait_dma2 semaphore(%arg13 : memref<!tpu.dma_semaphore, #tpu.memory_space<semaphore_mem>>) src(%dma_wait3A_150 : memref<512x32xf32, #tpu.memory_space<vmem_shared>>) dst(%dma_wait3A_148 : memref<512x32xf32, #tpu.memory_space<vmem>>)
    %add3A_151 = arith.constant 0 : i32
    %add3A_152 = arith.addi %mul3A_0, %add3A_151 : i32
    "tpu.region"() ({
      %run_scoped3A = tpu.sem_alloc : memref<!tpu.dma_semaphore, #tpu.memory_space<semaphore_mem>>
      %dma_start3A_254 = arith.constant 0 : i32
      %dma_start3A_255 = arith.constant 0 : i32
      %dma_start3A_256 = tpu.memref_slice %arg10[%dma_start3A_254, %dma_start3A_255] : memref<512x32xf32, #tpu.memory_space<vmem>> -> memref<512x32xf32, #tpu.memory_space<vmem>>
      %dma_start3A_257 = arith.constant 0 : i32
      %dma_start3A_258 = tpu.memref_slice %arg7[%add3A_152, %dma_start3A_257] : memref<10240x32xf32, #tpu.memory_space<vmem_shared>> -> memref<512x32xf32, #tpu.memory_space<vmem_shared>>
      %dma_start3A_259 = arith.constant 0 : i32
      %dma_start3A_260 = tpu.memref_slice %arg7[%add3A_152, %dma_start3A_259] : memref<10240x32xf32, #tpu.memory_space<vmem_shared>> -> memref<512x32xf32, #tpu.memory_space<vmem_shared>>
      %dma_start3A_261 = arith.constant 0 : i32
      %dma_start3A_262 = arith.constant 0 : i32
      %dma_start3A_263 = tpu.memref_slice %arg10[%dma_start3A_261, %dma_start3A_262] : memref<512x32xf32, #tpu.memory_space<vmem>> -> memref<512x32xf32, #tpu.memory_space<vmem>>
      tpu.enqueue_dma source(%dma_start3A_263 : memref<512x32xf32, #tpu.memory_space<vmem>>) target(%dma_start3A_260 : memref<512x32xf32, #tpu.memory_space<vmem_shared>>) target_semaphore(%run_scoped3A : memref<!tpu.dma_semaphore, #tpu.memory_space<semaphore_mem>>)
      %dma_wait3A_264 = arith.constant 0 : i32
      %dma_wait3A_265 = arith.constant 0 : i32
      %dma_wait3A_266 = tpu.memref_slice %arg10[%dma_wait3A_264, %dma_wait3A_265] : memref<512x32xf32, #tpu.memory_space<vmem>> -> memref<512x32xf32, #tpu.memory_space<vmem>>
      %dma_wait3A_267 = arith.constant 0 : i32
      %dma_wait3A_268 = tpu.memref_slice %arg7[%add3A_152, %dma_wait3A_267] : memref<10240x32xf32, #tpu.memory_space<vmem_shared>> -> memref<512x32xf32, #tpu.memory_space<vmem_shared>>
      %dma_wait3A_269 = arith.constant 0 : i32
      %dma_wait3A_270 = tpu.memref_slice %arg7[%add3A_152, %dma_wait3A_269] : memref<10240x32xf32, #tpu.memory_space<vmem_shared>> -> memref<512x32xf32, #tpu.memory_space<vmem_shared>>
      %dma_wait3A_271 = arith.constant 0 : i32
      %dma_wait3A_272 = arith.constant 0 : i32
      %dma_wait3A_273 = tpu.memref_slice %arg10[%dma_wait3A_271, %dma_wait3A_272] : memref<512x32xf32, #tpu.memory_space<vmem>> -> memref<512x32xf32, #tpu.memory_space<vmem>>
      tpu.wait_dma2 semaphore(%run_scoped3A : memref<!tpu.dma_semaphore, #tpu.memory_space<semaphore_mem>>) src(%dma_wait3A_273 : memref<512x32xf32, #tpu.memory_space<vmem>>) dst(%dma_wait3A_270 : memref<512x32xf32, #tpu.memory_space<vmem_shared>>)
      tpu.yield
    }) : () -> ()
    %add3A_153 = arith.constant 512 : i32
    %add3A_154 = arith.addi %mul3A_0, %add3A_153 : i32
    %dma_wait3A_155 = arith.constant 0 : i32
    %dma_wait3A_156 = arith.constant 0 : i32
    %dma_wait3A_157 = tpu.memref_slice %arg11[%dma_wait3A_155, %dma_wait3A_156] : memref<512x32xf32, #tpu.memory_space<vmem>> -> memref<128x32xf32, #tpu.memory_space<vmem>>
    %dma_wait3A_158 = arith.constant 0 : i32
    %dma_wait3A_159 = tpu.memref_slice %arg6[%add3A_154, %dma_wait3A_158] : memref<10240x32xf32, #tpu.memory_space<vmem_shared>> -> memref<128x32xf32, #tpu.memory_space<vmem_shared>>
    %dma_wait3A_160 = arith.constant 0 : i32
    %dma_wait3A_161 = arith.constant 0 : i32
    %dma_wait3A_162 = tpu.memref_slice %arg11[%dma_wait3A_160, %dma_wait3A_161] : memref<512x32xf32, #tpu.memory_space<vmem>> -> memref<128x32xf32, #tpu.memory_space<vmem>>
    %dma_wait3A_163 = arith.constant 0 : i32
    %dma_wait3A_164 = tpu.memref_slice %arg6[%add3A_154, %dma_wait3A_163] : memref<10240x32xf32, #tpu.memory_space<vmem_shared>> -> memref<128x32xf32, #tpu.memory_space<vmem_shared>>
    tpu.wait_dma2 semaphore(%arg14 : memref<!tpu.dma_semaphore, #tpu.memory_space<semaphore_mem>>) src(%dma_wait3A_164 : memref<128x32xf32, #tpu.memory_space<vmem_shared>>) dst(%dma_wait3A_162 : memref<128x32xf32, #tpu.memory_space<vmem>>)
    %add3A_165 = arith.constant 512 : i32
    %add3A_166 = arith.addi %mul3A_0, %add3A_165 : i32
    "tpu.region"() ({
      %run_scoped3A = tpu.sem_alloc : memref<!tpu.dma_semaphore, #tpu.memory_space<semaphore_mem>>
      %dma_start3A_254 = arith.constant 0 : i32
      %dma_start3A_255 = arith.constant 0 : i32
      %dma_start3A_256 = tpu.memref_slice %arg11[%dma_start3A_254, %dma_start3A_255] : memref<512x32xf32, #tpu.memory_space<vmem>> -> memref<128x32xf32, #tpu.memory_space<vmem>>
      %dma_start3A_257 = arith.constant 0 : i32
      %dma_start3A_258 = tpu.memref_slice %arg7[%add3A_166, %dma_start3A_257] : memref<10240x32xf32, #tpu.memory_space<vmem_shared>> -> memref<128x32xf32, #tpu.memory_space<vmem_shared>>
      %dma_start3A_259 = arith.constant 0 : i32
      %dma_start3A_260 = tpu.memref_slice %arg7[%add3A_166, %dma_start3A_259] : memref<10240x32xf32, #tpu.memory_space<vmem_shared>> -> memref<128x32xf32, #tpu.memory_space<vmem_shared>>
      %dma_start3A_261 = arith.constant 0 : i32
      %dma_start3A_262 = arith.constant 0 : i32
      %dma_start3A_263 = tpu.memref_slice %arg11[%dma_start3A_261, %dma_start3A_262] : memref<512x32xf32, #tpu.memory_space<vmem>> -> memref<128x32xf32, #tpu.memory_space<vmem>>
      tpu.enqueue_dma source(%dma_start3A_263 : memref<128x32xf32, #tpu.memory_space<vmem>>) target(%dma_start3A_260 : memref<128x32xf32, #tpu.memory_space<vmem_shared>>) target_semaphore(%run_scoped3A : memref<!tpu.dma_semaphore, #tpu.memory_space<semaphore_mem>>)
      %dma_wait3A_264 = arith.constant 0 : i32
      %dma_wait3A_265 = arith.constant 0 : i32
      %dma_wait3A_266 = tpu.memref_slice %arg11[%dma_wait3A_264, %dma_wait3A_265] : memref<512x32xf32, #tpu.memory_space<vmem>> -> memref<128x32xf32, #tpu.memory_space<vmem>>
      %dma_wait3A_267 = arith.constant 0 : i32
      %dma_wait3A_268 = tpu.memref_slice %arg7[%add3A_166, %dma_wait3A_267] : memref<10240x32xf32, #tpu.memory_space<vmem_shared>> -> memref<128x32xf32, #tpu.memory_space<vmem_shared>>
      %dma_wait3A_269 = arith.constant 0 : i32
      %dma_wait3A_270 = tpu.memref_slice %arg7[%add3A_166, %dma_wait3A_269] : memref<10240x32xf32, #tpu.memory_space<vmem_shared>> -> memref<128x32xf32, #tpu.memory_space<vmem_shared>>
      %dma_wait3A_271 = arith.constant 0 : i32
      %dma_wait3A_272 = arith.constant 0 : i32
      %dma_wait3A_273 = tpu.memref_slice %arg11[%dma_wait3A_271, %dma_wait3A_272] : memref<512x32xf32, #tpu.memory_space<vmem>> -> memref<128x32xf32, #tpu.memory_space<vmem>>
      tpu.wait_dma2 semaphore(%run_scoped3A : memref<!tpu.dma_semaphore, #tpu.memory_space<semaphore_mem>>) src(%dma_wait3A_273 : memref<128x32xf32, #tpu.memory_space<vmem>>) dst(%dma_wait3A_270 : memref<128x32xf32, #tpu.memory_space<vmem_shared>>)
      tpu.yield
    }) : () -> ()
    %barrier3A_167 = arith.constant 0 : index
    tpu.barrier barrier_id(%barrier3A_167)
    %dma_start3A_168 = arith.constant 0 : i32
    %dma_start3A_169 = arith.constant 0 : i32
    %dma_start3A_170 = arith.constant 0 : i32
    %dma_start3A_171 = tpu.memref_slice %arg10[%dma_start3A_169, %dma_start3A_170] : memref<512x32xf32, #tpu.memory_space<vmem>> -> memref<128x32xf32, #tpu.memory_space<vmem>>
    %dma_start3A_172 = arith.constant 0 : i32
    %dma_start3A_173 = tpu.memref_slice %arg8[%dma_start3A_168, %dma_start3A_172] : memref<160x128xi32, #tpu.memory_space<vmem>> -> memref<1x128xi32, #tpu.memory_space<vmem>>
    %dma_start3A_174 = tpu.memref_squeeze %dma_start3A_173 : memref<1x128xi32, #tpu.memory_space<vmem>> -> memref<128xi32, #tpu.memory_space<vmem>>
    %dma_start3A_175 = arith.constant 0 : i32
    %dma_start3A_176 = arith.constant 0 : i32
    %dma_start3A_177 = tpu.memref_slice %arg7[%dma_start3A_175, %dma_start3A_176] : memref<10240x32xf32, #tpu.memory_space<vmem_shared>> -> memref<10240x32xf32, #tpu.memory_space<vmem_shared>>
    tpu.enqueue_indirect_dma source(%dma_start3A_177 : memref<10240x32xf32, #tpu.memory_space<vmem_shared>>) target(%dma_start3A_171 : memref<128x32xf32, #tpu.memory_space<vmem>>) offsets(%dma_start3A_174 : memref<128xi32, #tpu.memory_space<vmem>>) semaphore(%arg13 : memref<!tpu.dma_semaphore, #tpu.memory_space<semaphore_mem>>)
    %dma_start3A_178 = arith.constant 1 : i32
    %dma_start3A_179 = arith.constant 128 : i32
    %dma_start3A_180 = arith.constant 0 : i32
    %dma_start3A_181 = tpu.memref_slice %arg10[%dma_start3A_179, %dma_start3A_180] : memref<512x32xf32, #tpu.memory_space<vmem>> -> memref<128x32xf32, #tpu.memory_space<vmem>>
    %dma_start3A_182 = arith.constant 0 : i32
    %dma_start3A_183 = tpu.memref_slice %arg8[%dma_start3A_178, %dma_start3A_182] : memref<160x128xi32, #tpu.memory_space<vmem>> -> memref<1x128xi32, #tpu.memory_space<vmem>>
    %dma_start3A_184 = tpu.memref_squeeze %dma_start3A_183 : memref<1x128xi32, #tpu.memory_space<vmem>> -> memref<128xi32, #tpu.memory_space<vmem>>
    %dma_start3A_185 = arith.constant 0 : i32
    %dma_start3A_186 = arith.constant 0 : i32
    %dma_start3A_187 = tpu.memref_slice %arg7[%dma_start3A_185, %dma_start3A_186] : memref<10240x32xf32, #tpu.memory_space<vmem_shared>> -> memref<10240x32xf32, #tpu.memory_space<vmem_shared>>
    tpu.enqueue_indirect_dma source(%dma_start3A_187 : memref<10240x32xf32, #tpu.memory_space<vmem_shared>>) target(%dma_start3A_181 : memref<128x32xf32, #tpu.memory_space<vmem>>) offsets(%dma_start3A_184 : memref<128xi32, #tpu.memory_space<vmem>>) semaphore(%arg13 : memref<!tpu.dma_semaphore, #tpu.memory_space<semaphore_mem>>)
    %dma_start3A_188 = arith.constant 2 : i32
    %dma_start3A_189 = arith.constant 256 : i32
    %dma_start3A_190 = arith.constant 0 : i32
    %dma_start3A_191 = tpu.memref_slice %arg10[%dma_start3A_189, %dma_start3A_190] : memref<512x32xf32, #tpu.memory_space<vmem>> -> memref<128x32xf32, #tpu.memory_space<vmem>>
    %dma_start3A_192 = arith.constant 0 : i32
    %dma_start3A_193 = tpu.memref_slice %arg8[%dma_start3A_188, %dma_start3A_192] : memref<160x128xi32, #tpu.memory_space<vmem>> -> memref<1x128xi32, #tpu.memory_space<vmem>>
    %dma_start3A_194 = tpu.memref_squeeze %dma_start3A_193 : memref<1x128xi32, #tpu.memory_space<vmem>> -> memref<128xi32, #tpu.memory_space<vmem>>
    %dma_start3A_195 = arith.constant 0 : i32
    %dma_start3A_196 = arith.constant 0 : i32
    %dma_start3A_197 = tpu.memref_slice %arg7[%dma_start3A_195, %dma_start3A_196] : memref<10240x32xf32, #tpu.memory_space<vmem_shared>> -> memref<10240x32xf32, #tpu.memory_space<vmem_shared>>
    tpu.enqueue_indirect_dma source(%dma_start3A_197 : memref<10240x32xf32, #tpu.memory_space<vmem_shared>>) target(%dma_start3A_191 : memref<128x32xf32, #tpu.memory_space<vmem>>) offsets(%dma_start3A_194 : memref<128xi32, #tpu.memory_space<vmem>>) semaphore(%arg13 : memref<!tpu.dma_semaphore, #tpu.memory_space<semaphore_mem>>)
    %dma_start3A_198 = arith.constant 3 : i32
    %dma_start3A_199 = arith.constant 384 : i32
    %dma_start3A_200 = arith.constant 0 : i32
    %dma_start3A_201 = tpu.memref_slice %arg10[%dma_start3A_199, %dma_start3A_200] : memref<512x32xf32, #tpu.memory_space<vmem>> -> memref<128x32xf32, #tpu.memory_space<vmem>>
    %dma_start3A_202 = arith.constant 0 : i32
    %dma_start3A_203 = tpu.memref_slice %arg8[%dma_start3A_198, %dma_start3A_202] : memref<160x128xi32, #tpu.memory_space<vmem>> -> memref<1x128xi32, #tpu.memory_space<vmem>>
    %dma_start3A_204 = tpu.memref_squeeze %dma_start3A_203 : memref<1x128xi32, #tpu.memory_space<vmem>> -> memref<128xi32, #tpu.memory_space<vmem>>
    %dma_start3A_205 = arith.constant 0 : i32
    %dma_start3A_206 = arith.constant 0 : i32
    %dma_start3A_207 = tpu.memref_slice %arg7[%dma_start3A_205, %dma_start3A_206] : memref<10240x32xf32, #tpu.memory_space<vmem_shared>> -> memref<10240x32xf32, #tpu.memory_space<vmem_shared>>
    tpu.enqueue_indirect_dma source(%dma_start3A_207 : memref<10240x32xf32, #tpu.memory_space<vmem_shared>>) target(%dma_start3A_201 : memref<128x32xf32, #tpu.memory_space<vmem>>) offsets(%dma_start3A_204 : memref<128xi32, #tpu.memory_space<vmem>>) semaphore(%arg13 : memref<!tpu.dma_semaphore, #tpu.memory_space<semaphore_mem>>)
    %scan3A_208 = arith.constant 0 : i32
    %scan3A_209 = arith.constant 20 : i32
    %scan3A_210 = arith.addi %scan3A_208, %scan3A_209 : i32
    %scan3A_211 = arith.constant 1 : i32
    scf.for %scan3A_254 = %scan3A_208 to %scan3A_210 step %scan3A_211  : i32 {
      %mul3A_255 = arith.constant 2 : i32
      %mul3A_256 = arith.muli %scan3A_254, %mul3A_255 : i32
      %add3A_257 = arith.constant 0 : i32
      %add3A_258 = arith.addi %add3A_257, %mul3A_256 : i32
      %add3A_259 = arith.constant 0 : i32
      %add3A_260 = arith.addi %add3A_258, %add3A_259 : i32
      %ge3A = arith.constant 1 : i32
      %ge3A_261 = arith.cmpi sge, %add3A_260, %ge3A : i32
      %convert_element_type3A = arith.extui %ge3A_261 : i1 to i32
      %cond3A = arith.constant 0 : i32
      %cond3A_262 = arith.cmpi ne, %convert_element_type3A, %cond3A : i32
      scf.if %cond3A_262 {
        %sub3A = arith.constant 1 : i32
        %sub3A_491 = arith.subi %add3A_260, %sub3A : i32
        %mul3A_492 = arith.constant 4 : i32
        %mul3A_493 = arith.muli %sub3A_491, %mul3A_492 : i32
        %add3A_494 = arith.constant 0 : i32
        %add3A_495 = arith.addi %mul3A_493, %add3A_494 : i32
        %dma_wait3A_496 = arith.constant 0 : i32
        %dma_wait3A_497 = arith.constant 0 : i32
        %dma_wait3A_498 = tpu.memref_slice %arg11[%dma_wait3A_496, %dma_wait3A_497] : memref<512x32xf32, #tpu.memory_space<vmem>> -> memref<128x32xf32, #tpu.memory_space<vmem>>
        %dma_wait3A_499 = arith.constant 0 : i32
        %dma_wait3A_500 = tpu.memref_slice %arg9[%add3A_495, %dma_wait3A_499] : memref<160x128xi32, #tpu.memory_space<vmem>> -> memref<1x128xi32, #tpu.memory_space<vmem>>
        %dma_wait3A_501 = tpu.memref_squeeze %dma_wait3A_500 : memref<1x128xi32, #tpu.memory_space<vmem>> -> memref<128xi32, #tpu.memory_space<vmem>>
        %dma_wait3A_502 = arith.constant 0 : i32
        %dma_wait3A_503 = arith.constant 0 : i32
        %dma_wait3A_504 = tpu.memref_slice %arg6[%dma_wait3A_502, %dma_wait3A_503] : memref<10240x32xf32, #tpu.memory_space<vmem_shared>> -> memref<10240x32xf32, #tpu.memory_space<vmem_shared>>
        tpu.wait_indirect_dma semaphore(%arg16 : memref<!tpu.dma_semaphore, #tpu.memory_space<semaphore_mem>>) src(%dma_wait3A_498 : memref<128x32xf32, #tpu.memory_space<vmem>>) dst(%dma_wait3A_504 : memref<10240x32xf32, #tpu.memory_space<vmem_shared>>)
        %sub3A_505 = arith.constant 1 : i32
        %sub3A_506 = arith.subi %add3A_260, %sub3A_505 : i32
        %mul3A_507 = arith.constant 4 : i32
        %mul3A_508 = arith.muli %sub3A_506, %mul3A_507 : i32
        %add3A_509 = arith.constant 1 : i32
        %add3A_510 = arith.addi %mul3A_508, %add3A_509 : i32
        %dma_wait3A_511 = arith.constant 128 : i32
        %dma_wait3A_512 = arith.constant 0 : i32
        %dma_wait3A_513 = tpu.memref_slice %arg11[%dma_wait3A_511, %dma_wait3A_512] : memref<512x32xf32, #tpu.memory_space<vmem>> -> memref<128x32xf32, #tpu.memory_space<vmem>>
        %dma_wait3A_514 = arith.constant 0 : i32
        %dma_wait3A_515 = tpu.memref_slice %arg9[%add3A_510, %dma_wait3A_514] : memref<160x128xi32, #tpu.memory_space<vmem>> -> memref<1x128xi32, #tpu.memory_space<vmem>>
        %dma_wait3A_516 = tpu.memref_squeeze %dma_wait3A_515 : memref<1x128xi32, #tpu.memory_space<vmem>> -> memref<128xi32, #tpu.memory_space<vmem>>
        %dma_wait3A_517 = arith.constant 0 : i32
        %dma_wait3A_518 = arith.constant 0 : i32
        %dma_wait3A_519 = tpu.memref_slice %arg6[%dma_wait3A_517, %dma_wait3A_518] : memref<10240x32xf32, #tpu.memory_space<vmem_shared>> -> memref<10240x32xf32, #tpu.memory_space<vmem_shared>>
        tpu.wait_indirect_dma semaphore(%arg16 : memref<!tpu.dma_semaphore, #tpu.memory_space<semaphore_mem>>) src(%dma_wait3A_513 : memref<128x32xf32, #tpu.memory_space<vmem>>) dst(%dma_wait3A_519 : memref<10240x32xf32, #tpu.memory_space<vmem_shared>>)
        %sub3A_520 = arith.constant 1 : i32
        %sub3A_521 = arith.subi %add3A_260, %sub3A_520 : i32
        %mul3A_522 = arith.constant 4 : i32
        %mul3A_523 = arith.muli %sub3A_521, %mul3A_522 : i32
        %add3A_524 = arith.constant 2 : i32
        %add3A_525 = arith.addi %mul3A_523, %add3A_524 : i32
        %dma_wait3A_526 = arith.constant 256 : i32
        %dma_wait3A_527 = arith.constant 0 : i32
        %dma_wait3A_528 = tpu.memref_slice %arg11[%dma_wait3A_526, %dma_wait3A_527] : memref<512x32xf32, #tpu.memory_space<vmem>> -> memref<128x32xf32, #tpu.memory_space<vmem>>
        %dma_wait3A_529 = arith.constant 0 : i32
        %dma_wait3A_530 = tpu.memref_slice %arg9[%add3A_525, %dma_wait3A_529] : memref<160x128xi32, #tpu.memory_space<vmem>> -> memref<1x128xi32, #tpu.memory_space<vmem>>
        %dma_wait3A_531 = tpu.memref_squeeze %dma_wait3A_530 : memref<1x128xi32, #tpu.memory_space<vmem>> -> memref<128xi32, #tpu.memory_space<vmem>>
        %dma_wait3A_532 = arith.constant 0 : i32
        %dma_wait3A_533 = arith.constant 0 : i32
        %dma_wait3A_534 = tpu.memref_slice %arg6[%dma_wait3A_532, %dma_wait3A_533] : memref<10240x32xf32, #tpu.memory_space<vmem_shared>> -> memref<10240x32xf32, #tpu.memory_space<vmem_shared>>
        tpu.wait_indirect_dma semaphore(%arg16 : memref<!tpu.dma_semaphore, #tpu.memory_space<semaphore_mem>>) src(%dma_wait3A_528 : memref<128x32xf32, #tpu.memory_space<vmem>>) dst(%dma_wait3A_534 : memref<10240x32xf32, #tpu.memory_space<vmem_shared>>)
        %sub3A_535 = arith.constant 1 : i32
        %sub3A_536 = arith.subi %add3A_260, %sub3A_535 : i32
        %mul3A_537 = arith.constant 4 : i32
        %mul3A_538 = arith.muli %sub3A_536, %mul3A_537 : i32
        %add3A_539 = arith.constant 3 : i32
        %add3A_540 = arith.addi %mul3A_538, %add3A_539 : i32
        %dma_wait3A_541 = arith.constant 384 : i32
        %dma_wait3A_542 = arith.constant 0 : i32
        %dma_wait3A_543 = tpu.memref_slice %arg11[%dma_wait3A_541, %dma_wait3A_542] : memref<512x32xf32, #tpu.memory_space<vmem>> -> memref<128x32xf32, #tpu.memory_space<vmem>>
        %dma_wait3A_544 = arith.constant 0 : i32
        %dma_wait3A_545 = tpu.memref_slice %arg9[%add3A_540, %dma_wait3A_544] : memref<160x128xi32, #tpu.memory_space<vmem>> -> memref<1x128xi32, #tpu.memory_space<vmem>>
        %dma_wait3A_546 = tpu.memref_squeeze %dma_wait3A_545 : memref<1x128xi32, #tpu.memory_space<vmem>> -> memref<128xi32, #tpu.memory_space<vmem>>
        %dma_wait3A_547 = arith.constant 0 : i32
        %dma_wait3A_548 = arith.constant 0 : i32
        %dma_wait3A_549 = tpu.memref_slice %arg6[%dma_wait3A_547, %dma_wait3A_548] : memref<10240x32xf32, #tpu.memory_space<vmem_shared>> -> memref<10240x32xf32, #tpu.memory_space<vmem_shared>>
        tpu.wait_indirect_dma semaphore(%arg16 : memref<!tpu.dma_semaphore, #tpu.memory_space<semaphore_mem>>) src(%dma_wait3A_543 : memref<128x32xf32, #tpu.memory_space<vmem>>) dst(%dma_wait3A_549 : memref<10240x32xf32, #tpu.memory_space<vmem_shared>>)
      } else {
      }
      %add3A_263 = arith.constant 1 : i32
      %add3A_264 = arith.addi %add3A_260, %add3A_263 : i32
      %lt3A = arith.constant 40 : i32
      %lt3A_265 = arith.cmpi slt, %add3A_264, %lt3A : i32
      %convert_element_type3A_266 = arith.extui %lt3A_265 : i1 to i32
      %cond3A_267 = arith.constant 0 : i32
      %cond3A_268 = arith.cmpi ne, %convert_element_type3A_266, %cond3A_267 : i32
      scf.if %cond3A_268 {
        %add3A_491 = arith.constant 1 : i32
        %add3A_492 = arith.addi %add3A_260, %add3A_491 : i32
        %mul3A_493 = arith.constant 4 : i32
        %mul3A_494 = arith.muli %add3A_492, %mul3A_493 : i32
        %add3A_495 = arith.constant 0 : i32
        %add3A_496 = arith.addi %mul3A_494, %add3A_495 : i32
        %dma_start3A_497 = arith.constant 0 : i32
        %dma_start3A_498 = arith.constant 0 : i32
        %dma_start3A_499 = tpu.memref_slice %arg11[%dma_start3A_497, %dma_start3A_498] : memref<512x32xf32, #tpu.memory_space<vmem>> -> memref<128x32xf32, #tpu.memory_space<vmem>>
        %dma_start3A_500 = arith.constant 0 : i32
        %dma_start3A_501 = tpu.memref_slice %arg8[%add3A_496, %dma_start3A_500] : memref<160x128xi32, #tpu.memory_space<vmem>> -> memref<1x128xi32, #tpu.memory_space<vmem>>
        %dma_start3A_502 = tpu.memref_squeeze %dma_start3A_501 : memref<1x128xi32, #tpu.memory_space<vmem>> -> memref<128xi32, #tpu.memory_space<vmem>>
        %dma_start3A_503 = arith.constant 0 : i32
        %dma_start3A_504 = arith.constant 0 : i32
        %dma_start3A_505 = tpu.memref_slice %arg7[%dma_start3A_503, %dma_start3A_504] : memref<10240x32xf32, #tpu.memory_space<vmem_shared>> -> memref<10240x32xf32, #tpu.memory_space<vmem_shared>>
        tpu.enqueue_indirect_dma source(%dma_start3A_505 : memref<10240x32xf32, #tpu.memory_space<vmem_shared>>) target(%dma_start3A_499 : memref<128x32xf32, #tpu.memory_space<vmem>>) offsets(%dma_start3A_502 : memref<128xi32, #tpu.memory_space<vmem>>) semaphore(%arg14 : memref<!tpu.dma_semaphore, #tpu.memory_space<semaphore_mem>>)
        %add3A_506 = arith.constant 1 : i32
        %add3A_507 = arith.addi %add3A_260, %add3A_506 : i32
        %mul3A_508 = arith.constant 4 : i32
        %mul3A_509 = arith.muli %add3A_507, %mul3A_508 : i32
        %add3A_510 = arith.constant 1 : i32
        %add3A_511 = arith.addi %mul3A_509, %add3A_510 : i32
        %dma_start3A_512 = arith.constant 128 : i32
        %dma_start3A_513 = arith.constant 0 : i32
        %dma_start3A_514 = tpu.memref_slice %arg11[%dma_start3A_512, %dma_start3A_513] : memref<512x32xf32, #tpu.memory_space<vmem>> -> memref<128x32xf32, #tpu.memory_space<vmem>>
        %dma_start3A_515 = arith.constant 0 : i32
        %dma_start3A_516 = tpu.memref_slice %arg8[%add3A_511, %dma_start3A_515] : memref<160x128xi32, #tpu.memory_space<vmem>> -> memref<1x128xi32, #tpu.memory_space<vmem>>
        %dma_start3A_517 = tpu.memref_squeeze %dma_start3A_516 : memref<1x128xi32, #tpu.memory_space<vmem>> -> memref<128xi32, #tpu.memory_space<vmem>>
        %dma_start3A_518 = arith.constant 0 : i32
        %dma_start3A_519 = arith.constant 0 : i32
        %dma_start3A_520 = tpu.memref_slice %arg7[%dma_start3A_518, %dma_start3A_519] : memref<10240x32xf32, #tpu.memory_space<vmem_shared>> -> memref<10240x32xf32, #tpu.memory_space<vmem_shared>>
        tpu.enqueue_indirect_dma source(%dma_start3A_520 : memref<10240x32xf32, #tpu.memory_space<vmem_shared>>) target(%dma_start3A_514 : memref<128x32xf32, #tpu.memory_space<vmem>>) offsets(%dma_start3A_517 : memref<128xi32, #tpu.memory_space<vmem>>) semaphore(%arg14 : memref<!tpu.dma_semaphore, #tpu.memory_space<semaphore_mem>>)
        %add3A_521 = arith.constant 1 : i32
        %add3A_522 = arith.addi %add3A_260, %add3A_521 : i32
        %mul3A_523 = arith.constant 4 : i32
        %mul3A_524 = arith.muli %add3A_522, %mul3A_523 : i32
        %add3A_525 = arith.constant 2 : i32
        %add3A_526 = arith.addi %mul3A_524, %add3A_525 : i32
        %dma_start3A_527 = arith.constant 256 : i32
        %dma_start3A_528 = arith.constant 0 : i32
        %dma_start3A_529 = tpu.memref_slice %arg11[%dma_start3A_527, %dma_start3A_528] : memref<512x32xf32, #tpu.memory_space<vmem>> -> memref<128x32xf32, #tpu.memory_space<vmem>>
        %dma_start3A_530 = arith.constant 0 : i32
        %dma_start3A_531 = tpu.memref_slice %arg8[%add3A_526, %dma_start3A_530] : memref<160x128xi32, #tpu.memory_space<vmem>> -> memref<1x128xi32, #tpu.memory_space<vmem>>
        %dma_start3A_532 = tpu.memref_squeeze %dma_start3A_531 : memref<1x128xi32, #tpu.memory_space<vmem>> -> memref<128xi32, #tpu.memory_space<vmem>>
        %dma_start3A_533 = arith.constant 0 : i32
        %dma_start3A_534 = arith.constant 0 : i32
        %dma_start3A_535 = tpu.memref_slice %arg7[%dma_start3A_533, %dma_start3A_534] : memref<10240x32xf32, #tpu.memory_space<vmem_shared>> -> memref<10240x32xf32, #tpu.memory_space<vmem_shared>>
        tpu.enqueue_indirect_dma source(%dma_start3A_535 : memref<10240x32xf32, #tpu.memory_space<vmem_shared>>) target(%dma_start3A_529 : memref<128x32xf32, #tpu.memory_space<vmem>>) offsets(%dma_start3A_532 : memref<128xi32, #tpu.memory_space<vmem>>) semaphore(%arg14 : memref<!tpu.dma_semaphore, #tpu.memory_space<semaphore_mem>>)
        %add3A_536 = arith.constant 1 : i32
        %add3A_537 = arith.addi %add3A_260, %add3A_536 : i32
        %mul3A_538 = arith.constant 4 : i32
        %mul3A_539 = arith.muli %add3A_537, %mul3A_538 : i32
        %add3A_540 = arith.constant 3 : i32
        %add3A_541 = arith.addi %mul3A_539, %add3A_540 : i32
        %dma_start3A_542 = arith.constant 384 : i32
        %dma_start3A_543 = arith.constant 0 : i32
        %dma_start3A_544 = tpu.memref_slice %arg11[%dma_start3A_542, %dma_start3A_543] : memref<512x32xf32, #tpu.memory_space<vmem>> -> memref<128x32xf32, #tpu.memory_space<vmem>>
        %dma_start3A_545 = arith.constant 0 : i32
        %dma_start3A_546 = tpu.memref_slice %arg8[%add3A_541, %dma_start3A_545] : memref<160x128xi32, #tpu.memory_space<vmem>> -> memref<1x128xi32, #tpu.memory_space<vmem>>
        %dma_start3A_547 = tpu.memref_squeeze %dma_start3A_546 : memref<1x128xi32, #tpu.memory_space<vmem>> -> memref<128xi32, #tpu.memory_space<vmem>>
        %dma_start3A_548 = arith.constant 0 : i32
        %dma_start3A_549 = arith.constant 0 : i32
        %dma_start3A_550 = tpu.memref_slice %arg7[%dma_start3A_548, %dma_start3A_549] : memref<10240x32xf32, #tpu.memory_space<vmem_shared>> -> memref<10240x32xf32, #tpu.memory_space<vmem_shared>>
        tpu.enqueue_indirect_dma source(%dma_start3A_550 : memref<10240x32xf32, #tpu.memory_space<vmem_shared>>) target(%dma_start3A_544 : memref<128x32xf32, #tpu.memory_space<vmem>>) offsets(%dma_start3A_547 : memref<128xi32, #tpu.memory_space<vmem>>) semaphore(%arg14 : memref<!tpu.dma_semaphore, #tpu.memory_space<semaphore_mem>>)
      } else {
      }
      %mul3A_269 = arith.constant 4 : i32
      %mul3A_270 = arith.muli %add3A_260, %mul3A_269 : i32
      %add3A_271 = arith.constant 0 : i32
      %add3A_272 = arith.addi %mul3A_270, %add3A_271 : i32
      %dma_wait3A_273 = arith.constant 0 : i32
      %dma_wait3A_274 = arith.constant 0 : i32
      %dma_wait3A_275 = tpu.memref_slice %arg10[%dma_wait3A_273, %dma_wait3A_274] : memref<512x32xf32, #tpu.memory_space<vmem>> -> memref<128x32xf32, #tpu.memory_space<vmem>>
      %dma_wait3A_276 = arith.constant 0 : i32
      %dma_wait3A_277 = tpu.memref_slice %arg8[%add3A_272, %dma_wait3A_276] : memref<160x128xi32, #tpu.memory_space<vmem>> -> memref<1x128xi32, #tpu.memory_space<vmem>>
      %dma_wait3A_278 = tpu.memref_squeeze %dma_wait3A_277 : memref<1x128xi32, #tpu.memory_space<vmem>> -> memref<128xi32, #tpu.memory_space<vmem>>
      %dma_wait3A_279 = arith.constant 0 : i32
      %dma_wait3A_280 = arith.constant 0 : i32
      %dma_wait3A_281 = tpu.memref_slice %arg7[%dma_wait3A_279, %dma_wait3A_280] : memref<10240x32xf32, #tpu.memory_space<vmem_shared>> -> memref<10240x32xf32, #tpu.memory_space<vmem_shared>>
      tpu.wait_indirect_dma semaphore(%arg13 : memref<!tpu.dma_semaphore, #tpu.memory_space<semaphore_mem>>) src(%dma_wait3A_281 : memref<10240x32xf32, #tpu.memory_space<vmem_shared>>) dst(%dma_wait3A_275 : memref<128x32xf32, #tpu.memory_space<vmem>>)
      %mul3A_282 = arith.constant 4 : i32
      %mul3A_283 = arith.muli %add3A_260, %mul3A_282 : i32
      %add3A_284 = arith.constant 1 : i32
      %add3A_285 = arith.addi %mul3A_283, %add3A_284 : i32
      %dma_wait3A_286 = arith.constant 128 : i32
      %dma_wait3A_287 = arith.constant 0 : i32
      %dma_wait3A_288 = tpu.memref_slice %arg10[%dma_wait3A_286, %dma_wait3A_287] : memref<512x32xf32, #tpu.memory_space<vmem>> -> memref<128x32xf32, #tpu.memory_space<vmem>>
      %dma_wait3A_289 = arith.constant 0 : i32
      %dma_wait3A_290 = tpu.memref_slice %arg8[%add3A_285, %dma_wait3A_289] : memref<160x128xi32, #tpu.memory_space<vmem>> -> memref<1x128xi32, #tpu.memory_space<vmem>>
      %dma_wait3A_291 = tpu.memref_squeeze %dma_wait3A_290 : memref<1x128xi32, #tpu.memory_space<vmem>> -> memref<128xi32, #tpu.memory_space<vmem>>
      %dma_wait3A_292 = arith.constant 0 : i32
      %dma_wait3A_293 = arith.constant 0 : i32
      %dma_wait3A_294 = tpu.memref_slice %arg7[%dma_wait3A_292, %dma_wait3A_293] : memref<10240x32xf32, #tpu.memory_space<vmem_shared>> -> memref<10240x32xf32, #tpu.memory_space<vmem_shared>>
      tpu.wait_indirect_dma semaphore(%arg13 : memref<!tpu.dma_semaphore, #tpu.memory_space<semaphore_mem>>) src(%dma_wait3A_294 : memref<10240x32xf32, #tpu.memory_space<vmem_shared>>) dst(%dma_wait3A_288 : memref<128x32xf32, #tpu.memory_space<vmem>>)
      %mul3A_295 = arith.constant 4 : i32
      %mul3A_296 = arith.muli %add3A_260, %mul3A_295 : i32
      %add3A_297 = arith.constant 2 : i32
      %add3A_298 = arith.addi %mul3A_296, %add3A_297 : i32
      %dma_wait3A_299 = arith.constant 256 : i32
      %dma_wait3A_300 = arith.constant 0 : i32
      %dma_wait3A_301 = tpu.memref_slice %arg10[%dma_wait3A_299, %dma_wait3A_300] : memref<512x32xf32, #tpu.memory_space<vmem>> -> memref<128x32xf32, #tpu.memory_space<vmem>>
      %dma_wait3A_302 = arith.constant 0 : i32
      %dma_wait3A_303 = tpu.memref_slice %arg8[%add3A_298, %dma_wait3A_302] : memref<160x128xi32, #tpu.memory_space<vmem>> -> memref<1x128xi32, #tpu.memory_space<vmem>>
      %dma_wait3A_304 = tpu.memref_squeeze %dma_wait3A_303 : memref<1x128xi32, #tpu.memory_space<vmem>> -> memref<128xi32, #tpu.memory_space<vmem>>
      %dma_wait3A_305 = arith.constant 0 : i32
      %dma_wait3A_306 = arith.constant 0 : i32
      %dma_wait3A_307 = tpu.memref_slice %arg7[%dma_wait3A_305, %dma_wait3A_306] : memref<10240x32xf32, #tpu.memory_space<vmem_shared>> -> memref<10240x32xf32, #tpu.memory_space<vmem_shared>>
      tpu.wait_indirect_dma semaphore(%arg13 : memref<!tpu.dma_semaphore, #tpu.memory_space<semaphore_mem>>) src(%dma_wait3A_307 : memref<10240x32xf32, #tpu.memory_space<vmem_shared>>) dst(%dma_wait3A_301 : memref<128x32xf32, #tpu.memory_space<vmem>>)
      %mul3A_308 = arith.constant 4 : i32
      %mul3A_309 = arith.muli %add3A_260, %mul3A_308 : i32
      %add3A_310 = arith.constant 3 : i32
      %add3A_311 = arith.addi %mul3A_309, %add3A_310 : i32
      %dma_wait3A_312 = arith.constant 384 : i32
      %dma_wait3A_313 = arith.constant 0 : i32
      %dma_wait3A_314 = tpu.memref_slice %arg10[%dma_wait3A_312, %dma_wait3A_313] : memref<512x32xf32, #tpu.memory_space<vmem>> -> memref<128x32xf32, #tpu.memory_space<vmem>>
      %dma_wait3A_315 = arith.constant 0 : i32
      %dma_wait3A_316 = tpu.memref_slice %arg8[%add3A_311, %dma_wait3A_315] : memref<160x128xi32, #tpu.memory_space<vmem>> -> memref<1x128xi32, #tpu.memory_space<vmem>>
      %dma_wait3A_317 = tpu.memref_squeeze %dma_wait3A_316 : memref<1x128xi32, #tpu.memory_space<vmem>> -> memref<128xi32, #tpu.memory_space<vmem>>
      %dma_wait3A_318 = arith.constant 0 : i32
      %dma_wait3A_319 = arith.constant 0 : i32
      %dma_wait3A_320 = tpu.memref_slice %arg7[%dma_wait3A_318, %dma_wait3A_319] : memref<10240x32xf32, #tpu.memory_space<vmem_shared>> -> memref<10240x32xf32, #tpu.memory_space<vmem_shared>>
      tpu.wait_indirect_dma semaphore(%arg13 : memref<!tpu.dma_semaphore, #tpu.memory_space<semaphore_mem>>) src(%dma_wait3A_320 : memref<10240x32xf32, #tpu.memory_space<vmem_shared>>) dst(%dma_wait3A_314 : memref<128x32xf32, #tpu.memory_space<vmem>>)
      %mul3A_321 = arith.constant 4 : i32
      %mul3A_322 = arith.muli %add3A_260, %mul3A_321 : i32
      %add3A_323 = arith.constant 0 : i32
      %add3A_324 = arith.addi %mul3A_322, %add3A_323 : i32
      %dma_start3A_325 = arith.constant 0 : i32
      %dma_start3A_326 = arith.constant 0 : i32
      %dma_start3A_327 = tpu.memref_slice %arg10[%dma_start3A_325, %dma_start3A_326] : memref<512x32xf32, #tpu.memory_space<vmem>> -> memref<128x32xf32, #tpu.memory_space<vmem>>
      %dma_start3A_328 = arith.constant 0 : i32
      %dma_start3A_329 = tpu.memref_slice %arg9[%add3A_324, %dma_start3A_328] : memref<160x128xi32, #tpu.memory_space<vmem>> -> memref<1x128xi32, #tpu.memory_space<vmem>>
      %dma_start3A_330 = tpu.memref_squeeze %dma_start3A_329 : memref<1x128xi32, #tpu.memory_space<vmem>> -> memref<128xi32, #tpu.memory_space<vmem>>
      %dma_start3A_331 = arith.constant 0 : i32
      %dma_start3A_332 = arith.constant 0 : i32
      %dma_start3A_333 = tpu.memref_slice %arg6[%dma_start3A_331, %dma_start3A_332] : memref<10240x32xf32, #tpu.memory_space<vmem_shared>> -> memref<10240x32xf32, #tpu.memory_space<vmem_shared>>
      tpu.enqueue_indirect_dma source(%dma_start3A_327 : memref<128x32xf32, #tpu.memory_space<vmem>>) target(%dma_start3A_333 : memref<10240x32xf32, #tpu.memory_space<vmem_shared>>) offsets(%dma_start3A_330 : memref<128xi32, #tpu.memory_space<vmem>>) semaphore(%arg15 : memref<!tpu.dma_semaphore, #tpu.memory_space<semaphore_mem>>) {add = true}
      %mul3A_334 = arith.constant 4 : i32
      %mul3A_335 = arith.muli %add3A_260, %mul3A_334 : i32
      %add3A_336 = arith.constant 1 : i32
      %add3A_337 = arith.addi %mul3A_335, %add3A_336 : i32
      %dma_start3A_338 = arith.constant 128 : i32
      %dma_start3A_339 = arith.constant 0 : i32
      %dma_start3A_340 = tpu.memref_slice %arg10[%dma_start3A_338, %dma_start3A_339] : memref<512x32xf32, #tpu.memory_space<vmem>> -> memref<128x32xf32, #tpu.memory_space<vmem>>
      %dma_start3A_341 = arith.constant 0 : i32
      %dma_start3A_342 = tpu.memref_slice %arg9[%add3A_337, %dma_start3A_341] : memref<160x128xi32, #tpu.memory_space<vmem>> -> memref<1x128xi32, #tpu.memory_space<vmem>>
      %dma_start3A_343 = tpu.memref_squeeze %dma_start3A_342 : memref<1x128xi32, #tpu.memory_space<vmem>> -> memref<128xi32, #tpu.memory_space<vmem>>
      %dma_start3A_344 = arith.constant 0 : i32
      %dma_start3A_345 = arith.constant 0 : i32
      %dma_start3A_346 = tpu.memref_slice %arg6[%dma_start3A_344, %dma_start3A_345] : memref<10240x32xf32, #tpu.memory_space<vmem_shared>> -> memref<10240x32xf32, #tpu.memory_space<vmem_shared>>
      tpu.enqueue_indirect_dma source(%dma_start3A_340 : memref<128x32xf32, #tpu.memory_space<vmem>>) target(%dma_start3A_346 : memref<10240x32xf32, #tpu.memory_space<vmem_shared>>) offsets(%dma_start3A_343 : memref<128xi32, #tpu.memory_space<vmem>>) semaphore(%arg15 : memref<!tpu.dma_semaphore, #tpu.memory_space<semaphore_mem>>) {add = true}
      %mul3A_347 = arith.constant 4 : i32
      %mul3A_348 = arith.muli %add3A_260, %mul3A_347 : i32
      %add3A_349 = arith.constant 2 : i32
      %add3A_350 = arith.addi %mul3A_348, %add3A_349 : i32
      %dma_start3A_351 = arith.constant 256 : i32
      %dma_start3A_352 = arith.constant 0 : i32
      %dma_start3A_353 = tpu.memref_slice %arg10[%dma_start3A_351, %dma_start3A_352] : memref<512x32xf32, #tpu.memory_space<vmem>> -> memref<128x32xf32, #tpu.memory_space<vmem>>
      %dma_start3A_354 = arith.constant 0 : i32
      %dma_start3A_355 = tpu.memref_slice %arg9[%add3A_350, %dma_start3A_354] : memref<160x128xi32, #tpu.memory_space<vmem>> -> memref<1x128xi32, #tpu.memory_space<vmem>>
      %dma_start3A_356 = tpu.memref_squeeze %dma_start3A_355 : memref<1x128xi32, #tpu.memory_space<vmem>> -> memref<128xi32, #tpu.memory_space<vmem>>
      %dma_start3A_357 = arith.constant 0 : i32
      %dma_start3A_358 = arith.constant 0 : i32
      %dma_start3A_359 = tpu.memref_slice %arg6[%dma_start3A_357, %dma_start3A_358] : memref<10240x32xf32, #tpu.memory_space<vmem_shared>> -> memref<10240x32xf32, #tpu.memory_space<vmem_shared>>
      tpu.enqueue_indirect_dma source(%dma_start3A_353 : memref<128x32xf32, #tpu.memory_space<vmem>>) target(%dma_start3A_359 : memref<10240x32xf32, #tpu.memory_space<vmem_shared>>) offsets(%dma_start3A_356 : memref<128xi32, #tpu.memory_space<vmem>>) semaphore(%arg15 : memref<!tpu.dma_semaphore, #tpu.memory_space<semaphore_mem>>) {add = true}
      %mul3A_360 = arith.constant 4 : i32
      %mul3A_361 = arith.muli %add3A_260, %mul3A_360 : i32
      %add3A_362 = arith.constant 3 : i32
      %add3A_363 = arith.addi %mul3A_361, %add3A_362 : i32
      %dma_start3A_364 = arith.constant 384 : i32
      %dma_start3A_365 = arith.constant 0 : i32
      %dma_start3A_366 = tpu.memref_slice %arg10[%dma_start3A_364, %dma_start3A_365] : memref<512x32xf32, #tpu.memory_space<vmem>> -> memref<128x32xf32, #tpu.memory_space<vmem>>
      %dma_start3A_367 = arith.constant 0 : i32
      %dma_start3A_368 = tpu.memref_slice %arg9[%add3A_363, %dma_start3A_367] : memref<160x128xi32, #tpu.memory_space<vmem>> -> memref<1x128xi32, #tpu.memory_space<vmem>>
      %dma_start3A_369 = tpu.memref_squeeze %dma_start3A_368 : memref<1x128xi32, #tpu.memory_space<vmem>> -> memref<128xi32, #tpu.memory_space<vmem>>
      %dma_start3A_370 = arith.constant 0 : i32
      %dma_start3A_371 = arith.constant 0 : i32
      %dma_start3A_372 = tpu.memref_slice %arg6[%dma_start3A_370, %dma_start3A_371] : memref<10240x32xf32, #tpu.memory_space<vmem_shared>> -> memref<10240x32xf32, #tpu.memory_space<vmem_shared>>
      tpu.enqueue_indirect_dma source(%dma_start3A_366 : memref<128x32xf32, #tpu.memory_space<vmem>>) target(%dma_start3A_372 : memref<10240x32xf32, #tpu.memory_space<vmem_shared>>) offsets(%dma_start3A_369 : memref<128xi32, #tpu.memory_space<vmem>>) semaphore(%arg15 : memref<!tpu.dma_semaphore, #tpu.memory_space<semaphore_mem>>) {add = true}
      %add3A_373 = arith.constant 1 : i32
      %add3A_374 = arith.addi %add3A_258, %add3A_373 : i32
      %ge3A_375 = arith.constant 1 : i32
      %ge3A_376 = arith.cmpi sge, %add3A_374, %ge3A_375 : i32
      %convert_element_type3A_377 = arith.extui %ge3A_376 : i1 to i32
      %cond3A_378 = arith.constant 0 : i32
      %cond3A_379 = arith.cmpi ne, %convert_element_type3A_377, %cond3A_378 : i32
      scf.if %cond3A_379 {
        %sub3A = arith.constant 1 : i32
        %sub3A_491 = arith.subi %add3A_374, %sub3A : i32
        %mul3A_492 = arith.constant 4 : i32
        %mul3A_493 = arith.muli %sub3A_491, %mul3A_492 : i32
        %add3A_494 = arith.constant 0 : i32
        %add3A_495 = arith.addi %mul3A_493, %add3A_494 : i32
        %dma_wait3A_496 = arith.constant 0 : i32
        %dma_wait3A_497 = arith.constant 0 : i32
        %dma_wait3A_498 = tpu.memref_slice %arg10[%dma_wait3A_496, %dma_wait3A_497] : memref<512x32xf32, #tpu.memory_space<vmem>> -> memref<128x32xf32, #tpu.memory_space<vmem>>
        %dma_wait3A_499 = arith.constant 0 : i32
        %dma_wait3A_500 = tpu.memref_slice %arg9[%add3A_495, %dma_wait3A_499] : memref<160x128xi32, #tpu.memory_space<vmem>> -> memref<1x128xi32, #tpu.memory_space<vmem>>
        %dma_wait3A_501 = tpu.memref_squeeze %dma_wait3A_500 : memref<1x128xi32, #tpu.memory_space<vmem>> -> memref<128xi32, #tpu.memory_space<vmem>>
        %dma_wait3A_502 = arith.constant 0 : i32
        %dma_wait3A_503 = arith.constant 0 : i32
        %dma_wait3A_504 = tpu.memref_slice %arg6[%dma_wait3A_502, %dma_wait3A_503] : memref<10240x32xf32, #tpu.memory_space<vmem_shared>> -> memref<10240x32xf32, #tpu.memory_space<vmem_shared>>
        tpu.wait_indirect_dma semaphore(%arg15 : memref<!tpu.dma_semaphore, #tpu.memory_space<semaphore_mem>>) src(%dma_wait3A_498 : memref<128x32xf32, #tpu.memory_space<vmem>>) dst(%dma_wait3A_504 : memref<10240x32xf32, #tpu.memory_space<vmem_shared>>)
        %sub3A_505 = arith.constant 1 : i32
        %sub3A_506 = arith.subi %add3A_374, %sub3A_505 : i32
        %mul3A_507 = arith.constant 4 : i32
        %mul3A_508 = arith.muli %sub3A_506, %mul3A_507 : i32
        %add3A_509 = arith.constant 1 : i32
        %add3A_510 = arith.addi %mul3A_508, %add3A_509 : i32
        %dma_wait3A_511 = arith.constant 128 : i32
        %dma_wait3A_512 = arith.constant 0 : i32
        %dma_wait3A_513 = tpu.memref_slice %arg10[%dma_wait3A_511, %dma_wait3A_512] : memref<512x32xf32, #tpu.memory_space<vmem>> -> memref<128x32xf32, #tpu.memory_space<vmem>>
        %dma_wait3A_514 = arith.constant 0 : i32
        %dma_wait3A_515 = tpu.memref_slice %arg9[%add3A_510, %dma_wait3A_514] : memref<160x128xi32, #tpu.memory_space<vmem>> -> memref<1x128xi32, #tpu.memory_space<vmem>>
        %dma_wait3A_516 = tpu.memref_squeeze %dma_wait3A_515 : memref<1x128xi32, #tpu.memory_space<vmem>> -> memref<128xi32, #tpu.memory_space<vmem>>
        %dma_wait3A_517 = arith.constant 0 : i32
        %dma_wait3A_518 = arith.constant 0 : i32
        %dma_wait3A_519 = tpu.memref_slice %arg6[%dma_wait3A_517, %dma_wait3A_518] : memref<10240x32xf32, #tpu.memory_space<vmem_shared>> -> memref<10240x32xf32, #tpu.memory_space<vmem_shared>>
        tpu.wait_indirect_dma semaphore(%arg15 : memref<!tpu.dma_semaphore, #tpu.memory_space<semaphore_mem>>) src(%dma_wait3A_513 : memref<128x32xf32, #tpu.memory_space<vmem>>) dst(%dma_wait3A_519 : memref<10240x32xf32, #tpu.memory_space<vmem_shared>>)
        %sub3A_520 = arith.constant 1 : i32
        %sub3A_521 = arith.subi %add3A_374, %sub3A_520 : i32
        %mul3A_522 = arith.constant 4 : i32
        %mul3A_523 = arith.muli %sub3A_521, %mul3A_522 : i32
        %add3A_524 = arith.constant 2 : i32
        %add3A_525 = arith.addi %mul3A_523, %add3A_524 : i32
        %dma_wait3A_526 = arith.constant 256 : i32
        %dma_wait3A_527 = arith.constant 0 : i32
        %dma_wait3A_528 = tpu.memref_slice %arg10[%dma_wait3A_526, %dma_wait3A_527] : memref<512x32xf32, #tpu.memory_space<vmem>> -> memref<128x32xf32, #tpu.memory_space<vmem>>
        %dma_wait3A_529 = arith.constant 0 : i32
        %dma_wait3A_530 = tpu.memref_slice %arg9[%add3A_525, %dma_wait3A_529] : memref<160x128xi32, #tpu.memory_space<vmem>> -> memref<1x128xi32, #tpu.memory_space<vmem>>
        %dma_wait3A_531 = tpu.memref_squeeze %dma_wait3A_530 : memref<1x128xi32, #tpu.memory_space<vmem>> -> memref<128xi32, #tpu.memory_space<vmem>>
        %dma_wait3A_532 = arith.constant 0 : i32
        %dma_wait3A_533 = arith.constant 0 : i32
        %dma_wait3A_534 = tpu.memref_slice %arg6[%dma_wait3A_532, %dma_wait3A_533] : memref<10240x32xf32, #tpu.memory_space<vmem_shared>> -> memref<10240x32xf32, #tpu.memory_space<vmem_shared>>
        tpu.wait_indirect_dma semaphore(%arg15 : memref<!tpu.dma_semaphore, #tpu.memory_space<semaphore_mem>>) src(%dma_wait3A_528 : memref<128x32xf32, #tpu.memory_space<vmem>>) dst(%dma_wait3A_534 : memref<10240x32xf32, #tpu.memory_space<vmem_shared>>)
        %sub3A_535 = arith.constant 1 : i32
        %sub3A_536 = arith.subi %add3A_374, %sub3A_535 : i32
        %mul3A_537 = arith.constant 4 : i32
        %mul3A_538 = arith.muli %sub3A_536, %mul3A_537 : i32
        %add3A_539 = arith.constant 3 : i32
        %add3A_540 = arith.addi %mul3A_538, %add3A_539 : i32
        %dma_wait3A_541 = arith.constant 384 : i32
        %dma_wait3A_542 = arith.constant 0 : i32
        %dma_wait3A_543 = tpu.memref_slice %arg10[%dma_wait3A_541, %dma_wait3A_542] : memref<512x32xf32, #tpu.memory_space<vmem>> -> memref<128x32xf32, #tpu.memory_space<vmem>>
        %dma_wait3A_544 = arith.constant 0 : i32
        %dma_wait3A_545 = tpu.memref_slice %arg9[%add3A_540, %dma_wait3A_544] : memref<160x128xi32, #tpu.memory_space<vmem>> -> memref<1x128xi32, #tpu.memory_space<vmem>>
        %dma_wait3A_546 = tpu.memref_squeeze %dma_wait3A_545 : memref<1x128xi32, #tpu.memory_space<vmem>> -> memref<128xi32, #tpu.memory_space<vmem>>
        %dma_wait3A_547 = arith.constant 0 : i32
        %dma_wait3A_548 = arith.constant 0 : i32
        %dma_wait3A_549 = tpu.memref_slice %arg6[%dma_wait3A_547, %dma_wait3A_548] : memref<10240x32xf32, #tpu.memory_space<vmem_shared>> -> memref<10240x32xf32, #tpu.memory_space<vmem_shared>>
        tpu.wait_indirect_dma semaphore(%arg15 : memref<!tpu.dma_semaphore, #tpu.memory_space<semaphore_mem>>) src(%dma_wait3A_543 : memref<128x32xf32, #tpu.memory_space<vmem>>) dst(%dma_wait3A_549 : memref<10240x32xf32, #tpu.memory_space<vmem_shared>>)
      } else {
      }
      %add3A_380 = arith.constant 1 : i32
      %add3A_381 = arith.addi %add3A_374, %add3A_380 : i32
      %lt3A_382 = arith.constant 40 : i32
      %lt3A_383 = arith.cmpi slt, %add3A_381, %lt3A_382 : i32
      %convert_element_type3A_384 = arith.extui %lt3A_383 : i1 to i32
      %cond3A_385 = arith.constant 0 : i32
      %cond3A_386 = arith.cmpi ne, %convert_element_type3A_384, %cond3A_385 : i32
      scf.if %cond3A_386 {
        %add3A_491 = arith.constant 1 : i32
        %add3A_492 = arith.addi %add3A_374, %add3A_491 : i32
        %mul3A_493 = arith.constant 4 : i32
        %mul3A_494 = arith.muli %add3A_492, %mul3A_493 : i32
        %add3A_495 = arith.constant 0 : i32
        %add3A_496 = arith.addi %mul3A_494, %add3A_495 : i32
        %dma_start3A_497 = arith.constant 0 : i32
        %dma_start3A_498 = arith.constant 0 : i32
        %dma_start3A_499 = tpu.memref_slice %arg10[%dma_start3A_497, %dma_start3A_498] : memref<512x32xf32, #tpu.memory_space<vmem>> -> memref<128x32xf32, #tpu.memory_space<vmem>>
        %dma_start3A_500 = arith.constant 0 : i32
        %dma_start3A_501 = tpu.memref_slice %arg8[%add3A_496, %dma_start3A_500] : memref<160x128xi32, #tpu.memory_space<vmem>> -> memref<1x128xi32, #tpu.memory_space<vmem>>
        %dma_start3A_502 = tpu.memref_squeeze %dma_start3A_501 : memref<1x128xi32, #tpu.memory_space<vmem>> -> memref<128xi32, #tpu.memory_space<vmem>>
        %dma_start3A_503 = arith.constant 0 : i32
        %dma_start3A_504 = arith.constant 0 : i32
        %dma_start3A_505 = tpu.memref_slice %arg7[%dma_start3A_503, %dma_start3A_504] : memref<10240x32xf32, #tpu.memory_space<vmem_shared>> -> memref<10240x32xf32, #tpu.memory_space<vmem_shared>>
        tpu.enqueue_indirect_dma source(%dma_start3A_505 : memref<10240x32xf32, #tpu.memory_space<vmem_shared>>) target(%dma_start3A_499 : memref<128x32xf32, #tpu.memory_space<vmem>>) offsets(%dma_start3A_502 : memref<128xi32, #tpu.memory_space<vmem>>) semaphore(%arg13 : memref<!tpu.dma_semaphore, #tpu.memory_space<semaphore_mem>>)
        %add3A_506 = arith.constant 1 : i32
        %add3A_507 = arith.addi %add3A_374, %add3A_506 : i32
        %mul3A_508 = arith.constant 4 : i32
        %mul3A_509 = arith.muli %add3A_507, %mul3A_508 : i32
        %add3A_510 = arith.constant 1 : i32
        %add3A_511 = arith.addi %mul3A_509, %add3A_510 : i32
        %dma_start3A_512 = arith.constant 128 : i32
        %dma_start3A_513 = arith.constant 0 : i32
        %dma_start3A_514 = tpu.memref_slice %arg10[%dma_start3A_512, %dma_start3A_513] : memref<512x32xf32, #tpu.memory_space<vmem>> -> memref<128x32xf32, #tpu.memory_space<vmem>>
        %dma_start3A_515 = arith.constant 0 : i32
        %dma_start3A_516 = tpu.memref_slice %arg8[%add3A_511, %dma_start3A_515] : memref<160x128xi32, #tpu.memory_space<vmem>> -> memref<1x128xi32, #tpu.memory_space<vmem>>
        %dma_start3A_517 = tpu.memref_squeeze %dma_start3A_516 : memref<1x128xi32, #tpu.memory_space<vmem>> -> memref<128xi32, #tpu.memory_space<vmem>>
        %dma_start3A_518 = arith.constant 0 : i32
        %dma_start3A_519 = arith.constant 0 : i32
        %dma_start3A_520 = tpu.memref_slice %arg7[%dma_start3A_518, %dma_start3A_519] : memref<10240x32xf32, #tpu.memory_space<vmem_shared>> -> memref<10240x32xf32, #tpu.memory_space<vmem_shared>>
        tpu.enqueue_indirect_dma source(%dma_start3A_520 : memref<10240x32xf32, #tpu.memory_space<vmem_shared>>) target(%dma_start3A_514 : memref<128x32xf32, #tpu.memory_space<vmem>>) offsets(%dma_start3A_517 : memref<128xi32, #tpu.memory_space<vmem>>) semaphore(%arg13 : memref<!tpu.dma_semaphore, #tpu.memory_space<semaphore_mem>>)
        %add3A_521 = arith.constant 1 : i32
        %add3A_522 = arith.addi %add3A_374, %add3A_521 : i32
        %mul3A_523 = arith.constant 4 : i32
        %mul3A_524 = arith.muli %add3A_522, %mul3A_523 : i32
        %add3A_525 = arith.constant 2 : i32
        %add3A_526 = arith.addi %mul3A_524, %add3A_525 : i32
        %dma_start3A_527 = arith.constant 256 : i32
        %dma_start3A_528 = arith.constant 0 : i32
        %dma_start3A_529 = tpu.memref_slice %arg10[%dma_start3A_527, %dma_start3A_528] : memref<512x32xf32, #tpu.memory_space<vmem>> -> memref<128x32xf32, #tpu.memory_space<vmem>>
        %dma_start3A_530 = arith.constant 0 : i32
        %dma_start3A_531 = tpu.memref_slice %arg8[%add3A_526, %dma_start3A_530] : memref<160x128xi32, #tpu.memory_space<vmem>> -> memref<1x128xi32, #tpu.memory_space<vmem>>
        %dma_start3A_532 = tpu.memref_squeeze %dma_start3A_531 : memref<1x128xi32, #tpu.memory_space<vmem>> -> memref<128xi32, #tpu.memory_space<vmem>>
        %dma_start3A_533 = arith.constant 0 : i32
        %dma_start3A_534 = arith.constant 0 : i32
        %dma_start3A_535 = tpu.memref_slice %arg7[%dma_start3A_533, %dma_start3A_534] : memref<10240x32xf32, #tpu.memory_space<vmem_shared>> -> memref<10240x32xf32, #tpu.memory_space<vmem_shared>>
        tpu.enqueue_indirect_dma source(%dma_start3A_535 : memref<10240x32xf32, #tpu.memory_space<vmem_shared>>) target(%dma_start3A_529 : memref<128x32xf32, #tpu.memory_space<vmem>>) offsets(%dma_start3A_532 : memref<128xi32, #tpu.memory_space<vmem>>) semaphore(%arg13 : memref<!tpu.dma_semaphore, #tpu.memory_space<semaphore_mem>>)
        %add3A_536 = arith.constant 1 : i32
        %add3A_537 = arith.addi %add3A_374, %add3A_536 : i32
        %mul3A_538 = arith.constant 4 : i32
        %mul3A_539 = arith.muli %add3A_537, %mul3A_538 : i32
        %add3A_540 = arith.constant 3 : i32
        %add3A_541 = arith.addi %mul3A_539, %add3A_540 : i32
        %dma_start3A_542 = arith.constant 384 : i32
        %dma_start3A_543 = arith.constant 0 : i32
        %dma_start3A_544 = tpu.memref_slice %arg10[%dma_start3A_542, %dma_start3A_543] : memref<512x32xf32, #tpu.memory_space<vmem>> -> memref<128x32xf32, #tpu.memory_space<vmem>>
        %dma_start3A_545 = arith.constant 0 : i32
        %dma_start3A_546 = tpu.memref_slice %arg8[%add3A_541, %dma_start3A_545] : memref<160x128xi32, #tpu.memory_space<vmem>> -> memref<1x128xi32, #tpu.memory_space<vmem>>
        %dma_start3A_547 = tpu.memref_squeeze %dma_start3A_546 : memref<1x128xi32, #tpu.memory_space<vmem>> -> memref<128xi32, #tpu.memory_space<vmem>>
        %dma_start3A_548 = arith.constant 0 : i32
        %dma_start3A_549 = arith.constant 0 : i32
        %dma_start3A_550 = tpu.memref_slice %arg7[%dma_start3A_548, %dma_start3A_549] : memref<10240x32xf32, #tpu.memory_space<vmem_shared>> -> memref<10240x32xf32, #tpu.memory_space<vmem_shared>>
        tpu.enqueue_indirect_dma source(%dma_start3A_550 : memref<10240x32xf32, #tpu.memory_space<vmem_shared>>) target(%dma_start3A_544 : memref<128x32xf32, #tpu.memory_space<vmem>>) offsets(%dma_start3A_547 : memref<128xi32, #tpu.memory_space<vmem>>) semaphore(%arg13 : memref<!tpu.dma_semaphore, #tpu.memory_space<semaphore_mem>>)
      } else {
      }
      %mul3A_387 = arith.constant 4 : i32
      %mul3A_388 = arith.muli %add3A_374, %mul3A_387 : i32
      %add3A_389 = arith.constant 0 : i32
      %add3A_390 = arith.addi %mul3A_388, %add3A_389 : i32
      %dma_wait3A_391 = arith.constant 0 : i32
      %dma_wait3A_392 = arith.constant 0 : i32
      %dma_wait3A_393 = tpu.memref_slice %arg11[%dma_wait3A_391, %dma_wait3A_392] : memref<512x32xf32, #tpu.memory_space<vmem>> -> memref<128x32xf32, #tpu.memory_space<vmem>>
      %dma_wait3A_394 = arith.constant 0 : i32
      %dma_wait3A_395 = tpu.memref_slice %arg8[%add3A_390, %dma_wait3A_394] : memref<160x128xi32, #tpu.memory_space<vmem>> -> memref<1x128xi32, #tpu.memory_space<vmem>>
      %dma_wait3A_396 = tpu.memref_squeeze %dma_wait3A_395 : memref<1x128xi32, #tpu.memory_space<vmem>> -> memref<128xi32, #tpu.memory_space<vmem>>
      %dma_wait3A_397 = arith.constant 0 : i32
      %dma_wait3A_398 = arith.constant 0 : i32
      %dma_wait3A_399 = tpu.memref_slice %arg7[%dma_wait3A_397, %dma_wait3A_398] : memref<10240x32xf32, #tpu.memory_space<vmem_shared>> -> memref<10240x32xf32, #tpu.memory_space<vmem_shared>>
      tpu.wait_indirect_dma semaphore(%arg14 : memref<!tpu.dma_semaphore, #tpu.memory_space<semaphore_mem>>) src(%dma_wait3A_399 : memref<10240x32xf32, #tpu.memory_space<vmem_shared>>) dst(%dma_wait3A_393 : memref<128x32xf32, #tpu.memory_space<vmem>>)
      %mul3A_400 = arith.constant 4 : i32
      %mul3A_401 = arith.muli %add3A_374, %mul3A_400 : i32
      %add3A_402 = arith.constant 1 : i32
      %add3A_403 = arith.addi %mul3A_401, %add3A_402 : i32
      %dma_wait3A_404 = arith.constant 128 : i32
      %dma_wait3A_405 = arith.constant 0 : i32
      %dma_wait3A_406 = tpu.memref_slice %arg11[%dma_wait3A_404, %dma_wait3A_405] : memref<512x32xf32, #tpu.memory_space<vmem>> -> memref<128x32xf32, #tpu.memory_space<vmem>>
      %dma_wait3A_407 = arith.constant 0 : i32
      %dma_wait3A_408 = tpu.memref_slice %arg8[%add3A_403, %dma_wait3A_407] : memref<160x128xi32, #tpu.memory_space<vmem>> -> memref<1x128xi32, #tpu.memory_space<vmem>>
      %dma_wait3A_409 = tpu.memref_squeeze %dma_wait3A_408 : memref<1x128xi32, #tpu.memory_space<vmem>> -> memref<128xi32, #tpu.memory_space<vmem>>
      %dma_wait3A_410 = arith.constant 0 : i32
      %dma_wait3A_411 = arith.constant 0 : i32
      %dma_wait3A_412 = tpu.memref_slice %arg7[%dma_wait3A_410, %dma_wait3A_411] : memref<10240x32xf32, #tpu.memory_space<vmem_shared>> -> memref<10240x32xf32, #tpu.memory_space<vmem_shared>>
      tpu.wait_indirect_dma semaphore(%arg14 : memref<!tpu.dma_semaphore, #tpu.memory_space<semaphore_mem>>) src(%dma_wait3A_412 : memref<10240x32xf32, #tpu.memory_space<vmem_shared>>) dst(%dma_wait3A_406 : memref<128x32xf32, #tpu.memory_space<vmem>>)
      %mul3A_413 = arith.constant 4 : i32
      %mul3A_414 = arith.muli %add3A_374, %mul3A_413 : i32
      %add3A_415 = arith.constant 2 : i32
      %add3A_416 = arith.addi %mul3A_414, %add3A_415 : i32
      %dma_wait3A_417 = arith.constant 256 : i32
      %dma_wait3A_418 = arith.constant 0 : i32
      %dma_wait3A_419 = tpu.memref_slice %arg11[%dma_wait3A_417, %dma_wait3A_418] : memref<512x32xf32, #tpu.memory_space<vmem>> -> memref<128x32xf32, #tpu.memory_space<vmem>>
      %dma_wait3A_420 = arith.constant 0 : i32
      %dma_wait3A_421 = tpu.memref_slice %arg8[%add3A_416, %dma_wait3A_420] : memref<160x128xi32, #tpu.memory_space<vmem>> -> memref<1x128xi32, #tpu.memory_space<vmem>>
      %dma_wait3A_422 = tpu.memref_squeeze %dma_wait3A_421 : memref<1x128xi32, #tpu.memory_space<vmem>> -> memref<128xi32, #tpu.memory_space<vmem>>
      %dma_wait3A_423 = arith.constant 0 : i32
      %dma_wait3A_424 = arith.constant 0 : i32
      %dma_wait3A_425 = tpu.memref_slice %arg7[%dma_wait3A_423, %dma_wait3A_424] : memref<10240x32xf32, #tpu.memory_space<vmem_shared>> -> memref<10240x32xf32, #tpu.memory_space<vmem_shared>>
      tpu.wait_indirect_dma semaphore(%arg14 : memref<!tpu.dma_semaphore, #tpu.memory_space<semaphore_mem>>) src(%dma_wait3A_425 : memref<10240x32xf32, #tpu.memory_space<vmem_shared>>) dst(%dma_wait3A_419 : memref<128x32xf32, #tpu.memory_space<vmem>>)
      %mul3A_426 = arith.constant 4 : i32
      %mul3A_427 = arith.muli %add3A_374, %mul3A_426 : i32
      %add3A_428 = arith.constant 3 : i32
      %add3A_429 = arith.addi %mul3A_427, %add3A_428 : i32
      %dma_wait3A_430 = arith.constant 384 : i32
      %dma_wait3A_431 = arith.constant 0 : i32
      %dma_wait3A_432 = tpu.memref_slice %arg11[%dma_wait3A_430, %dma_wait3A_431] : memref<512x32xf32, #tpu.memory_space<vmem>> -> memref<128x32xf32, #tpu.memory_space<vmem>>
      %dma_wait3A_433 = arith.constant 0 : i32
      %dma_wait3A_434 = tpu.memref_slice %arg8[%add3A_429, %dma_wait3A_433] : memref<160x128xi32, #tpu.memory_space<vmem>> -> memref<1x128xi32, #tpu.memory_space<vmem>>
      %dma_wait3A_435 = tpu.memref_squeeze %dma_wait3A_434 : memref<1x128xi32, #tpu.memory_space<vmem>> -> memref<128xi32, #tpu.memory_space<vmem>>
      %dma_wait3A_436 = arith.constant 0 : i32
      %dma_wait3A_437 = arith.constant 0 : i32
      %dma_wait3A_438 = tpu.memref_slice %arg7[%dma_wait3A_436, %dma_wait3A_437] : memref<10240x32xf32, #tpu.memory_space<vmem_shared>> -> memref<10240x32xf32, #tpu.memory_space<vmem_shared>>
      tpu.wait_indirect_dma semaphore(%arg14 : memref<!tpu.dma_semaphore, #tpu.memory_space<semaphore_mem>>) src(%dma_wait3A_438 : memref<10240x32xf32, #tpu.memory_space<vmem_shared>>) dst(%dma_wait3A_432 : memref<128x32xf32, #tpu.memory_space<vmem>>)
      %mul3A_439 = arith.constant 4 : i32
      %mul3A_440 = arith.muli %add3A_374, %mul3A_439 : i32
      %add3A_441 = arith.constant 0 : i32
      %add3A_442 = arith.addi %mul3A_440, %add3A_441 : i32
      %dma_start3A_443 = arith.constant 0 : i32
      %dma_start3A_444 = arith.constant 0 : i32
      %dma_start3A_445 = tpu.memref_slice %arg11[%dma_start3A_443, %dma_start3A_444] : memref<512x32xf32, #tpu.memory_space<vmem>> -> memref<128x32xf32, #tpu.memory_space<vmem>>
      %dma_start3A_446 = arith.constant 0 : i32
      %dma_start3A_447 = tpu.memref_slice %arg9[%add3A_442, %dma_start3A_446] : memref<160x128xi32, #tpu.memory_space<vmem>> -> memref<1x128xi32, #tpu.memory_space<vmem>>
      %dma_start3A_448 = tpu.memref_squeeze %dma_start3A_447 : memref<1x128xi32, #tpu.memory_space<vmem>> -> memref<128xi32, #tpu.memory_space<vmem>>
      %dma_start3A_449 = arith.constant 0 : i32
      %dma_start3A_450 = arith.constant 0 : i32
      %dma_start3A_451 = tpu.memref_slice %arg6[%dma_start3A_449, %dma_start3A_450] : memref<10240x32xf32, #tpu.memory_space<vmem_shared>> -> memref<10240x32xf32, #tpu.memory_space<vmem_shared>>
      tpu.enqueue_indirect_dma source(%dma_start3A_445 : memref<128x32xf32, #tpu.memory_space<vmem>>) target(%dma_start3A_451 : memref<10240x32xf32, #tpu.memory_space<vmem_shared>>) offsets(%dma_start3A_448 : memref<128xi32, #tpu.memory_space<vmem>>) semaphore(%arg16 : memref<!tpu.dma_semaphore, #tpu.memory_space<semaphore_mem>>) {add = true}
      %mul3A_452 = arith.constant 4 : i32
      %mul3A_453 = arith.muli %add3A_374, %mul3A_452 : i32
      %add3A_454 = arith.constant 1 : i32
      %add3A_455 = arith.addi %mul3A_453, %add3A_454 : i32
      %dma_start3A_456 = arith.constant 128 : i32
      %dma_start3A_457 = arith.constant 0 : i32
      %dma_start3A_458 = tpu.memref_slice %arg11[%dma_start3A_456, %dma_start3A_457] : memref<512x32xf32, #tpu.memory_space<vmem>> -> memref<128x32xf32, #tpu.memory_space<vmem>>
      %dma_start3A_459 = arith.constant 0 : i32
      %dma_start3A_460 = tpu.memref_slice %arg9[%add3A_455, %dma_start3A_459] : memref<160x128xi32, #tpu.memory_space<vmem>> -> memref<1x128xi32, #tpu.memory_space<vmem>>
      %dma_start3A_461 = tpu.memref_squeeze %dma_start3A_460 : memref<1x128xi32, #tpu.memory_space<vmem>> -> memref<128xi32, #tpu.memory_space<vmem>>
      %dma_start3A_462 = arith.constant 0 : i32
      %dma_start3A_463 = arith.constant 0 : i32
      %dma_start3A_464 = tpu.memref_slice %arg6[%dma_start3A_462, %dma_start3A_463] : memref<10240x32xf32, #tpu.memory_space<vmem_shared>> -> memref<10240x32xf32, #tpu.memory_space<vmem_shared>>
      tpu.enqueue_indirect_dma source(%dma_start3A_458 : memref<128x32xf32, #tpu.memory_space<vmem>>) target(%dma_start3A_464 : memref<10240x32xf32, #tpu.memory_space<vmem_shared>>) offsets(%dma_start3A_461 : memref<128xi32, #tpu.memory_space<vmem>>) semaphore(%arg16 : memref<!tpu.dma_semaphore, #tpu.memory_space<semaphore_mem>>) {add = true}
      %mul3A_465 = arith.constant 4 : i32
      %mul3A_466 = arith.muli %add3A_374, %mul3A_465 : i32
      %add3A_467 = arith.constant 2 : i32
      %add3A_468 = arith.addi %mul3A_466, %add3A_467 : i32
      %dma_start3A_469 = arith.constant 256 : i32
      %dma_start3A_470 = arith.constant 0 : i32
      %dma_start3A_471 = tpu.memref_slice %arg11[%dma_start3A_469, %dma_start3A_470] : memref<512x32xf32, #tpu.memory_space<vmem>> -> memref<128x32xf32, #tpu.memory_space<vmem>>
      %dma_start3A_472 = arith.constant 0 : i32
      %dma_start3A_473 = tpu.memref_slice %arg9[%add3A_468, %dma_start3A_472] : memref<160x128xi32, #tpu.memory_space<vmem>> -> memref<1x128xi32, #tpu.memory_space<vmem>>
      %dma_start3A_474 = tpu.memref_squeeze %dma_start3A_473 : memref<1x128xi32, #tpu.memory_space<vmem>> -> memref<128xi32, #tpu.memory_space<vmem>>
      %dma_start3A_475 = arith.constant 0 : i32
      %dma_start3A_476 = arith.constant 0 : i32
      %dma_start3A_477 = tpu.memref_slice %arg6[%dma_start3A_475, %dma_start3A_476] : memref<10240x32xf32, #tpu.memory_space<vmem_shared>> -> memref<10240x32xf32, #tpu.memory_space<vmem_shared>>
      tpu.enqueue_indirect_dma source(%dma_start3A_471 : memref<128x32xf32, #tpu.memory_space<vmem>>) target(%dma_start3A_477 : memref<10240x32xf32, #tpu.memory_space<vmem_shared>>) offsets(%dma_start3A_474 : memref<128xi32, #tpu.memory_space<vmem>>) semaphore(%arg16 : memref<!tpu.dma_semaphore, #tpu.memory_space<semaphore_mem>>) {add = true}
      %mul3A_478 = arith.constant 4 : i32
      %mul3A_479 = arith.muli %add3A_374, %mul3A_478 : i32
      %add3A_480 = arith.constant 3 : i32
      %add3A_481 = arith.addi %mul3A_479, %add3A_480 : i32
      %dma_start3A_482 = arith.constant 384 : i32
      %dma_start3A_483 = arith.constant 0 : i32
      %dma_start3A_484 = tpu.memref_slice %arg11[%dma_start3A_482, %dma_start3A_483] : memref<512x32xf32, #tpu.memory_space<vmem>> -> memref<128x32xf32, #tpu.memory_space<vmem>>
      %dma_start3A_485 = arith.constant 0 : i32
      %dma_start3A_486 = tpu.memref_slice %arg9[%add3A_481, %dma_start3A_485] : memref<160x128xi32, #tpu.memory_space<vmem>> -> memref<1x128xi32, #tpu.memory_space<vmem>>
      %dma_start3A_487 = tpu.memref_squeeze %dma_start3A_486 : memref<1x128xi32, #tpu.memory_space<vmem>> -> memref<128xi32, #tpu.memory_space<vmem>>
      %dma_start3A_488 = arith.constant 0 : i32
      %dma_start3A_489 = arith.constant 0 : i32
      %dma_start3A_490 = tpu.memref_slice %arg6[%dma_start3A_488, %dma_start3A_489] : memref<10240x32xf32, #tpu.memory_space<vmem_shared>> -> memref<10240x32xf32, #tpu.memory_space<vmem_shared>>
      tpu.enqueue_indirect_dma source(%dma_start3A_484 : memref<128x32xf32, #tpu.memory_space<vmem>>) target(%dma_start3A_490 : memref<10240x32xf32, #tpu.memory_space<vmem_shared>>) offsets(%dma_start3A_487 : memref<128xi32, #tpu.memory_space<vmem>>) semaphore(%arg16 : memref<!tpu.dma_semaphore, #tpu.memory_space<semaphore_mem>>) {add = true}
    }
    %scan3A_212 = arith.constant 20 : i32
    %dma_wait3A_213 = arith.constant 156 : i32
    %dma_wait3A_214 = arith.constant 0 : i32
    %dma_wait3A_215 = arith.constant 0 : i32
    %dma_wait3A_216 = tpu.memref_slice %arg11[%dma_wait3A_214, %dma_wait3A_215] : memref<512x32xf32, #tpu.memory_space<vmem>> -> memref<128x32xf32, #tpu.memory_space<vmem>>
    %dma_wait3A_217 = arith.constant 0 : i32
    %dma_wait3A_218 = tpu.memref_slice %arg9[%dma_wait3A_213, %dma_wait3A_217] : memref<160x128xi32, #tpu.memory_space<vmem>> -> memref<1x128xi32, #tpu.memory_space<vmem>>
    %dma_wait3A_219 = tpu.memref_squeeze %dma_wait3A_218 : memref<1x128xi32, #tpu.memory_space<vmem>> -> memref<128xi32, #tpu.memory_space<vmem>>
    %dma_wait3A_220 = arith.constant 0 : i32
    %dma_wait3A_221 = arith.constant 0 : i32
    %dma_wait3A_222 = tpu.memref_slice %arg6[%dma_wait3A_220, %dma_wait3A_221] : memref<10240x32xf32, #tpu.memory_space<vmem_shared>> -> memref<10240x32xf32, #tpu.memory_space<vmem_shared>>
    tpu.wait_indirect_dma semaphore(%arg16 : memref<!tpu.dma_semaphore, #tpu.memory_space<semaphore_mem>>) src(%dma_wait3A_216 : memref<128x32xf32, #tpu.memory_space<vmem>>) dst(%dma_wait3A_222 : memref<10240x32xf32, #tpu.memory_space<vmem_shared>>)
    %dma_wait3A_223 = arith.constant 157 : i32
    %dma_wait3A_224 = arith.constant 128 : i32
    %dma_wait3A_225 = arith.constant 0 : i32
    %dma_wait3A_226 = tpu.memref_slice %arg11[%dma_wait3A_224, %dma_wait3A_225] : memref<512x32xf32, #tpu.memory_space<vmem>> -> memref<128x32xf32, #tpu.memory_space<vmem>>
    %dma_wait3A_227 = arith.constant 0 : i32
    %dma_wait3A_228 = tpu.memref_slice %arg9[%dma_wait3A_223, %dma_wait3A_227] : memref<160x128xi32, #tpu.memory_space<vmem>> -> memref<1x128xi32, #tpu.memory_space<vmem>>
    %dma_wait3A_229 = tpu.memref_squeeze %dma_wait3A_228 : memref<1x128xi32, #tpu.memory_space<vmem>> -> memref<128xi32, #tpu.memory_space<vmem>>
    %dma_wait3A_230 = arith.constant 0 : i32
    %dma_wait3A_231 = arith.constant 0 : i32
    %dma_wait3A_232 = tpu.memref_slice %arg6[%dma_wait3A_230, %dma_wait3A_231] : memref<10240x32xf32, #tpu.memory_space<vmem_shared>> -> memref<10240x32xf32, #tpu.memory_space<vmem_shared>>
    tpu.wait_indirect_dma semaphore(%arg16 : memref<!tpu.dma_semaphore, #tpu.memory_space<semaphore_mem>>) src(%dma_wait3A_226 : memref<128x32xf32, #tpu.memory_space<vmem>>) dst(%dma_wait3A_232 : memref<10240x32xf32, #tpu.memory_space<vmem_shared>>)
    %dma_wait3A_233 = arith.constant 158 : i32
    %dma_wait3A_234 = arith.constant 256 : i32
    %dma_wait3A_235 = arith.constant 0 : i32
    %dma_wait3A_236 = tpu.memref_slice %arg11[%dma_wait3A_234, %dma_wait3A_235] : memref<512x32xf32, #tpu.memory_space<vmem>> -> memref<128x32xf32, #tpu.memory_space<vmem>>
    %dma_wait3A_237 = arith.constant 0 : i32
    %dma_wait3A_238 = tpu.memref_slice %arg9[%dma_wait3A_233, %dma_wait3A_237] : memref<160x128xi32, #tpu.memory_space<vmem>> -> memref<1x128xi32, #tpu.memory_space<vmem>>
    %dma_wait3A_239 = tpu.memref_squeeze %dma_wait3A_238 : memref<1x128xi32, #tpu.memory_space<vmem>> -> memref<128xi32, #tpu.memory_space<vmem>>
    %dma_wait3A_240 = arith.constant 0 : i32
    %dma_wait3A_241 = arith.constant 0 : i32
    %dma_wait3A_242 = tpu.memref_slice %arg6[%dma_wait3A_240, %dma_wait3A_241] : memref<10240x32xf32, #tpu.memory_space<vmem_shared>> -> memref<10240x32xf32, #tpu.memory_space<vmem_shared>>
    tpu.wait_indirect_dma semaphore(%arg16 : memref<!tpu.dma_semaphore, #tpu.memory_space<semaphore_mem>>) src(%dma_wait3A_236 : memref<128x32xf32, #tpu.memory_space<vmem>>) dst(%dma_wait3A_242 : memref<10240x32xf32, #tpu.memory_space<vmem_shared>>)
    %dma_wait3A_243 = arith.constant 159 : i32
    %dma_wait3A_244 = arith.constant 384 : i32
    %dma_wait3A_245 = arith.constant 0 : i32
    %dma_wait3A_246 = tpu.memref_slice %arg11[%dma_wait3A_244, %dma_wait3A_245] : memref<512x32xf32, #tpu.memory_space<vmem>> -> memref<128x32xf32, #tpu.memory_space<vmem>>
    %dma_wait3A_247 = arith.constant 0 : i32
    %dma_wait3A_248 = tpu.memref_slice %arg9[%dma_wait3A_243, %dma_wait3A_247] : memref<160x128xi32, #tpu.memory_space<vmem>> -> memref<1x128xi32, #tpu.memory_space<vmem>>
    %dma_wait3A_249 = tpu.memref_squeeze %dma_wait3A_248 : memref<1x128xi32, #tpu.memory_space<vmem>> -> memref<128xi32, #tpu.memory_space<vmem>>
    %dma_wait3A_250 = arith.constant 0 : i32
    %dma_wait3A_251 = arith.constant 0 : i32
    %dma_wait3A_252 = tpu.memref_slice %arg6[%dma_wait3A_250, %dma_wait3A_251] : memref<10240x32xf32, #tpu.memory_space<vmem_shared>> -> memref<10240x32xf32, #tpu.memory_space<vmem_shared>>
    tpu.wait_indirect_dma semaphore(%arg16 : memref<!tpu.dma_semaphore, #tpu.memory_space<semaphore_mem>>) src(%dma_wait3A_246 : memref<128x32xf32, #tpu.memory_space<vmem>>) dst(%dma_wait3A_252 : memref<10240x32xf32, #tpu.memory_space<vmem_shared>>)
    %barrier3A_253 = arith.constant 0 : index
    tpu.barrier barrier_id(%barrier3A_253)
    "tpu.region"() ({
      %run_scoped3A = tpu.sem_alloc : memref<!tpu.dma_semaphore, #tpu.memory_space<semaphore_mem>>
      %dma_start3A_254 = tpu.memref_slice %arg5[%mul3A_0, %mul3A_4] : memref<10240x64xf32, #tpu.memory_space<hbm>> -> memref<640x32xf32, #tpu.memory_space<hbm>>
      %dma_start3A_255 = arith.constant 0 : i32
      %dma_start3A_256 = tpu.memref_slice %arg6[%mul3A_0, %dma_start3A_255] : memref<10240x32xf32, #tpu.memory_space<vmem_shared>> -> memref<640x32xf32, #tpu.memory_space<vmem_shared>>
      tpu.enqueue_dma source(%dma_start3A_256 : memref<640x32xf32, #tpu.memory_space<vmem_shared>>) target(%dma_start3A_254 : memref<640x32xf32, #tpu.memory_space<hbm>>) target_semaphore(%run_scoped3A : memref<!tpu.dma_semaphore, #tpu.memory_space<semaphore_mem>>)
      %dma_wait3A_257 = tpu.memref_slice %arg5[%mul3A_0, %mul3A_4] : memref<10240x64xf32, #tpu.memory_space<hbm>> -> memref<640x32xf32, #tpu.memory_space<hbm>>
      %dma_wait3A_258 = arith.constant 0 : i32
      %dma_wait3A_259 = tpu.memref_slice %arg6[%mul3A_0, %dma_wait3A_258] : memref<10240x32xf32, #tpu.memory_space<vmem_shared>> -> memref<640x32xf32, #tpu.memory_space<vmem_shared>>
      tpu.wait_dma2 semaphore(%run_scoped3A : memref<!tpu.dma_semaphore, #tpu.memory_space<semaphore_mem>>) src(%dma_wait3A_259 : memref<640x32xf32, #tpu.memory_space<vmem_shared>>) dst(%dma_wait3A_257 : memref<640x32xf32, #tpu.memory_space<hbm>>)
      tpu.yield
    }) : () -> ()
    return
  }
}

module attributes {stable_mosaic.version = 14 : i64} {
  func.func @body(%arg0: memref<10000x128xf32, #tpu.memory_space<vmem>>, %arg1: memref<128x64xf32, #tpu.memory_space<vmem>>, %arg2: memref<2x320000xi32, #tpu.memory_space<vmem>>, %arg3: memref<10240x64xf32, #tpu.memory_space<vmem>>, %arg4: memref<2560x128xi32, #tpu.memory_space<vmem>>, %arg5: memref<2560x128xi32, #tpu.memory_space<vmem>>) attributes {dimension_semantics = [], scalar_prefetch = 0 : i64, scratch_operands = 0 : i64, tpu.core_type = #tpu.core_type<tc>} {
    %get3A = arith.constant 0 : index
    %get3A_0 = arith.constant 0 : index
    %get3A_1 = vector.load %arg0[%get3A, %get3A_0] : memref<10000x128xf32, #tpu.memory_space<vmem>>, vector<10000x128xf32>
    %get3A_2 = arith.constant 0 : index
    %get3A_3 = arith.constant 0 : index
    %get3A_4 = vector.load %arg1[%get3A_2, %get3A_3] : memref<128x64xf32, #tpu.memory_space<vmem>>, vector<128x64xf32>
    %dot_general3A = arith.constant dense<0.000000e+00> : vector<10000x64xf32>
    %dot_general3A_5 = tpu.matmul %get3A_1, %get3A_4, %dot_general3A {dimension_numbers = #tpu.dot_dimension_numbers<[1], [0], [0], [1], [0, 0, 1, 1], [], []>, transpose_lhs_hint = false} : vector<10000x128xf32>, vector<128x64xf32>, vector<10000x64xf32> -> vector<10000x64xf32>
    %broadcast_in_dim3A = arith.constant 0.000000e+00 : f32
    %broadcast_in_dim3A_6 = vector.broadcast %broadcast_in_dim3A : f32 to vector<240x64xf32>
    %concatenate3A = tpu.concatenate %dot_general3A_5, %broadcast_in_dim3A_6 in 0 : vector<10000x64xf32>, vector<240x64xf32> -> vector<10240x64xf32>
    %swap3A = arith.constant 0 : index
    %swap3A_7 = arith.constant 0 : index
    %swap3A_8 = vector.load %arg3[%swap3A, %swap3A_7] : memref<10240x64xf32, #tpu.memory_space<vmem>>, vector<10240x64xf32>
    tpu.vector_store %arg3[%swap3A, %swap3A_7], %concatenate3A {strides = array<i32>} : memref<10240x64xf32, #tpu.memory_space<vmem>>, vector<10240x64xf32>,
    %get3A_9 = arith.constant 0 : index
    %get3A_10 = arith.constant 0 : index
    %get3A_11 = vector.load %arg2[%get3A_9, %get3A_10] : memref<2x320000xi32, #tpu.memory_space<vmem>>, vector<1x320000xi32>
    %get3A_12 = vector.shape_cast %get3A_11 : vector<1x320000xi32> to vector<320000xi32>
    %reshape3A = vector.shape_cast %get3A_12 : vector<320000xi32> to vector<2500x128xi32>
    %broadcast_in_dim3A_13 = arith.constant 0 : i32
    %broadcast_in_dim3A_14 = vector.broadcast %broadcast_in_dim3A_13 : i32 to vector<60x128xi32>
    %concatenate3A_15 = tpu.concatenate %reshape3A, %broadcast_in_dim3A_14 in 0 : vector<2500x128xi32>, vector<60x128xi32> -> vector<2560x128xi32>
    %swap3A_16 = arith.constant 0 : index
    %swap3A_17 = arith.constant 0 : index
    %swap3A_18 = vector.load %arg4[%swap3A_16, %swap3A_17] : memref<2560x128xi32, #tpu.memory_space<vmem>>, vector<2560x128xi32>
    tpu.vector_store %arg4[%swap3A_16, %swap3A_17], %concatenate3A_15 {strides = array<i32>} : memref<2560x128xi32, #tpu.memory_space<vmem>>, vector<2560x128xi32>,
    %iota3A = tpu.iota {dimensions = array<i32: 0>} : vector<60x128xi32>
    %mul3A = arith.constant 128 : i32
    %mul3A_19 = vector.broadcast %mul3A : i32 to vector<60x128xi32>
    %mul3A_20 = arith.muli %iota3A, %mul3A_19 : vector<60x128xi32>
    %iota3A_21 = tpu.iota {dimensions = array<i32: 1>} : vector<60x128xi32>
    %add3A = arith.addi %mul3A_20, %iota3A_21 : vector<60x128xi32>
    %rem3A = arith.constant 240 : i32
    %rem3A_22 = vector.broadcast %rem3A : i32 to vector<60x128xi32>
    %rem3A_23 = arith.remsi %add3A, %rem3A_22 : vector<60x128xi32>
    %add3A_24 = arith.constant 10000 : i32
    %add3A_25 = vector.broadcast %add3A_24 : i32 to vector<60x128xi32>
    %add3A_26 = arith.addi %add3A_25, %rem3A_23 : vector<60x128xi32>
    %get3A_27 = arith.constant 1 : index
    %get3A_28 = arith.constant 0 : index
    %get3A_29 = vector.load %arg2[%get3A_27, %get3A_28] : memref<2x320000xi32, #tpu.memory_space<vmem>>, vector<1x320000xi32>
    %get3A_30 = vector.shape_cast %get3A_29 : vector<1x320000xi32> to vector<320000xi32>
    %reshape3A_31 = vector.shape_cast %get3A_30 : vector<320000xi32> to vector<2500x128xi32>
    %concatenate3A_32 = tpu.concatenate %reshape3A_31, %add3A_26 in 0 : vector<2500x128xi32>, vector<60x128xi32> -> vector<2560x128xi32>
    %swap3A_33 = arith.constant 0 : index
    %swap3A_34 = arith.constant 0 : index
    %swap3A_35 = vector.load %arg5[%swap3A_33, %swap3A_34] : memref<2560x128xi32, #tpu.memory_space<vmem>>, vector<2560x128xi32>
    tpu.vector_store %arg5[%swap3A_33, %swap3A_34], %concatenate3A_32 {strides = array<i32>} : memref<2560x128xi32, #tpu.memory_space<vmem>>, vector<2560x128xi32>,
    return
  }
}

module attributes {stable_mosaic.version = 14 : i64} {
  func.func @body(%arg0: memref<10240x64xf32, #tpu.memory_space<vmem>>, %arg1: memref<1x64xf32, #tpu.memory_space<vmem>>, %arg2: memref<1x64xf32, #tpu.memory_space<vmem>>, %arg3: memref<64x32xf32, #tpu.memory_space<vmem>>, %arg4: memref<10240x32xf32, #tpu.memory_space<vmem>>) attributes {dimension_semantics = [], scalar_prefetch = 0 : i64, scratch_operands = 0 : i64, tpu.core_type = #tpu.core_type<tc>} {
    %get3A = arith.constant 0 : index
    %get3A_0 = arith.constant 0 : index
    %get3A_1 = vector.load %arg0[%get3A, %get3A_0] : memref<10240x64xf32, #tpu.memory_space<vmem>>, vector<10240x64xf32>
    %iota3A = tpu.iota {dimensions = array<i32: 0>} : vector<10240x1xi32>
    %lt3A = arith.constant 10000 : i32
    %lt3A_2 = vector.broadcast %lt3A : i32 to vector<10240x1xi32>
    %lt3A_3 = arith.cmpi slt, %iota3A, %lt3A_2 : vector<10240x1xi32>
    %convert_element_type3A = arith.extui %lt3A_3 : vector<10240x1xi1> to vector<10240x1xi32>
    %convert_element_type3A_4 = arith.sitofp %convert_element_type3A : vector<10240x1xi32> to vector<10240x1xf32>
    %mul3A = vector.broadcast %convert_element_type3A_4 : vector<10240x1xf32> to vector<10240x64xf32>
    %mul3A_5 = arith.mulf %get3A_1, %mul3A : vector<10240x64xf32>
    %reduce_sum3A = arith.constant dense<0.000000e+00> : vector<64xf32>
    %reduce_sum3A_6 = vector.multi_reduction <add>, %mul3A_5, %reduce_sum3A [0] : vector<10240x64xf32> to vector<64xf32>
    %broadcast_in_dim3A = vector.shape_cast %reduce_sum3A_6 : vector<64xf32> to vector<1x64xf32>
    %mul3A_7 = arith.constant 9.99999974E-5 : f32
    %mul3A_8 = vector.broadcast %mul3A_7 : f32 to vector<1x64xf32>
    %mul3A_9 = arith.mulf %broadcast_in_dim3A, %mul3A_8 : vector<1x64xf32>
    %sub3A = vector.broadcast %mul3A_9 : vector<1x64xf32> to vector<10240x64xf32>
    %sub3A_10 = arith.subf %get3A_1, %sub3A : vector<10240x64xf32>
    %mul3A_11 = vector.broadcast %convert_element_type3A_4 : vector<10240x1xf32> to vector<10240x64xf32>
    %mul3A_12 = arith.mulf %sub3A_10, %mul3A_11 : vector<10240x64xf32>
    %mul3A_13 = arith.mulf %mul3A_12, %mul3A_12 : vector<10240x64xf32>
    %reduce_sum3A_14 = arith.constant dense<0.000000e+00> : vector<64xf32>
    %reduce_sum3A_15 = vector.multi_reduction <add>, %mul3A_13, %reduce_sum3A_14 [0] : vector<10240x64xf32> to vector<64xf32>
    %broadcast_in_dim3A_16 = vector.shape_cast %reduce_sum3A_15 : vector<64xf32> to vector<1x64xf32>
    %mul3A_17 = arith.constant 9.99999974E-5 : f32
    %mul3A_18 = vector.broadcast %mul3A_17 : f32 to vector<1x64xf32>
    %mul3A_19 = arith.mulf %broadcast_in_dim3A_16, %mul3A_18 : vector<1x64xf32>
    %sub3A_20 = vector.broadcast %mul3A_9 : vector<1x64xf32> to vector<10240x64xf32>
    %sub3A_21 = arith.subf %get3A_1, %sub3A_20 : vector<10240x64xf32>
    %add3A = arith.constant 9.99999974E-6 : f32
    %add3A_22 = vector.broadcast %add3A : f32 to vector<1x64xf32>
    %add3A_23 = arith.addf %mul3A_19, %add3A_22 : vector<1x64xf32>
    %rsqrt3A = math.rsqrt %add3A_23 : vector<1x64xf32>
    %mul3A_24 = vector.broadcast %rsqrt3A : vector<1x64xf32> to vector<10240x64xf32>
    %mul3A_25 = arith.mulf %sub3A_21, %mul3A_24 : vector<10240x64xf32>
    %get3A_26 = arith.constant 0 : index
    %get3A_27 = arith.constant 0 : index
    %get3A_28 = vector.load %arg1[%get3A_26, %get3A_27] : memref<1x64xf32, #tpu.memory_space<vmem>>, vector<1x64xf32>
    %mul3A_29 = vector.broadcast %get3A_28 : vector<1x64xf32> to vector<10240x64xf32>
    %mul3A_30 = arith.mulf %mul3A_25, %mul3A_29 : vector<10240x64xf32>
    %get3A_31 = arith.constant 0 : index
    %get3A_32 = arith.constant 0 : index
    %get3A_33 = vector.load %arg2[%get3A_31, %get3A_32] : memref<1x64xf32, #tpu.memory_space<vmem>>, vector<1x64xf32>
    %add3A_34 = vector.broadcast %get3A_33 : vector<1x64xf32> to vector<10240x64xf32>
    %add3A_35 = arith.addf %mul3A_30, %add3A_34 : vector<10240x64xf32>
    %gt3A = arith.constant 0.000000e+00 : f32
    %gt3A_36 = vector.broadcast %gt3A : f32 to vector<10240x64xf32>
    %gt3A_37 = arith.cmpf ogt, %add3A_35, %gt3A_36 : vector<10240x64xf32>
    %exp3A = math.exp %add3A_35 : vector<10240x64xf32>
    %sub3A_38 = arith.constant 1.000000e+00 : f32
    %sub3A_39 = vector.broadcast %sub3A_38 : f32 to vector<10240x64xf32>
    %sub3A_40 = arith.subf %exp3A, %sub3A_39 : vector<10240x64xf32>
    %mul3A_41 = arith.constant 1.67326319 : f32
    %mul3A_42 = vector.broadcast %mul3A_41 : f32 to vector<10240x64xf32>
    %mul3A_43 = arith.mulf %mul3A_42, %sub3A_40 : vector<10240x64xf32>
    %select_n3A = arith.select %gt3A_37, %add3A_35, %mul3A_43 : vector<10240x64xi1>, vector<10240x64xf32>
    %mul3A_44 = arith.constant 1.05070102 : f32
    %mul3A_45 = vector.broadcast %mul3A_44 : f32 to vector<10240x64xf32>
    %mul3A_46 = arith.mulf %mul3A_45, %select_n3A : vector<10240x64xf32>
    %get3A_47 = arith.constant 0 : index
    %get3A_48 = arith.constant 0 : index
    %get3A_49 = vector.load %arg3[%get3A_47, %get3A_48] : memref<64x32xf32, #tpu.memory_space<vmem>>, vector<64x32xf32>
    %dot_general3A = arith.constant dense<0.000000e+00> : vector<10240x32xf32>
    %dot_general3A_50 = tpu.matmul %mul3A_46, %get3A_49, %dot_general3A {dimension_numbers = #tpu.dot_dimension_numbers<[1], [0], [0], [1], [0, 0, 1, 1], [], []>, transpose_lhs_hint = false} : vector<10240x64xf32>, vector<64x32xf32>, vector<10240x32xf32> -> vector<10240x32xf32>
    %swap3A = arith.constant 0 : index
    %swap3A_51 = arith.constant 0 : index
    %swap3A_52 = vector.load %arg4[%swap3A, %swap3A_51] : memref<10240x32xf32, #tpu.memory_space<vmem>>, vector<10240x32xf32>
    tpu.vector_store %arg4[%swap3A, %swap3A_51], %dot_general3A_50 {strides = array<i32>} : memref<10240x32xf32, #tpu.memory_space<vmem>>, vector<10240x32xf32>,
    return
  }
}

module attributes {stable_mosaic.version = 14 : i64} {
  func.func @body(%arg0: memref<10240x32xf32, #tpu.memory_space<vmem>>, %arg1: memref<1x32xf32, #tpu.memory_space<vmem>>, %arg2: memref<10000x32xf32, #tpu.memory_space<vmem>>) attributes {dimension_semantics = [], scalar_prefetch = 0 : i64, scratch_operands = 0 : i64, tpu.core_type = #tpu.core_type<tc>} {
    %get3A = arith.constant 0 : index
    %get3A_0 = arith.constant 0 : index
    %get3A_1 = vector.load %arg0[%get3A, %get3A_0] : memref<10240x32xf32, #tpu.memory_space<vmem>>, vector<10000x32xf32>
    %get3A_2 = arith.constant 0 : index
    %get3A_3 = arith.constant 0 : index
    %get3A_4 = vector.load %arg1[%get3A_2, %get3A_3] : memref<1x32xf32, #tpu.memory_space<vmem>>, vector<1x32xf32>
    %add3A = vector.broadcast %get3A_4 : vector<1x32xf32> to vector<10000x32xf32>
    %add3A_5 = arith.addf %get3A_1, %add3A : vector<10000x32xf32>
    %reduce_max3A = arith.constant dense<0xFF800000> : vector<10000xf32>
    %reduce_max3A_6 = vector.multi_reduction <maximumf>, %add3A_5, %reduce_max3A [1] : vector<10000x32xf32> to vector<10000xf32>
    %broadcast_in_dim3A = vector.shape_cast %reduce_max3A_6 : vector<10000xf32> to vector<10000x1xf32>
    %sub3A = vector.broadcast %broadcast_in_dim3A : vector<10000x1xf32> to vector<10000x32xf32>
    %sub3A_7 = arith.subf %add3A_5, %sub3A : vector<10000x32xf32>
    %exp3A = math.exp %sub3A_7 : vector<10000x32xf32>
    %reduce_sum3A = arith.constant dense<0.000000e+00> : vector<10000xf32>
    %reduce_sum3A_8 = vector.multi_reduction <add>, %exp3A, %reduce_sum3A [1] : vector<10000x32xf32> to vector<10000xf32>
    %broadcast_in_dim3A_9 = vector.shape_cast %reduce_sum3A_8 : vector<10000xf32> to vector<10000x1xf32>
    %log3A = math.log %broadcast_in_dim3A_9 : vector<10000x1xf32>
    %add3A_10 = arith.addf %log3A, %broadcast_in_dim3A : vector<10000x1xf32>
    %sub3A_11 = vector.broadcast %add3A_10 : vector<10000x1xf32> to vector<10000x32xf32>
    %sub3A_12 = arith.subf %add3A_5, %sub3A_11 : vector<10000x32xf32>
    %swap3A = arith.constant 0 : index
    %swap3A_13 = arith.constant 0 : index
    %swap3A_14 = vector.load %arg2[%swap3A, %swap3A_13] : memref<10000x32xf32, #tpu.memory_space<vmem>>, vector<10000x32xf32>
    tpu.vector_store %arg2[%swap3A, %swap3A_13], %sub3A_12 {strides = array<i32>} : memref<10000x32xf32, #tpu.memory_space<vmem>>, vector<10000x32xf32>,
    return
  }
}

</mosaic_0001>

<sc_bundles>
// kernel: kernel.10.cloned.1.call-start
scs
__scs_entry_jumppad:
0x0: {  	(pc) =	sbr.rel $0x88, $3  }
0x1: {  	(tag) =	ssettag $0x0;
	lr =	simm.s32 $0x1  }
0x2: {  	[smem:$0x3F9A] =	sst lr;
	_ =	strace $0xD0000000  }
0x3: {  	_ = 	snop  }
0x4: {  	_ = 	snop  }
0x5: {  	_ = 	snop  }
0x6: {  	_ = 	snop  }
0x7: {  	_ = 	snop  }
__scs_overlays_trampoline_lowered:
0x8: {  	[smem:$0x3FA9] =	sst s0  }
0x9: {  	[smem:$0x3FAA] =	sst s1  }
0xa: {  	[smem:$0x3FAB] =	sst s2  }
0xb: {  	[smem:$0x3FAC] =	sst s3  }
0xc: {  	[smem:$0x3FAD] =	sst s4  }
0xd: {  	[smem:$0x3FAE] =	sst s5  }
0xe: {  	[smem:$0x3FAF] =	sst s6  }
0xf: {  	[smem:$0x3FB0] =	sst s7  }
0x10: {  	[smem:$0x3FB1] =	sst s8  }
0x11: {  	[smem:$0x3FB2] =	sst s9;
	s0 =	simm.s32 @!p0 $0x0  }
0x12: {  	s1 =	sld [smem:$0x3F98];
	s0 =	simm.s32 @p0 $0x1  }
0x13: {  	[smem:$0x3FB3] =	sst s0;
	s0 =	simm.s32 @!p1 $0x0  }
0x14: {  	s2 =	sld [smem:$0x3F97];
	s0 =	simm.s32 @p1 $0x1  }
0x15: {  	[smem:$0x3FB4] =	sst s0;
	s0 =	simm.s32 @!p2 $0x0  }
0x16: {  	s3 =	sld [smem:$0x3FDB];
	s0 =	simm.s32 @p2 $0x1  }
0x17: {  	s4 =	simm.s32 $0x1BF5;
	[smem:$0x3FB6] =	sst s0  }
0x18: {  	s0 =	sld [smem:$0x3F99];
	_ =	swait.ge [sflag:s4], $0x0  }
0x19: {  	s7 =	sld [smem:$0x3F9A]  }
0x1a: {  	s8 =	sadd.s32 $0xFFFFE003, lr  }
0x1b: {  	s9 =	sadd.s32 $0xFFFFFEF7, lr;
	s5 =	simm.s32 $0xFFFFFFFF;
	p2 =	slt.u32 s8, $0xFFFFF086  }
0x1c: {  	p1 =	slt.u32 s9, $0xF7A;
	s5 =	simm.s32 @!p2 $0x0  }
0x1d: {  	s5 =	simm.s32 @p1 $0x1;
	p0 =	seq.s32 s7, s2  }
0x1e: {  	s7 =	smul.u32 @!p0 $0xF7A, s2;
	p2 =	seq.s32 @!p0 s5, $0x0  }
0x1f: {  	s9 =	smul.u32 $0xF7A, s1;
	s8 =	simm.s32 @!p0 $0x1BF5;
	p2 =	por !p2, p0  }
0x20: {  	[sflag:s8] =	ssyncset.s32 @!p0 $0xFFFFF086;
	s6 =	sadd.s32 @!p0 s3, s7;
	s7 =	simm.s32 @!p0 $0x108  }
0x21: {  	s3 =	sadd.s32 s3, s9;
	s6 =	sadd.s32 @!p0 $0x88, s6;
	s7 =	simm.s32 @p2 $0x1082  }
0x22: {  	[simem:s7], [sflag:s8] =	dma.local @!p0 [hbm:s6], $0xF7A  }
0x23: {  	s9 =	sor.u32 $0xD0000000, s2;
	s6 =	simm.s32 $0x108;
	_ =	swait.ge @!p0 [sflag:s8], $0x0  }
0x24: {  	s3 =	sadd.s32 $0x88, s3;
	s6 =	simm.s32 @!p1 $0x1082;
	[sflag:s4] =	ssyncset.s32 $0xFFFFF086  }
0x25: {  	[simem:s6], [sflag:s4] =	dma.local [hbm:s3], $0xF7A  }
0x26: {  	[smem:$0x3F9A] =	sst s1;
	(tag) =	ssettag s2;
	_ =	strace s9  }
0x27: {  	s1 =	sld [smem:$0x3FAA]  }
0x28: {  	s2 =	sld [smem:$0x3FAB]  }
0x29: {  	s4 =	sld [smem:$0x3FAD]  }
0x2a: {  	p0 =	seq.s32 s5, $0x0;
	s5 =	sld [smem:$0x3FAE]  }
0x2b: {  	s6 =	sld [smem:$0x3FAF]  }
0x2c: {  	s7 =	sld [smem:$0x3FB0]  }
0x2d: {  	s3 =	simm.s32 $0x108;
	s8 =	sld [smem:$0x3FB1]  }
0x2e: {  	s3 =	simm.s32 @!p0 $0x1082;
	s9 =	sld [smem:$0x3FB2]  }
0x2f: {  	lr =	sadd.s32 s0, s3;
	s0 =	sld [smem:$0x3FA9]  }
0x30: {  	s3 =	sld [smem:$0x3FAC]  }
0x31: {  	[smem:$0x3FB5] =	sst s10  }
0x32: {  	s10 =	sld [smem:$0x3FB3];
	_ =	sdelay $0x3  }
0x33: {  	p0 =	seq.s32 s10, $0x1;
	s10 =	sld [smem:$0x3FB5];
	_ =	sdelay $0x3  }
0x34: {  	[smem:$0x3FB5] =	sst s10  }
0x35: {  	s10 =	sld [smem:$0x3FB4];
	_ =	sdelay $0x3  }
0x36: {  	p1 =	seq.s32 s10, $0x1;
	s10 =	sld [smem:$0x3FB5];
	_ =	sdelay $0x3  }
0x37: {  	[smem:$0x3FB5] =	sst s10  }
0x38: {  	s10 =	sld [smem:$0x3FB6]  }
0x39: {  	_ = 	snop;
	(pc) =	sbr.ind lr, $3  }
0x3a: {  	_ = 	snop  }
0x3b: {  	_ = 	snop  }
0x3c: {  	p2 =	seq.s32 s10, $0x1;
	s10 =	sld [smem:$0x3FB5]  }
0x3d: {  	_ =	shalt  }
0x3e: {  	_ =	shalt  }
0x3f: {  	_ =	shalt  }
0x40: {  	_ =	shalt  }
0x41: {  	_ =	shalt  }
0x42: {  	_ =	shalt  }
0x43: {  	_ =	shalt  }
0x44: {  	_ =	shalt  }
0x45: {  	_ =	shalt  }
0x46: {  	_ =	shalt  }
0x47: {  	_ =	shalt  }
0x48: {  	_ =	shalt  }
0x49: {  	_ =	shalt  }
0x4a: {  	_ =	shalt  }
0x4b: {  	_ =	shalt  }
0x4c: {  	_ =	shalt  }
0x4d: {  	_ =	shalt  }
0x4e: {  	_ =	shalt  }
0x4f: {  	_ =	shalt  }
0x50: {  	_ =	shalt  }
0x51: {  	_ =	shalt  }
0x52: {  	_ =	shalt  }
0x53: {  	_ =	shalt  }
0x54: {  	_ =	shalt  }
0x55: {  	_ =	shalt  }
0x56: {  	_ =	shalt  }
0x57: {  	_ =	shalt  }
0x58: {  	_ =	shalt  }
0x59: {  	_ =	shalt  }
0x5a: {  	_ =	shalt  }
0x5b: {  	_ =	shalt  }
0x5c: {  	_ =	shalt  }
0x5d: {  	_ =	shalt  }
0x5e: {  	_ =	shalt  }
0x5f: {  	_ =	shalt  }
0x60: {  	_ =	shalt  }
0x61: {  	_ =	shalt  }
0x62: {  	_ =	shalt  }
0x63: {  	_ =	shalt  }
0x64: {  	_ =	shalt  }
0x65: {  	_ =	shalt  }
0x66: {  	_ =	shalt  }
0x67: {  	_ =	shalt  }
0x68: {  	_ =	shalt  }
0x69: {  	_ =	shalt  }
0x6a: {  	_ =	shalt  }
0x6b: {  	_ =	shalt  }
0x6c: {  	_ =	shalt  }
0x6d: {  	_ =	shalt  }
0x6e: {  	_ =	shalt  }
0x6f: {  	_ =	shalt  }
0x70: {  	_ =	shalt  }
0x71: {  	_ =	shalt  }
0x72: {  	_ =	shalt  }
0x73: {  	_ =	shalt  }
0x74: {  	_ =	shalt  }
0x75: {  	_ =	shalt  }
0x76: {  	_ =	shalt  }
0x77: {  	_ =	shalt  }
0x78: {  	_ =	shalt  }
0x79: {  	_ =	shalt  }
0x7a: {  	_ =	shalt  }
0x7b: {  	_ =	shalt  }
0x7c: {  	_ =	shalt  }
0x7d: {  	_ =	shalt  }
0x7e: {  	_ =	shalt  }
0x7f: {  	_ =	shalt  }
0x80: {  	_ =	shalt  }
0x81: {  	_ =	shalt  }
0x82: {  	_ =	shalt  }
0x83: {  	_ =	shalt  }
0x84: {  	_ =	shalt  }
0x85: {  	_ =	shalt  }
0x86: {  	_ =	shalt  }
0x87: {  	_ =	shalt  }
.Lfunc_end0:
.L_simem_size_0:
called_computation.1_lowered:
.L_overlay_start_0:
0x88: {  	s2 =	sld [smem:$0x3FD9]  }
0x89: {  	s3 =	sld [smem:$0x3FFE];
	_ =	sdelay $0x1  }
0x8a: {  	s1 =	srdreg.scid  }
0x8b: {  	s0 =	sand.u32 $0x1, s1  }
0x8c: {  	s16 =	sshll.u32 s0, $0xA;
	s2 =	sadd.s32 s3, s2  }
0x8d: {  	s2 =	sadd.s32 s2, s16  }
0x8e: {  	[smem:$0x3FC1] =	sst s2  }
0x8f: {  	_ = 	snop  }
0x90: {  	(tm) =	ssettm $0x1  }
0x91: {  	s17 =	sld [smem:$0x3FFB];
	_ =	sdelay $0x3  }
0x92: {  	_ =	strace s17  }
0x93: {  	s2 =	sld [smem:$0x3FFC];
	_ =	sdelay $0x3  }
0x94: {  	_ =	strace s2  }
0x95: {  	s2 =	sld [smem:$0x3FFD];
	_ =	sdelay $0x3  }
0x96: {  	_ =	strace s2  }
0x97: {  	_ =	strace $0x8FFFFFFF  }
0x98: {  	s18 =	sld [smem:$0x3FDB];
	_ =	sdelay $0x1  }
0x99: {  	s19 =	simm.s32 $_scs_section_size  }
0x9a: {  	s4 =	simm.s32 $_size__tile_overlayer_lowered;
	s5 =	simm.s32 $_tile_overlayer_lowered  }
0x9b: {  	s22 =	simm.s32 $0x1BFF;
	s21 =	sshll.u32 s5, $0x1;
	s2 =	sadd.s32 s19, s18  }
0x9c: {  	s6 =	simm.s32 $0x0;
	s20 =	sshll.u32 s4, $0x1;
	s4 =	sadd.s32 s21, s2  }
0x9d: {  	[timem:s6], [sflag:s22] =	dma.local [hbm:s4], s20  }
0x9e: {  	_ =	swait.ge [sflag:s22], s20  }
0x9f: {  	s3 =	ssub.s32 $0x0, s20;
	[sflag:s22] =	ssyncset.done $0x0  }
0xa0: {  	[sflag:s22] =	ssyncadd.s32 s3;
	_ =	sdelay $0x1  }
0xa1: {  	s23 =	simm.s32 $0x1B8B  }
0xa2: {  	_ =	swait.ge [sflag:s23], $0x1  }
0xa3: {  	[sflag:s23] =	ssyncset.done $0x0  }
0xa4: {  	s25 =	simm.s32 $0x1B8E;
	s24 =	sld [smem:$0x3FFE];
	[sflag:s23] =	ssyncadd.s32 $0xFFFFFFFF  }
0xa5: {  	s26 =	simm.s32 $execute0_lowered;
	[smem:$0x3FD2] =	sst s25  }
0xa6: {  	s4 =	sshll.u32 s26, $0x1;
	_ =	strace $0x80000049;
	[dreg:$0x1] =	wrdreg $0xFFFFFFFF  }
0xa7: {  	s28 =	simm.s32 $_size_execute0_lowered;
	s2 =	sadd.s32 s2, s4;
	[dreg:$0x0] =	wrdreg $0x0  }
0xa8: {  	s4 =	sshll.u32 s28, $0x1;
	[dreg:$0x2] =	wrdreg s2  }
0xa9: {  	[dreg:$0x3] =	wrdreg s4  }
0xaa: {  	[dreg:$0x4] =	wrdreg $0xC0  }
0xab: {  	_ =	task [dreg:s6], $0x5FFFF  }
0xac: {  	[dreg:$0x1] =	wrdreg $0xFFFFFFFF  }
0xad: {  	[dreg:$0x0] =	wrdreg $0x60  }
0xae: {  	[dreg:$0x2] =	wrdreg s24  }
0xaf: {  	[dreg:$0x3] =	wrdreg $0x28000  }
0xb0: {  	[dreg:$0x4] =	wrdreg $0x0  }
0xb1: {  	[dreg:$0x5] =	wrdreg $0x9  }
0xb2: {  	_ =	task.clear_ibuf [dreg:s6], $0x6FFFF;
	_ =	strace $0x90000049  }
0xb3: {  	s29 =	simm.s32 $0x9;
	_ =	strace $0x8000004B  }
0xb4: {  	_ =	swait.ge [sflag:s29], $0x1  }
0xb5: {  	[sflag:s29] =	ssyncadd.s32 $0xFFFFFFFF  }
0xb6: {  	_ =	strace $0x9000004B  }
0xb7: {  	_ =	sfence  }
0xb8: {  	s30 =	sld [smem:$0x0];
	_ =	sdelay $0x2  }
0xb9: {  	s31 =	sshll.u32 s1, $0xD;
	s1 =	sshrl.u32 s1, $0x2  }
0xba: {  	s3 =	sand.u32 $0x4000, s31;
	s1 =	sadd.s32 s1, s30  }
0xbb: {  	s0 =	sor.u32 s3, s0;
	s1 =	sshll.u32 s1, $0x11  }
0xbc: {  	s0 =	sor.u32 s1, s0  }
0xbd: {  	s0 =	sadd.s32 $0x8F2B, s0  }
0xbe: {  	[sflag:s0] =	ssyncadd.remote.s32 $0x1  }
0xbf: {  	_ =	sfence.sel $0xFFFF  }
0xc0: {  	[dreg:$0x0] =	wrdreg $0xFFFFFFFF;
	(pc) =	sbr.abs _section_cstart, $3  }
0xc1: {  	[dreg:$0x1] =	wrdreg $0xFFFFFFFF  }
0xc2: {  	_ =	task.clear_ibuf [dreg:s6], $0x2FFFF;
	_ =	strace $0x9FFFFFFF  }
0xc3: {  	(tm) =	ssettm $0x7FFFFFFF  }
tec
execute0_lowered:
.L_overlay_start_1:
0x0: {  	(tag) =	ssettag $0x1  }
0x1: {  	s0 =	rddreg [dreg:$0x0]  }
0x2: {  	s2 =	rddreg [dreg:$0x1]  }
0x3: {  	s3 =	rddreg [dreg:$0x2];
	s7 =	stileid.u32  }
0x4: {  	s1 =	srdreg.scid;
	s5 =	simm.s32 $0x0;
	s13 =	simm.s32 $0x1  }
0x5: {  	s14 =	simm.s32 $0x2;
	s15 =	simm.s32 $0x4;
	s18 =	simm.s32 $0xA000  }
0x6: {  	s19 =	simm.s32 $0x80;
	s20 =	simm.s32 $0xF000;
	s22 =	simm.s32 $0xF800  }
0x7: {  	s29 =	simm.s32 $0x11000;
	s31 =	simm.s32 $0x11800;
	s23 =	simm.s32 $0x12800  }
0x8: {  	s30 =	simm.s32 $0x3;
	s21 =	simm.s32 $0x6;
	s4 =	smul.u32 $0x5000, s7  }
0x9: {  	s1 =	sand.u32 $0x1, s1;
	[smem:$0x7FF] =	sst s5;
	s6 =	smul.u32 $0xA00, s7  }
0xa: {  	s8 =	smul.u32 $0x2800, s7;
	s5 =	sshll.u32 s7, $0x6;
	s24 =	sshll.u32 s1, $0x4  }
0xb: {  	_ =	strace $0x8000004A;
	s1 =	ssub.s32 $0x2, s1;
	s7 =	sor.u32 $0x1C01, s5  }
0xc: {  	s4 =	sor.u32 s24, s4;
	s9 =	sadd.s32 s6, s0;
	s25 =	sshrl.u32 s1, $0x1  }
0xd: {  	s26 =	sadd.s32 s8, s2;
	s8 =	sadd.s32 s8, s3;
	s24 =	simm.s32 $0x10000  }
0xe: {  	s4 =	sshrl.u32 s4, $0x3;
	s1 =	ssub.s32 s1, s25;
	s10 =	sadd.s32 $0x1A00, s9  }
0xf: {  	s9 =	sadd.s32 $0xBA00, s9;
	s12 =	sshrl.u32 s26, $0x3;
	s16 =	sshrl.u32 s8, $0x3  }
0x10: {  	s26 =	simm.s32 $0x10800;
	s25 =	simm.s32 $0x0;
	[dreg:$0x4] =	wrdreg s10  }
0x11: {  	s0 =	sadd.s32 s4, s0;
	[dreg:$0x5] =	wrdreg s9;
	s28 =	smax.u32 s1, $0x1  }
0x12: {  	s6 =	sadd.s32 $0x15A00, s0;
	s0 =	sadd.s32 $0x1FA00, s0;
	[dreg:$0x7] =	wrdreg s28  }
0x13: {  	s1 =	simm.s32 $0x12000;
	[dreg:$0x6] =	wrdreg s0;
	s0 =	simm.s32 $0x5  }
.LBB2_1:
0x14: {  	[spmem:s12@s14], [sflag:s7] =	dma.strided [hbm:s6@s15], $0x500, s13, $0x2   }
0x15: {  	[spmem:s16@s14], [sflag:s7] =	dma.strided [hbm:s6@s15], $0x500, s13, $0x2   }
0x16: {  	s4 =	simm.s32 $0x0;
	s9 =	simm.s32 $0x5000;
	s8 =	rddreg [dreg:$0x4]  }
0x17: {  	[tilespmem:s9], [sflag:$0x1] =	stream.linear.gather [hbm4b:s8+s4], $0x5000, $0x38;
	[tilespmem:$0x13000] =	vst v63  }
0x18: {  	s17 =	rddreg [dreg:$0x5]  }
0x19: {  	[tilespmem:s18], [sflag:$0x1] =	stream.linear.gather [hbm4b:s17+s4], $0x5000, $0x38;
	[tilespmem:$0x13000] =	vst v63  }
0x1a: {  	_ =	swait.ge [sflag:s13], $0x500  }
0x1b: {  	[sflag:s13] =	ssyncset.done $0x0  }
0x1c: {  	[sflag:s13] =	ssyncadd.s32 $0xFFFFFB00  }
0x1d: {  	_ =	swait.ge [sflag:s13], $0x500  }
0x1e: {  	[sflag:s13] =	ssyncset.done $0x0  }
0x1f: {  	[sflag:s13] =	ssyncadd.s32 $0xFFFFFB00  }
0x20: {  	_ =	swait.ge [sflag:s13], $0x5000  }
0x21: {  	[sflag:s13] =	ssyncset.done $0x0  }
0x22: {  	[sflag:s13] =	ssyncadd.s32 $0xFFFFB000  }
0x23: {  	_ =	swait.ge [sflag:s13], $0x5000  }
0x24: {  	[sflag:s13] =	ssyncset.done $0x0  }
0x25: {  	[sflag:s13] =	ssyncadd.s32 $0xFFFFB000  }
0x26: {  	[bflag:$0x0] =	sbarrier.arrive $0xFFFF  }
0x27: {  	[tilespmem:s20], [sflag:$0x2] =	stream.indirect.gather [spmem:s2], $0x10, s9, s19, $0xb8;
	[tilespmem:$0x13000] =	vst v63  }
0x28: {  	s9 =	simm.s32 $0x5080  }
0x29: {  	[tilespmem:s22], [sflag:$0x2] =	stream.indirect.gather [spmem:s2], $0x10, s9, s19, $0xb8;
	[tilespmem:$0x13000] =	vst v63  }
0x2a: {  	s10 =	simm.s32 $0x5100  }
0x2b: {  	[tilespmem:s24], [sflag:$0x2] =	stream.indirect.gather [spmem:s2], $0x10, s10, s19, $0xb8;
	[tilespmem:$0x13000] =	vst v63  }
0x2c: {  	s11 =	simm.s32 $0x5180  }
0x2d: {  	[tilespmem:s26], [sflag:$0x2] =	stream.indirect.gather [spmem:s2], $0x10, s11, s19, $0xb8;
	[tilespmem:$0x13000] =	vst v63  }
0x2e: {  	s17 =	simm.s32 $0x5200  }
0x2f: {  	[tilespmem:s29], [sflag:$0x3] =	stream.indirect.gather [spmem:s2], $0x10, s17, s19, $0xb8;
	[tilespmem:$0x13000] =	vst v63  }
0x30: {  	s8 =	simm.s32 $0x5280  }
0x31: {  	[tilespmem:s31], [sflag:$0x3] =	stream.indirect.gather [spmem:s2], $0x10, s8, s19, $0xb8;
	[tilespmem:$0x13000] =	vst v63  }
0x32: {  	s9 =	simm.s32 $0x5300  }
0x33: {  	[tilespmem:s1], [sflag:$0x3] =	stream.indirect.gather [spmem:s2], $0x10, s9, s19, $0xb8;
	[tilespmem:$0x13000] =	vst v63  }
0x34: {  	s10 =	simm.s32 $0x5380  }
0x35: {  	[tilespmem:s23], [sflag:$0x3] =	stream.indirect.gather [spmem:s2], $0x10, s10, s19, $0xb8;
	[tilespmem:$0x13000] =	vst v63  }
0x36: {  	_ =	swait.ge [sflag:s14], $0x800  }
0x37: {  	[sflag:s14] =	ssyncset.done $0x0  }
0x38: {  	[sflag:s14] =	ssyncadd.s32 $0xFFFFF800  }
0x39: {  	_ =	swait.ge [sflag:s14], $0x800  }
0x3a: {  	[sflag:s14] =	ssyncset.done $0x0  }
0x3b: {  	[sflag:s14] =	ssyncadd.s32 $0xFFFFF800  }
0x3c: {  	_ =	swait.ge [sflag:s14], $0x800  }
0x3d: {  	[sflag:s14] =	ssyncset.done $0x0  }
0x3e: {  	[sflag:s14] =	ssyncadd.s32 $0xFFFFF800  }
0x3f: {  	_ =	swait.ge [sflag:s14], $0x800  }
0x40: {  	[sflag:s14] =	ssyncset.done $0x0  }
0x41: {  	[sflag:s14] =	ssyncadd.s32 $0xFFFFF800  }
0x42: {  	[spmem:s3] =	stream.indirect.scatter.add.f32 [tilespmem:s20], [sflag:$0x4], $0x10, s18, s19, $0xb8;
	[tilespmem:$0x13000] =	vst v63  }
0x43: {  	s11 =	simm.s32 $0xA080  }
0x44: {  	[spmem:s3] =	stream.indirect.scatter.add.f32 [tilespmem:s22], [sflag:$0x4], $0x10, s11, s19, $0xb8;
	[tilespmem:$0x13000] =	vst v63  }
0x45: {  	s17 =	simm.s32 $0xA100  }
0x46: {  	[spmem:s3] =	stream.indirect.scatter.add.f32 [tilespmem:s24], [sflag:$0x4], $0x10, s17, s19, $0xb8;
	[tilespmem:$0x13000] =	vst v63  }
0x47: {  	s8 =	simm.s32 $0xA180  }
0x48: {  	[spmem:s3] =	stream.indirect.scatter.add.f32 [tilespmem:s26], [sflag:$0x4], $0x10, s8, s19, $0xb8;
	[tilespmem:$0x13000] =	vst v63  }
0x49: {  	_ =	swait.ge [sflag:s15], $0x800  }
0x4a: {  	[sflag:s15] =	ssyncset.done $0x0  }
0x4b: {  	[sflag:s15] =	ssyncadd.s32 $0xFFFFF800  }
0x4c: {  	_ =	swait.ge [sflag:s15], $0x800  }
0x4d: {  	[sflag:s15] =	ssyncset.done $0x0  }
0x4e: {  	[sflag:s15] =	ssyncadd.s32 $0xFFFFF800  }
0x4f: {  	_ =	swait.ge [sflag:s15], $0x800  }
0x50: {  	[sflag:s15] =	ssyncset.done $0x0  }
0x51: {  	[sflag:s15] =	ssyncadd.s32 $0xFFFFF800  }
0x52: {  	_ =	swait.ge [sflag:s15], $0x800  }
0x53: {  	[sflag:s15] =	ssyncset.done $0x0  }
0x54: {  	s9 =	simm.s32 $0x5400;
	[sflag:s15] =	ssyncadd.s32 $0xFFFFF800  }
0x55: {  	[tilespmem:s20], [sflag:$0x2] =	stream.indirect.gather [spmem:s2], $0x10, s9, s19, $0xb8;
	[tilespmem:$0x13000] =	vst v63  }
0x56: {  	s10 =	simm.s32 $0x5480  }
0x57: {  	[tilespmem:s22], [sflag:$0x2] =	stream.indirect.gather [spmem:s2], $0x10, s10, s19, $0xb8;
	[tilespmem:$0x13000] =	vst v63  }
0x58: {  	s11 =	simm.s32 $0x5500  }
0x59: {  	[tilespmem:s24], [sflag:$0x2] =	stream.indirect.gather [spmem:s2], $0x10, s11, s19, $0xb8;
	[tilespmem:$0x13000] =	vst v63  }
0x5a: {  	s17 =	simm.s32 $0x5580  }
0x5b: {  	[tilespmem:s26], [sflag:$0x2] =	stream.indirect.gather [spmem:s2], $0x10, s17, s19, $0xb8;
	[tilespmem:$0x13000] =	vst v63  }
0x5c: {  	_ =	swait.ge [sflag:s30], $0x800  }
0x5d: {  	[sflag:s30] =	ssyncset.done $0x0  }
0x5e: {  	[sflag:s30] =	ssyncadd.s32 $0xFFFFF800  }
0x5f: {  	_ =	swait.ge [sflag:s30], $0x800  }
0x60: {  	[sflag:s30] =	ssyncset.done $0x0  }
0x61: {  	[sflag:s30] =	ssyncadd.s32 $0xFFFFF800  }
0x62: {  	_ =	swait.ge [sflag:s30], $0x800  }
0x63: {  	[sflag:s30] =	ssyncset.done $0x0  }
0x64: {  	[sflag:s30] =	ssyncadd.s32 $0xFFFFF800  }
0x65: {  	_ =	swait.ge [sflag:s30], $0x800  }
0x66: {  	[sflag:s30] =	ssyncset.done $0x0  }
0x67: {  	s8 =	simm.s32 $0xA200;
	[sflag:s30] =	ssyncadd.s32 $0xFFFFF800  }
0x68: {  	[spmem:s3] =	stream.indirect.scatter.add.f32 [tilespmem:s29], [sflag:$0x5], $0x10, s8, s19, $0xb8;
	[tilespmem:$0x13000] =	vst v63  }
0x69: {  	s9 =	simm.s32 $0xA280  }
0x6a: {  	[spmem:s3] =	stream.indirect.scatter.add.f32 [tilespmem:s31], [sflag:$0x5], $0x10, s9, s19, $0xb8;
	[tilespmem:$0x13000] =	vst v63  }
0x6b: {  	s10 =	simm.s32 $0xA300  }
0x6c: {  	[spmem:s3] =	stream.indirect.scatter.add.f32 [tilespmem:s1], [sflag:$0x5], $0x10, s10, s19, $0xb8;
	[tilespmem:$0x13000] =	vst v63  }
0x6d: {  	s11 =	simm.s32 $0xA380  }
0x6e: {  	[spmem:s3] =	stream.indirect.scatter.add.f32 [tilespmem:s23], [sflag:$0x5], $0x10, s11, s19, $0xb8;
	[tilespmem:$0x13000] =	vst v63  }
0x6f: {  	_ =	swait.ge [sflag:s0], $0x800  }
0x70: {  	[sflag:s0] =	ssyncset.done $0x0  }
0x71: {  	[sflag:s0] =	ssyncadd.s32 $0xFFFFF800  }
0x72: {  	_ =	swait.ge [sflag:s0], $0x800  }
0x73: {  	[sflag:s0] =	ssyncset.done $0x0  }
0x74: {  	[sflag:s0] =	ssyncadd.s32 $0xFFFFF800  }
0x75: {  	_ =	swait.ge [sflag:s0], $0x800  }
0x76: {  	[sflag:s0] =	ssyncset.done $0x0  }
0x77: {  	[sflag:s0] =	ssyncadd.s32 $0xFFFFF800  }
0x78: {  	_ =	swait.ge [sflag:s0], $0x800  }
0x79: {  	[sflag:s0] =	ssyncset.done $0x0  }
0x7a: {  	s17 =	simm.s32 $0x5600;
	[sflag:s0] =	ssyncadd.s32 $0xFFFFF800  }
0x7b: {  	[tilespmem:s29], [sflag:$0x3] =	stream.indirect.gather [spmem:s2], $0x10, s17, s19, $0xb8;
	[tilespmem:$0x13000] =	vst v63  }
0x7c: {  	s8 =	simm.s32 $0x5680  }
0x7d: {  	[tilespmem:s31], [sflag:$0x3] =	stream.indirect.gather [spmem:s2], $0x10, s8, s19, $0xb8;
	[tilespmem:$0x13000] =	vst v63  }
0x7e: {  	s9 =	simm.s32 $0x5700  }
0x7f: {  	[tilespmem:s1], [sflag:$0x3] =	stream.indirect.gather [spmem:s2], $0x10, s9, s19, $0xb8;
	[tilespmem:$0x13000] =	vst v63  }
0x80: {  	s10 =	simm.s32 $0x5780  }
0x81: {  	[tilespmem:s23], [sflag:$0x3] =	stream.indirect.gather [spmem:s2], $0x10, s10, s19, $0xb8;
	[tilespmem:$0x13000] =	vst v63  }
0x82: {  	_ =	swait.ge [sflag:s14], $0x800  }
0x83: {  	[sflag:s14] =	ssyncset.done $0x0  }
0x84: {  	[sflag:s14] =	ssyncadd.s32 $0xFFFFF800  }
0x85: {  	_ =	swait.ge [sflag:s14], $0x800  }
0x86: {  	[sflag:s14] =	ssyncset.done $0x0  }
0x87: {  	[sflag:s14] =	ssyncadd.s32 $0xFFFFF800  }
0x88: {  	_ =	swait.ge [sflag:s14], $0x800  }
0x89: {  	[sflag:s14] =	ssyncset.done $0x0  }
0x8a: {  	[sflag:s14] =	ssyncadd.s32 $0xFFFFF800  }
0x8b: {  	_ =	swait.ge [sflag:s14], $0x800  }
0x8c: {  	[sflag:s14] =	ssyncset.done $0x0  }
0x8d: {  	s11 =	simm.s32 $0xA400;
	[sflag:s14] =	ssyncadd.s32 $0xFFFFF800  }
0x8e: {  	[spmem:s3] =	stream.indirect.scatter.add.f32 [tilespmem:s20], [sflag:$0x4], $0x10, s11, s19, $0xb8;
	[tilespmem:$0x13000] =	vst v63  }
0x8f: {  	s17 =	simm.s32 $0xA480  }
0x90: {  	[spmem:s3] =	stream.indirect.scatter.add.f32 [tilespmem:s22], [sflag:$0x4], $0x10, s17, s19, $0xb8;
	[tilespmem:$0x13000] =	vst v63  }
0x91: {  	s8 =	simm.s32 $0xA500  }
0x92: {  	[spmem:s3] =	stream.indirect.scatter.add.f32 [tilespmem:s24], [sflag:$0x4], $0x10, s8, s19, $0xb8;
	[tilespmem:$0x13000] =	vst v63  }
0x93: {  	s9 =	simm.s32 $0xA580  }
0x94: {  	[spmem:s3] =	stream.indirect.scatter.add.f32 [tilespmem:s26], [sflag:$0x4], $0x10, s9, s19, $0xb8;
	[tilespmem:$0x13000] =	vst v63  }
0x95: {  	_ =	swait.ge [sflag:s15], $0x800  }
0x96: {  	[sflag:s15] =	ssyncset.done $0x0  }
0x97: {  	[sflag:s15] =	ssyncadd.s32 $0xFFFFF800  }
0x98: {  	_ =	swait.ge [sflag:s15], $0x800  }
0x99: {  	[sflag:s15] =	ssyncset.done $0x0  }
0x9a: {  	[sflag:s15] =	ssyncadd.s32 $0xFFFFF800  }
0x9b: {  	_ =	swait.ge [sflag:s15], $0x800  }
0x9c: {  	[sflag:s15] =	ssyncset.done $0x0  }
0x9d: {  	[sflag:s15] =	ssyncadd.s32 $0xFFFFF800  }
0x9e: {  	p0 =	por $0x0, $0x0;
	_ =	swait.ge [sflag:s15], $0x800  }
0x9f: {  	s28 =	simm.s32 @!p0 $0x80;
	[sflag:s15] =	ssyncset.done $0x0  }
0xa0: {  	s4 =	simm.s32 @!p0 $0xF000;
	s8 =	simm.s32 @!p0 $0x5800;
	[sflag:s15] =	ssyncadd.s32 $0xFFFFF800  }
0xa1: {  	[tilespmem:s4], [sflag:$0x2] =	stream.indirect.gather @!p0 [spmem:s2], $0x10, s8, s28, $0xb8;
	[tilespmem:$0x13000] =	vst v63  }
0xa2: {  	s4 =	simm.s32 @!p0 $0x5880;
	s8 =	simm.s32 @!p0 $0xF800  }
0xa3: {  	[tilespmem:s8], [sflag:$0x2] =	stream.indirect.gather @!p0 [spmem:s2], $0x10, s4, s28, $0xb8;
	[tilespmem:$0x13000] =	vst v63  }
0xa4: {  	s4 =	simm.s32 @!p0 $0x5900;
	s8 =	simm.s32 @!p0 $0x10000  }
0xa5: {  	[tilespmem:s8], [sflag:$0x2] =	stream.indirect.gather @!p0 [spmem:s2], $0x10, s4, s28, $0xb8;
	[tilespmem:$0x13000] =	vst v63  }
0xa6: {  	s4 =	simm.s32 @!p0 $0x5980;
	s8 =	simm.s32 @!p0 $0x10800  }
0xa7: {  	[tilespmem:s8], [sflag:$0x2] =	stream.indirect.gather @!p0 [spmem:s2], $0x10, s4, s28, $0xb8;
	[tilespmem:$0x13000] =	vst v63  }
0xa8: {  	_ =	swait.ge [sflag:s30], $0x800  }
0xa9: {  	[sflag:s30] =	ssyncset.done $0x0  }
0xaa: {  	[sflag:s30] =	ssyncadd.s32 $0xFFFFF800  }
0xab: {  	_ =	swait.ge [sflag:s30], $0x800  }
0xac: {  	[sflag:s30] =	ssyncset.done $0x0  }
0xad: {  	[sflag:s30] =	ssyncadd.s32 $0xFFFFF800  }
0xae: {  	_ =	swait.ge [sflag:s30], $0x800  }
0xaf: {  	[sflag:s30] =	ssyncset.done $0x0  }
0xb0: {  	[sflag:s30] =	ssyncadd.s32 $0xFFFFF800  }
0xb1: {  	_ =	swait.ge [sflag:s30], $0x800  }
0xb2: {  	[sflag:s30] =	ssyncset.done $0x0  }
0xb3: {  	s10 =	simm.s32 $0xA600;
	[sflag:s30] =	ssyncadd.s32 $0xFFFFF800  }
0xb4: {  	[spmem:s3] =	stream.indirect.scatter.add.f32 [tilespmem:s29], [sflag:$0x5], $0x10, s10, s19, $0xb8;
	[tilespmem:$0x13000] =	vst v63  }
0xb5: {  	s11 =	simm.s32 $0xA680  }
0xb6: {  	[spmem:s3] =	stream.indirect.scatter.add.f32 [tilespmem:s31], [sflag:$0x5], $0x10, s11, s19, $0xb8;
	[tilespmem:$0x13000] =	vst v63  }
0xb7: {  	s17 =	simm.s32 $0xA700;
	s28 =	simm.s32 $0x1000;
	s4 =	simm.s32 $0xA780  }
0xb8: {  	[spmem:s3] =	stream.indirect.scatter.add.f32 [tilespmem:s1], [sflag:$0x5], $0x10, s17, s19, $0xb8;
	[tilespmem:$0x13000] =	vst v63  }
.LBB2_2:
0xb9: {  	[spmem:s3] =	stream.indirect.scatter.add.f32 [tilespmem:s23], [sflag:$0x5], $0x10, s4, s19, $0xb8;
	[tilespmem:$0x13000] =	vst v63  }
0xba: {  	s8 =	smov.u32 s28;
	s28 =	sadd.s32 $0x1000, s28;
	_ =	swait.ge [sflag:s0], $0x800  }
0xbb: {  	p0 =	sne.s32 s28, $0x13000;
	[sflag:s0] =	ssyncset.done $0x0  }
0xbc: {  	[sflag:s0] =	ssyncadd.s32 $0xFFFFF800  }
0xbd: {  	_ =	swait.ge [sflag:s0], $0x800  }
0xbe: {  	[sflag:s0] =	ssyncset.done $0x0  }
0xbf: {  	[sflag:s0] =	ssyncadd.s32 $0xFFFFF800  }
0xc0: {  	_ =	swait.ge [sflag:s0], $0x800  }
0xc1: {  	[sflag:s0] =	ssyncset.done $0x0  }
0xc2: {  	[sflag:s0] =	ssyncadd.s32 $0xFFFFF800  }
0xc3: {  	_ =	swait.ge [sflag:s0], $0x800  }
0xc4: {  	s4 =	sshra.s32 s8, $0x2;
	[sflag:s0] =	ssyncset.done $0x0  }
0xc5: {  	s9 =	sadd.s32 $0x5600, s4;
	[sflag:s0] =	ssyncadd.s32 $0xFFFFF800  }
0xc6: {  	[tilespmem:s29], [sflag:$0x3] =	stream.indirect.gather [spmem:s2], $0x10, s9, s19, $0xb8;
	[tilespmem:$0x13000] =	vst v63  }
0xc7: {  	s9 =	sadd.s32 $0x5680, s4  }
0xc8: {  	[tilespmem:s31], [sflag:$0x3] =	stream.indirect.gather [spmem:s2], $0x10, s9, s19, $0xb8;
	[tilespmem:$0x13000] =	vst v63  }
0xc9: {  	s9 =	sadd.s32 $0x5700, s4  }
0xca: {  	[tilespmem:s1], [sflag:$0x3] =	stream.indirect.gather [spmem:s2], $0x10, s9, s19, $0xb8;
	[tilespmem:$0x13000] =	vst v63  }
0xcb: {  	s9 =	sadd.s32 $0x5780, s4  }
0xcc: {  	[tilespmem:s23], [sflag:$0x3] =	stream.indirect.gather [spmem:s2], $0x10, s9, s19, $0xb8;
	[tilespmem:$0x13000] =	vst v63  }
0xcd: {  	_ =	swait.ge [sflag:s14], $0x800  }
0xce: {  	[sflag:s14] =	ssyncset.done $0x0  }
0xcf: {  	[sflag:s14] =	ssyncadd.s32 $0xFFFFF800  }
0xd0: {  	_ =	swait.ge [sflag:s14], $0x800  }
0xd1: {  	[sflag:s14] =	ssyncset.done $0x0  }
0xd2: {  	[sflag:s14] =	ssyncadd.s32 $0xFFFFF800  }
0xd3: {  	_ =	swait.ge [sflag:s14], $0x800  }
0xd4: {  	[sflag:s14] =	ssyncset.done $0x0  }
0xd5: {  	[sflag:s14] =	ssyncadd.s32 $0xFFFFF800  }
0xd6: {  	_ =	swait.ge [sflag:s14], $0x800  }
0xd7: {  	[sflag:s14] =	ssyncset.done $0x0  }
0xd8: {  	s9 =	sadd.s32 $0xA400, s4;
	[sflag:s14] =	ssyncadd.s32 $0xFFFFF800  }
0xd9: {  	[spmem:s3] =	stream.indirect.scatter.add.f32 [tilespmem:s20], [sflag:$0x4], $0x10, s9, s19, $0xb8;
	[tilespmem:$0x13000] =	vst v63  }
0xda: {  	s9 =	sadd.s32 $0xA480, s4  }
0xdb: {  	[spmem:s3] =	stream.indirect.scatter.add.f32 [tilespmem:s22], [sflag:$0x4], $0x10, s9, s19, $0xb8;
	[tilespmem:$0x13000] =	vst v63  }
0xdc: {  	s9 =	sadd.s32 $0xA500, s4  }
0xdd: {  	[spmem:s3] =	stream.indirect.scatter.add.f32 [tilespmem:s24], [sflag:$0x4], $0x10, s9, s19, $0xb8;
	[tilespmem:$0x13000] =	vst v63  }
0xde: {  	s9 =	sadd.s32 $0xA580, s4  }
0xdf: {  	[spmem:s3] =	stream.indirect.scatter.add.f32 [tilespmem:s26], [sflag:$0x4], $0x10, s9, s19, $0xb8;
	[tilespmem:$0x13000] =	vst v63  }
0xe0: {  	_ =	swait.ge [sflag:s15], $0x800  }
0xe1: {  	[sflag:s15] =	ssyncset.done $0x0  }
0xe2: {  	[sflag:s15] =	ssyncadd.s32 $0xFFFFF800  }
0xe3: {  	_ =	swait.ge [sflag:s15], $0x800  }
0xe4: {  	[sflag:s15] =	ssyncset.done $0x0  }
0xe5: {  	[sflag:s15] =	ssyncadd.s32 $0xFFFFF800  }
0xe6: {  	_ =	swait.ge [sflag:s15], $0x800  }
0xe7: {  	[sflag:s15] =	ssyncset.done $0x0  }
0xe8: {  	[sflag:s15] =	ssyncadd.s32 $0xFFFFF800  }
0xe9: {  	p1 =	seq.s32 s8, $0x12000;
	_ =	swait.ge [sflag:s15], $0x800  }
0xea: {  	s8 =	sshra.s32 @!p1 s8, $0x2;
	s9 =	simm.s32 @!p1 $0xF000;
	[sflag:s15] =	ssyncset.done $0x0  }
0xeb: {  	s17 =	simm.s32 @!p1 $0x80;
	s10 =	sadd.s32 @!p1 $0x5800, s8;
	[sflag:s15] =	ssyncadd.s32 $0xFFFFF800  }
0xec: {  	[tilespmem:s9], [sflag:$0x2] =	stream.indirect.gather @!p1 [spmem:s2], $0x10, s10, s17, $0xb8;
	[tilespmem:$0x13000] =	vst v63  }
0xed: {  	s11 =	sadd.s32 @!p1 $0x5900, s8;
	s9 =	sadd.s32 @!p1 $0x5880, s8;
	s10 =	simm.s32 @!p1 $0xF800  }
0xee: {  	[tilespmem:s10], [sflag:$0x2] =	stream.indirect.gather @!p1 [spmem:s2], $0x10, s9, s17, $0xb8;
	[tilespmem:$0x13000] =	vst v63  }
0xef: {  	s8 =	sadd.s32 @!p1 $0x5980, s8;
	s9 =	simm.s32 @!p1 $0x10000  }
0xf0: {  	[tilespmem:s9], [sflag:$0x2] =	stream.indirect.gather @!p1 [spmem:s2], $0x10, s11, s17, $0xb8;
	[tilespmem:$0x13000] =	vst v63  }
0xf1: {  	s9 =	simm.s32 @!p1 $0x10800  }
0xf2: {  	[tilespmem:s9], [sflag:$0x2] =	stream.indirect.gather @!p1 [spmem:s2], $0x10, s8, s17, $0xb8;
	[tilespmem:$0x13000] =	vst v63  }
0xf3: {  	_ =	swait.ge [sflag:s30], $0x800  }
0xf4: {  	[sflag:s30] =	ssyncset.done $0x0  }
0xf5: {  	[sflag:s30] =	ssyncadd.s32 $0xFFFFF800  }
0xf6: {  	_ =	swait.ge [sflag:s30], $0x800  }
0xf7: {  	[sflag:s30] =	ssyncset.done $0x0  }
0xf8: {  	[sflag:s30] =	ssyncadd.s32 $0xFFFFF800  }
0xf9: {  	_ =	swait.ge [sflag:s30], $0x800  }
0xfa: {  	[sflag:s30] =	ssyncset.done $0x0  }
0xfb: {  	[sflag:s30] =	ssyncadd.s32 $0xFFFFF800  }
0xfc: {  	_ =	swait.ge [sflag:s30], $0x800  }
0xfd: {  	[sflag:s30] =	ssyncset.done $0x0  }
0xfe: {  	s8 =	sadd.s32 $0xA600, s4;
	[sflag:s30] =	ssyncadd.s32 $0xFFFFF800  }
0xff: {  	[spmem:s3] =	stream.indirect.scatter.add.f32 [tilespmem:s29], [sflag:$0x5], $0x10, s8, s19, $0xb8;
	[tilespmem:$0x13000] =	vst v63  }
.Ltmp0:
0x100: {  	s8 =	sadd.s32 $0xA680, s4;
	(pc) =	sbr.rel @p0 .LBB2_2-.Ltmp0, $4  }
0x101: {  	[spmem:s3] =	stream.indirect.scatter.add.f32 [tilespmem:s31], [sflag:$0x5], $0x10, s8, s19, $0xb8;
	[tilespmem:$0x13000] =	vst v63  }
0x102: {  	s8 =	sadd.s32 $0xA700, s4  }
0x103: {  	[spmem:s3] =	stream.indirect.scatter.add.f32 [tilespmem:s1], [sflag:$0x5], $0x10, s8, s19, $0xb8;
	[tilespmem:$0x13000] =	vst v63  }
0x104: {  	s4 =	sadd.s32 $0xA780, s4  }
0x105: {  	[spmem:s3] =	stream.indirect.scatter.add.f32 [tilespmem:s23], [sflag:$0x5], $0x10, s4, s19, $0xb8;
	[tilespmem:$0x13000] =	vst v63  }
0x106: {  	_ =	swait.ge [sflag:s0], $0x800  }
0x107: {  	[sflag:s0] =	ssyncset.done $0x0  }
0x108: {  	[sflag:s0] =	ssyncadd.s32 $0xFFFFF800  }
0x109: {  	_ =	swait.ge [sflag:s0], $0x800  }
0x10a: {  	[sflag:s0] =	ssyncset.done $0x0  }
0x10b: {  	[sflag:s0] =	ssyncadd.s32 $0xFFFFF800  }
0x10c: {  	_ =	swait.ge [sflag:s0], $0x800  }
0x10d: {  	[sflag:s0] =	ssyncset.done $0x0  }
0x10e: {  	[sflag:s0] =	ssyncadd.s32 $0xFFFFF800  }
0x10f: {  	_ =	swait.ge [sflag:s0], $0x800  }
0x110: {  	[sflag:s0] =	ssyncset.done $0x0  }
0x111: {  	[sflag:s0] =	ssyncadd.s32 $0xFFFFF800  }
0x112: {  	[bflag:$0x0] =	sbarrier.arrive $0xFFFF  }
0x113: {  	s17 =	sor.u32 $0x1C06, s5;
	s8 =	rddreg [dreg:$0x6]  }
0x114: {  	[hbm:s8@s15], [sflag:s17] =	dma.strided [spmem:s16@s14], $0x500, s13, $0x2   }
0x115: {  	_ =	swait.ge [sflag:s21], $0x500  }
0x116: {  	s25 =	sadd.s32 $0x1, s25;
	s28 =	rddreg [dreg:$0x7]  }
0x117: {  	p0 =	sne.s32 s25, s28  }
.Ltmp1:
0x118: {  	_ = 	snop;
	(pc) =	sbr.rel @p0 .LBB2_1-.Ltmp1, $3  }
0x119: {  	_ =	sdelay $0x1  }
0x11a: {  	[sflag:s21] =	ssyncset.done $0x0  }
0x11b: {  	[sflag:s21] =	ssyncadd.s32 $0xFFFFFB00  }
0x11c: {  	_ =	sfence.sel $0x180000  }
0x11d: {  	[bflag:$0x0] =	sbarrier.arrive $0xFFFF  }
0x11e: {  	_ =	strace $0x9000004A  }
0x11f: {  	s0 =	stileid.u32;
	[bflag:$0x2] =	sbarrier.arrive $0xFFFF  }
0x120: {  	p0 =	sne.s32 s0, $0x0;
	s0 =	rddreg [dreg:$0x3]  }
0x121: {  	s0 =	sadd.s32 @!p0 $0x100000, s0  }
0x122: {  	[sflag:s0] =	ssyncadd.tile.s32 @!p0 $0x1;
	_ =	shalt  }
.Lfunc_end2:
_tile_overlayer_lowered:
.L_overlay_start_2:
0x123: {  	(tag) =	ssettag $0x2  }
0x124: {  	s0 =	rddreg [dreg:$0x0];
	s2 =	stileid.u32  }
0x125: {  	s1 =	rddreg [dreg:$0x1];
	p0 =	sne.s32 s2, $0x0  }
0x126: {  	s3 =	rddreg [dreg:$0x2];
	[bflag:$0x3] =	sbarrier.arrive $0xFFFF;
	s2 =	simm.s32 @!p0 $0x1C06  }
0x127: {  	[timem:s3], [sflag:s2] =	dma.local @!p0 [hbm:s0], s1  }
0x128: {  	s0 =	simm.s32 @!p0 $0x6  }
0x129: {  	_ =	swait.ge @!p0 [sflag:s0], s1  }
0x12a: {  	s1 =	ssub.s32 @!p0 $0x0, s1;
	[sflag:s0] =	ssyncset.done @!p0 $0x0  }
0x12b: {  	[sflag:s0] =	ssyncadd.s32 @!p0 s1  }
0x12c: {  	[bflag:$0x3] =	sbarrier.arrive $0xFFFF  }
0x12d: {  	_ =	shalt  }

// kernel: kernel.7.cloned.1.call-start
scs
__scs_entry_jumppad:
0x0: {  	(pc) =	sbr.rel $0x88, $3  }
0x1: {  	(tag) =	ssettag $0x0;
	lr =	simm.s32 $0x1  }
0x2: {  	[smem:$0x3F9A] =	sst lr;
	_ =	strace $0xD0000000  }
0x3: {  	_ = 	snop  }
0x4: {  	_ = 	snop  }
0x5: {  	_ = 	snop  }
0x6: {  	_ = 	snop  }
0x7: {  	_ = 	snop  }
__scs_overlays_trampoline_lowered:
0x8: {  	[smem:$0x3FA9] =	sst s0  }
0x9: {  	[smem:$0x3FAA] =	sst s1  }
0xa: {  	[smem:$0x3FAB] =	sst s2  }
0xb: {  	[smem:$0x3FAC] =	sst s3  }
0xc: {  	[smem:$0x3FAD] =	sst s4  }
0xd: {  	[smem:$0x3FAE] =	sst s5  }
0xe: {  	[smem:$0x3FAF] =	sst s6  }
0xf: {  	[smem:$0x3FB0] =	sst s7  }
0x10: {  	[smem:$0x3FB1] =	sst s8  }
0x11: {  	[smem:$0x3FB2] =	sst s9;
	s0 =	simm.s32 @!p0 $0x0  }
0x12: {  	s1 =	sld [smem:$0x3F98];
	s0 =	simm.s32 @p0 $0x1  }
0x13: {  	[smem:$0x3FB3] =	sst s0;
	s0 =	simm.s32 @!p1 $0x0  }
0x14: {  	s2 =	sld [smem:$0x3F97];
	s0 =	simm.s32 @p1 $0x1  }
0x15: {  	[smem:$0x3FB4] =	sst s0;
	s0 =	simm.s32 @!p2 $0x0  }
0x16: {  	s3 =	sld [smem:$0x3FDB];
	s0 =	simm.s32 @p2 $0x1  }
0x17: {  	s4 =	simm.s32 $0x1BF5;
	[smem:$0x3FB6] =	sst s0  }
0x18: {  	s0 =	sld [smem:$0x3F99];
	_ =	swait.ge [sflag:s4], $0x0  }
0x19: {  	s7 =	sld [smem:$0x3F9A]  }
0x1a: {  	s8 =	sadd.s32 $0xFFFFE003, lr  }
0x1b: {  	s9 =	sadd.s32 $0xFFFFFEF7, lr;
	s5 =	simm.s32 $0xFFFFFFFF;
	p2 =	slt.u32 s8, $0xFFFFF086  }
0x1c: {  	p1 =	slt.u32 s9, $0xF7A;
	s5 =	simm.s32 @!p2 $0x0  }
0x1d: {  	s5 =	simm.s32 @p1 $0x1;
	p0 =	seq.s32 s7, s2  }
0x1e: {  	s7 =	smul.u32 @!p0 $0xF7A, s2;
	p2 =	seq.s32 @!p0 s5, $0x0  }
0x1f: {  	s9 =	smul.u32 $0xF7A, s1;
	s8 =	simm.s32 @!p0 $0x1BF5;
	p2 =	por !p2, p0  }
0x20: {  	[sflag:s8] =	ssyncset.s32 @!p0 $0xFFFFF086;
	s6 =	sadd.s32 @!p0 s3, s7;
	s7 =	simm.s32 @!p0 $0x108  }
0x21: {  	s3 =	sadd.s32 s3, s9;
	s6 =	sadd.s32 @!p0 $0x88, s6;
	s7 =	simm.s32 @p2 $0x1082  }
0x22: {  	[simem:s7], [sflag:s8] =	dma.local @!p0 [hbm:s6], $0xF7A  }
0x23: {  	s9 =	sor.u32 $0xD0000000, s2;
	s6 =	simm.s32 $0x108;
	_ =	swait.ge @!p0 [sflag:s8], $0x0  }
0x24: {  	s3 =	sadd.s32 $0x88, s3;
	s6 =	simm.s32 @!p1 $0x1082;
	[sflag:s4] =	ssyncset.s32 $0xFFFFF086  }
0x25: {  	[simem:s6], [sflag:s4] =	dma.local [hbm:s3], $0xF7A  }
0x26: {  	[smem:$0x3F9A] =	sst s1;
	(tag) =	ssettag s2;
	_ =	strace s9  }
0x27: {  	s1 =	sld [smem:$0x3FAA]  }
0x28: {  	s2 =	sld [smem:$0x3FAB]  }
0x29: {  	s4 =	sld [smem:$0x3FAD]  }
0x2a: {  	p0 =	seq.s32 s5, $0x0;
	s5 =	sld [smem:$0x3FAE]  }
0x2b: {  	s6 =	sld [smem:$0x3FAF]  }
0x2c: {  	s7 =	sld [smem:$0x3FB0]  }
0x2d: {  	s3 =	simm.s32 $0x108;
	s8 =	sld [smem:$0x3FB1]  }
0x2e: {  	s3 =	simm.s32 @!p0 $0x1082;
	s9 =	sld [smem:$0x3FB2]  }
0x2f: {  	lr =	sadd.s32 s0, s3;
	s0 =	sld [smem:$0x3FA9]  }
0x30: {  	s3 =	sld [smem:$0x3FAC]  }
0x31: {  	[smem:$0x3FB5] =	sst s10  }
0x32: {  	s10 =	sld [smem:$0x3FB3];
	_ =	sdelay $0x3  }
0x33: {  	p0 =	seq.s32 s10, $0x1;
	s10 =	sld [smem:$0x3FB5];
	_ =	sdelay $0x3  }
0x34: {  	[smem:$0x3FB5] =	sst s10  }
0x35: {  	s10 =	sld [smem:$0x3FB4];
	_ =	sdelay $0x3  }
0x36: {  	p1 =	seq.s32 s10, $0x1;
	s10 =	sld [smem:$0x3FB5];
	_ =	sdelay $0x3  }
0x37: {  	[smem:$0x3FB5] =	sst s10  }
0x38: {  	s10 =	sld [smem:$0x3FB6]  }
0x39: {  	_ = 	snop;
	(pc) =	sbr.ind lr, $3  }
0x3a: {  	_ = 	snop  }
0x3b: {  	_ = 	snop  }
0x3c: {  	p2 =	seq.s32 s10, $0x1;
	s10 =	sld [smem:$0x3FB5]  }
0x3d: {  	_ =	shalt  }
0x3e: {  	_ =	shalt  }
0x3f: {  	_ =	shalt  }
0x40: {  	_ =	shalt  }
0x41: {  	_ =	shalt  }
0x42: {  	_ =	shalt  }
0x43: {  	_ =	shalt  }
0x44: {  	_ =	shalt  }
0x45: {  	_ =	shalt  }
0x46: {  	_ =	shalt  }
0x47: {  	_ =	shalt  }
0x48: {  	_ =	shalt  }
0x49: {  	_ =	shalt  }
0x4a: {  	_ =	shalt  }
0x4b: {  	_ =	shalt  }
0x4c: {  	_ =	shalt  }
0x4d: {  	_ =	shalt  }
0x4e: {  	_ =	shalt  }
0x4f: {  	_ =	shalt  }
0x50: {  	_ =	shalt  }
0x51: {  	_ =	shalt  }
0x52: {  	_ =	shalt  }
0x53: {  	_ =	shalt  }
0x54: {  	_ =	shalt  }
0x55: {  	_ =	shalt  }
0x56: {  	_ =	shalt  }
0x57: {  	_ =	shalt  }
0x58: {  	_ =	shalt  }
0x59: {  	_ =	shalt  }
0x5a: {  	_ =	shalt  }
0x5b: {  	_ =	shalt  }
0x5c: {  	_ =	shalt  }
0x5d: {  	_ =	shalt  }
0x5e: {  	_ =	shalt  }
0x5f: {  	_ =	shalt  }
0x60: {  	_ =	shalt  }
0x61: {  	_ =	shalt  }
0x62: {  	_ =	shalt  }
0x63: {  	_ =	shalt  }
0x64: {  	_ =	shalt  }
0x65: {  	_ =	shalt  }
0x66: {  	_ =	shalt  }
0x67: {  	_ =	shalt  }
0x68: {  	_ =	shalt  }
0x69: {  	_ =	shalt  }
0x6a: {  	_ =	shalt  }
0x6b: {  	_ =	shalt  }
0x6c: {  	_ =	shalt  }
0x6d: {  	_ =	shalt  }
0x6e: {  	_ =	shalt  }
0x6f: {  	_ =	shalt  }
0x70: {  	_ =	shalt  }
0x71: {  	_ =	shalt  }
0x72: {  	_ =	shalt  }
0x73: {  	_ =	shalt  }
0x74: {  	_ =	shalt  }
0x75: {  	_ =	shalt  }
0x76: {  	_ =	shalt  }
0x77: {  	_ =	shalt  }
0x78: {  	_ =	shalt  }
0x79: {  	_ =	shalt  }
0x7a: {  	_ =	shalt  }
0x7b: {  	_ =	shalt  }
0x7c: {  	_ =	shalt  }
0x7d: {  	_ =	shalt  }
0x7e: {  	_ =	shalt  }
0x7f: {  	_ =	shalt  }
0x80: {  	_ =	shalt  }
0x81: {  	_ =	shalt  }
0x82: {  	_ =	shalt  }
0x83: {  	_ =	shalt  }
0x84: {  	_ =	shalt  }
0x85: {  	_ =	shalt  }
0x86: {  	_ =	shalt  }
0x87: {  	_ =	shalt  }
.Lfunc_end0:
.L_simem_size_0:
called_computation_lowered:
.L_overlay_start_0:
0x88: {  	s2 =	sld [smem:$0x3FD9]  }
0x89: {  	s3 =	sld [smem:$0x3FFE];
	_ =	sdelay $0x1  }
0x8a: {  	s1 =	srdreg.scid  }
0x8b: {  	s0 =	sand.u32 $0x1, s1  }
0x8c: {  	s16 =	sshll.u32 s0, $0xA;
	s2 =	sadd.s32 s3, s2  }
0x8d: {  	s2 =	sadd.s32 s2, s16  }
0x8e: {  	[smem:$0x3FC1] =	sst s2  }
0x8f: {  	_ = 	snop  }
0x90: {  	(tm) =	ssettm $0x1  }
0x91: {  	s17 =	sld [smem:$0x3FFB];
	_ =	sdelay $0x3  }
0x92: {  	_ =	strace s17  }
0x93: {  	s2 =	sld [smem:$0x3FFC];
	_ =	sdelay $0x3  }
0x94: {  	_ =	strace s2  }
0x95: {  	s2 =	sld [smem:$0x3FFD];
	_ =	sdelay $0x3  }
0x96: {  	_ =	strace s2  }
0x97: {  	_ =	strace $0x8FFFFFFF  }
0x98: {  	s18 =	sld [smem:$0x3FDB];
	_ =	sdelay $0x1  }
0x99: {  	s19 =	simm.s32 $_scs_section_size  }
0x9a: {  	s4 =	simm.s32 $_size__tile_overlayer_lowered;
	s5 =	simm.s32 $_tile_overlayer_lowered  }
0x9b: {  	s22 =	simm.s32 $0x1BFF;
	s21 =	sshll.u32 s5, $0x1;
	s2 =	sadd.s32 s19, s18  }
0x9c: {  	s6 =	simm.s32 $0x0;
	s20 =	sshll.u32 s4, $0x1;
	s4 =	sadd.s32 s21, s2  }
0x9d: {  	[timem:s6], [sflag:s22] =	dma.local [hbm:s4], s20  }
0x9e: {  	_ =	swait.ge [sflag:s22], s20  }
0x9f: {  	s3 =	ssub.s32 $0x0, s20;
	[sflag:s22] =	ssyncset.done $0x0  }
0xa0: {  	[sflag:s22] =	ssyncadd.s32 s3;
	_ =	sdelay $0x1  }
0xa1: {  	s23 =	simm.s32 $0x1B8B  }
0xa2: {  	_ =	swait.ge [sflag:s23], $0x1  }
0xa3: {  	[sflag:s23] =	ssyncset.done $0x0  }
0xa4: {  	s25 =	simm.s32 $0x1B8E;
	s24 =	sld [smem:$0x3FFE];
	[sflag:s23] =	ssyncadd.s32 $0xFFFFFFFF  }
0xa5: {  	s26 =	simm.s32 $execute0_lowered;
	[smem:$0x3FD2] =	sst s25  }
0xa6: {  	s4 =	sshll.u32 s26, $0x1;
	_ =	strace $0x80000046;
	[dreg:$0x1] =	wrdreg $0xFFFFFFFF  }
0xa7: {  	s28 =	simm.s32 $_size_execute0_lowered;
	s2 =	sadd.s32 s2, s4;
	[dreg:$0x0] =	wrdreg $0x0  }
0xa8: {  	s4 =	sshll.u32 s28, $0x1;
	[dreg:$0x2] =	wrdreg s2  }
0xa9: {  	[dreg:$0x3] =	wrdreg s4  }
0xaa: {  	[dreg:$0x4] =	wrdreg $0xC0  }
0xab: {  	_ =	task [dreg:s6], $0x5FFFF  }
0xac: {  	[dreg:$0x1] =	wrdreg $0xFFFFFFFF  }
0xad: {  	[dreg:$0x0] =	wrdreg $0x60  }
0xae: {  	[dreg:$0x2] =	wrdreg s24  }
0xaf: {  	[dreg:$0x3] =	wrdreg $0x50000  }
0xb0: {  	[dreg:$0x4] =	wrdreg $0x0  }
0xb1: {  	[dreg:$0x5] =	wrdreg $0x9  }
0xb2: {  	_ =	task.clear_ibuf [dreg:s6], $0x6FFFF;
	_ =	strace $0x90000046  }
0xb3: {  	s29 =	simm.s32 $0x9;
	_ =	strace $0x80000048  }
0xb4: {  	_ =	swait.ge [sflag:s29], $0x1  }
0xb5: {  	[sflag:s29] =	ssyncadd.s32 $0xFFFFFFFF  }
0xb6: {  	_ =	strace $0x90000048  }
0xb7: {  	_ =	sfence  }
0xb8: {  	s30 =	sld [smem:$0x0];
	_ =	sdelay $0x2  }
0xb9: {  	s31 =	sshll.u32 s1, $0xD;
	s1 =	sshrl.u32 s1, $0x2  }
0xba: {  	s3 =	sand.u32 $0x4000, s31;
	s1 =	sadd.s32 s1, s30  }
0xbb: {  	s0 =	sor.u32 s3, s0;
	s1 =	sshll.u32 s1, $0x11  }
0xbc: {  	s0 =	sor.u32 s1, s0  }
0xbd: {  	s0 =	sadd.s32 $0x8F2B, s0  }
0xbe: {  	[sflag:s0] =	ssyncadd.remote.s32 $0x1  }
0xbf: {  	_ =	sfence.sel $0xFFFF  }
0xc0: {  	[dreg:$0x0] =	wrdreg $0xFFFFFFFF;
	(pc) =	sbr.abs _section_cstart, $3  }
0xc1: {  	[dreg:$0x1] =	wrdreg $0xFFFFFFFF  }
0xc2: {  	_ =	task.clear_ibuf [dreg:s6], $0x2FFFF;
	_ =	strace $0x9FFFFFFF  }
0xc3: {  	(tm) =	ssettm $0x7FFFFFFF  }
tec
execute0_lowered:
.L_overlay_start_1:
0x0: {  	(tag) =	ssettag $0x1  }
0x1: {  	s0 =	rddreg [dreg:$0x0]  }
0x2: {  	s2 =	rddreg [dreg:$0x1]  }
0x3: {  	s3 =	rddreg [dreg:$0x2]  }
0x4: {  	s4 =	simm.s32 $0x0;
	s8 =	stileid.u32;
	s1 =	srdreg.scid  }
0x5: {  	s17 =	simm.s32 $0x1;
	s29 =	simm.s32 $0x16000;
	s31 =	simm.s32 $0x17000  }
0x6: {  	s12 =	simm.s32 $0x1A000;
	s14 =	simm.s32 $0x2;
	s13 =	simm.s32 $0x3  }
0x7: {  	s16 =	simm.s32 $0x6;
	s30 =	simm.s32 $0x0;
	s18 =	smul.u32 $0xA000, s8  }
0x8: {  	[smem:$0x7FF] =	sst s4;
	s1 =	sand.u32 $0x1, s1;
	s6 =	smul.u32 $0xA00, s8  }
0x9: {  	s7 =	smul.u32 $0x5000, s8;
	s21 =	sshll.u32 s8, $0x6;
	_ =	strace $0x80000047  }
0xa: {  	s5 =	sshll.u32 s1, $0x5;
	s1 =	ssub.s32 $0x2, s1;
	[dreg:$0x5] =	wrdreg s21  }
0xb: {  	s8 =	sor.u32 $0x1C01, s21;
	s21 =	simm.s32 $0xA000;
	s4 =	sor.u32 s5, s18  }
0xc: {  	s19 =	sshrl.u32 s1, $0x1;
	s9 =	sadd.s32 s6, s0;
	s20 =	sadd.s32 s7, s2  }
0xd: {  	s10 =	sadd.s32 s7, s3;
	s22 =	sadd.s32 $0x4000, s7;
	s18 =	simm.s32 $0x4  }
0xe: {  	s4 =	sshrl.u32 s4, $0x3;
	s1 =	ssub.s32 s1, s19;
	s23 =	sadd.s32 $0x1A00, s9  }
0xf: {  	s24 =	sadd.s32 $0xBA00, s9;
	s25 =	sadd.s32 s22, s3;
	[dreg:$0x4] =	wrdreg s20  }
0x10: {  	s28 =	sshrl.u32 s20, $0x3;
	s19 =	simm.s32 $0x8;
	[dreg:$0x6] =	wrdreg s10  }
0x11: {  	s20 =	sshrl.u32 s10, $0x3;
	s10 =	simm.s32 $0x19000;
	[dreg:$0x7] =	wrdreg s23  }
0x12: {  	s9 =	simm.s32 $0x5;
	s0 =	sadd.s32 s4, s0;
	[dreg:$0x8] =	wrdreg s24  }
0x13: {  	[dreg:$0x9] =	wrdreg s25;
	s4 =	sadd.s32 s22, s2;
	s26 =	smax.u32 s1, $0x1  }
0x14: {  	[dreg:$0xd] =	wrdreg s28;
	s22 =	simm.s32 $0xF000;
	s23 =	simm.s32 $0x80  }
0x15: {  	s24 =	simm.s32 $0x14000;
	s1 =	simm.s32 $0x18000;
	[dreg:$0xa] =	wrdreg s4  }
0x16: {  	s6 =	sadd.s32 $0x15A00, s0;
	s0 =	sadd.s32 $0x29A00, s0;
	[dreg:$0xc] =	wrdreg s26  }
0x17: {  	s25 =	simm.s32 $0x1B000;
	s26 =	simm.s32 $0x15000;
	[dreg:$0xb] =	wrdreg s0  }
.LBB2_1:
0x18: {  	s0 =	rddreg [dreg:$0xd]  }
0x19: {  	[spmem:s0@s18], [sflag:s8] =	dma.strided [hbm:s6@s19], $0xA00, s17, $0x4   }
0x1a: {  	[spmem:s20@s18], [sflag:s8] =	dma.strided [hbm:s6@s19], $0xA00, s17, $0x4   }
0x1b: {  	s15 =	simm.s32 $0x0;
	s4 =	rddreg [dreg:$0x7]  }
0x1c: {  	[tilespmem:s21], [sflag:$0x1] =	stream.linear.gather [hbm4b:s4+s15], $0x5000, $0x38;
	[tilespmem:$0x1C000] =	vst v63  }
0x1d: {  	s28 =	rddreg [dreg:$0x8]  }
0x1e: {  	[tilespmem:s22], [sflag:$0x1] =	stream.linear.gather [hbm4b:s28+s15], $0x5000, $0x38;
	[tilespmem:$0x1C000] =	vst v63  }
0x1f: {  	_ =	swait.ge [sflag:s17], $0xA00  }
0x20: {  	[sflag:s17] =	ssyncset.done $0x0  }
0x21: {  	[sflag:s17] =	ssyncadd.s32 $0xFFFFF600  }
0x22: {  	_ =	swait.ge [sflag:s17], $0xA00  }
0x23: {  	[sflag:s17] =	ssyncset.done $0x0  }
0x24: {  	[sflag:s17] =	ssyncadd.s32 $0xFFFFF600  }
0x25: {  	_ =	swait.ge [sflag:s17], $0x5000  }
0x26: {  	[sflag:s17] =	ssyncset.done $0x0  }
0x27: {  	[sflag:s17] =	ssyncadd.s32 $0xFFFFB000  }
0x28: {  	_ =	swait.ge [sflag:s17], $0x5000  }
0x29: {  	[sflag:s17] =	ssyncset.done $0x0  }
0x2a: {  	[sflag:s17] =	ssyncadd.s32 $0xFFFFB000  }
0x2b: {  	[bflag:$0x0] =	sbarrier.arrive $0xFFFF  }
0x2c: {  	[tilespmem:s24], [sflag:$0x2] =	stream.indirect.gather [spmem:s2], $0x20, s21, s23, $0xb8;
	[tilespmem:$0x1C000] =	vst v63  }
0x2d: {  	s5 =	simm.s32 $0xA080  }
0x2e: {  	[tilespmem:s26], [sflag:$0x2] =	stream.indirect.gather [spmem:s2], $0x20, s5, s23, $0xb8;
	[tilespmem:$0x1C000] =	vst v63  }
0x2f: {  	s7 =	simm.s32 $0xA100  }
0x30: {  	[tilespmem:s29], [sflag:$0x2] =	stream.indirect.gather [spmem:s2], $0x20, s7, s23, $0xb8;
	[tilespmem:$0x1C000] =	vst v63  }
0x31: {  	s11 =	simm.s32 $0xA180  }
0x32: {  	[tilespmem:s31], [sflag:$0x2] =	stream.indirect.gather [spmem:s2], $0x20, s11, s23, $0xb8;
	[tilespmem:$0x1C000] =	vst v63  }
0x33: {  	s15 =	simm.s32 $0xA200  }
0x34: {  	[tilespmem:s1], [sflag:$0x3] =	stream.indirect.gather [spmem:s2], $0x20, s15, s23, $0xb8;
	[tilespmem:$0x1C000] =	vst v63  }
0x35: {  	s28 =	simm.s32 $0xA280  }
0x36: {  	[tilespmem:s10], [sflag:$0x3] =	stream.indirect.gather [spmem:s2], $0x20, s28, s23, $0xb8;
	[tilespmem:$0x1C000] =	vst v63  }
0x37: {  	s4 =	simm.s32 $0xA300  }
0x38: {  	[tilespmem:s12], [sflag:$0x3] =	stream.indirect.gather [spmem:s2], $0x20, s4, s23, $0xb8;
	[tilespmem:$0x1C000] =	vst v63  }
0x39: {  	s5 =	simm.s32 $0xA380  }
0x3a: {  	[tilespmem:s25], [sflag:$0x3] =	stream.indirect.gather [spmem:s2], $0x20, s5, s23, $0xb8;
	[tilespmem:$0x1C000] =	vst v63  }
0x3b: {  	_ =	swait.ge [sflag:s14], $0x1000  }
0x3c: {  	[sflag:s14] =	ssyncset.done $0x0  }
0x3d: {  	[sflag:s14] =	ssyncadd.s32 $0xFFFFF000  }
0x3e: {  	_ =	swait.ge [sflag:s14], $0x1000  }
0x3f: {  	[sflag:s14] =	ssyncset.done $0x0  }
0x40: {  	[sflag:s14] =	ssyncadd.s32 $0xFFFFF000  }
0x41: {  	_ =	swait.ge [sflag:s14], $0x1000  }
0x42: {  	[sflag:s14] =	ssyncset.done $0x0  }
0x43: {  	[sflag:s14] =	ssyncadd.s32 $0xFFFFF000  }
0x44: {  	_ =	swait.ge [sflag:s14], $0x1000  }
0x45: {  	[sflag:s14] =	ssyncset.done $0x0  }
0x46: {  	[sflag:s14] =	ssyncadd.s32 $0xFFFFF000  }
0x47: {  	[spmem:s3] =	stream.indirect.scatter.add.f32 [tilespmem:s24], [sflag:$0x4], $0x20, s22, s23, $0xb8;
	[tilespmem:$0x1C000] =	vst v63  }
0x48: {  	s7 =	simm.s32 $0xF080  }
0x49: {  	[spmem:s3] =	stream.indirect.scatter.add.f32 [tilespmem:s26], [sflag:$0x4], $0x20, s7, s23, $0xb8;
	[tilespmem:$0x1C000] =	vst v63  }
0x4a: {  	s11 =	simm.s32 $0xF100  }
0x4b: {  	[spmem:s3] =	stream.indirect.scatter.add.f32 [tilespmem:s29], [sflag:$0x4], $0x20, s11, s23, $0xb8;
	[tilespmem:$0x1C000] =	vst v63  }
0x4c: {  	s15 =	simm.s32 $0xF180  }
0x4d: {  	[spmem:s3] =	stream.indirect.scatter.add.f32 [tilespmem:s31], [sflag:$0x4], $0x20, s15, s23, $0xb8;
	[tilespmem:$0x1C000] =	vst v63  }
0x4e: {  	_ =	swait.ge [sflag:s18], $0x1000  }
0x4f: {  	[sflag:s18] =	ssyncset.done $0x0  }
0x50: {  	[sflag:s18] =	ssyncadd.s32 $0xFFFFF000  }
0x51: {  	_ =	swait.ge [sflag:s18], $0x1000  }
0x52: {  	[sflag:s18] =	ssyncset.done $0x0  }
0x53: {  	[sflag:s18] =	ssyncadd.s32 $0xFFFFF000  }
0x54: {  	_ =	swait.ge [sflag:s18], $0x1000  }
0x55: {  	[sflag:s18] =	ssyncset.done $0x0  }
0x56: {  	[sflag:s18] =	ssyncadd.s32 $0xFFFFF000  }
0x57: {  	_ =	swait.ge [sflag:s18], $0x1000  }
0x58: {  	[sflag:s18] =	ssyncset.done $0x0  }
0x59: {  	s28 =	simm.s32 $0xA400;
	[sflag:s18] =	ssyncadd.s32 $0xFFFFF000  }
0x5a: {  	[tilespmem:s24], [sflag:$0x2] =	stream.indirect.gather [spmem:s2], $0x20, s28, s23, $0xb8;
	[tilespmem:$0x1C000] =	vst v63  }
0x5b: {  	s4 =	simm.s32 $0xA480  }
0x5c: {  	[tilespmem:s26], [sflag:$0x2] =	stream.indirect.gather [spmem:s2], $0x20, s4, s23, $0xb8;
	[tilespmem:$0x1C000] =	vst v63  }
0x5d: {  	s5 =	simm.s32 $0xA500  }
0x5e: {  	[tilespmem:s29], [sflag:$0x2] =	stream.indirect.gather [spmem:s2], $0x20, s5, s23, $0xb8;
	[tilespmem:$0x1C000] =	vst v63  }
0x5f: {  	s7 =	simm.s32 $0xA580  }
0x60: {  	[tilespmem:s31], [sflag:$0x2] =	stream.indirect.gather [spmem:s2], $0x20, s7, s23, $0xb8;
	[tilespmem:$0x1C000] =	vst v63  }
0x61: {  	_ =	swait.ge [sflag:s13], $0x1000  }
0x62: {  	[sflag:s13] =	ssyncset.done $0x0  }
0x63: {  	[sflag:s13] =	ssyncadd.s32 $0xFFFFF000  }
0x64: {  	_ =	swait.ge [sflag:s13], $0x1000  }
0x65: {  	[sflag:s13] =	ssyncset.done $0x0  }
0x66: {  	[sflag:s13] =	ssyncadd.s32 $0xFFFFF000  }
0x67: {  	_ =	swait.ge [sflag:s13], $0x1000  }
0x68: {  	[sflag:s13] =	ssyncset.done $0x0  }
0x69: {  	[sflag:s13] =	ssyncadd.s32 $0xFFFFF000  }
0x6a: {  	_ =	swait.ge [sflag:s13], $0x1000  }
0x6b: {  	[sflag:s13] =	ssyncset.done $0x0  }
0x6c: {  	s11 =	simm.s32 $0xF200;
	[sflag:s13] =	ssyncadd.s32 $0xFFFFF000  }
0x6d: {  	[spmem:s3] =	stream.indirect.scatter.add.f32 [tilespmem:s1], [sflag:$0x5], $0x20, s11, s23, $0xb8;
	[tilespmem:$0x1C000] =	vst v63  }
0x6e: {  	s15 =	simm.s32 $0xF280  }
0x6f: {  	[spmem:s3] =	stream.indirect.scatter.add.f32 [tilespmem:s10], [sflag:$0x5], $0x20, s15, s23, $0xb8;
	[tilespmem:$0x1C000] =	vst v63  }
0x70: {  	s28 =	simm.s32 $0xF300  }
0x71: {  	[spmem:s3] =	stream.indirect.scatter.add.f32 [tilespmem:s12], [sflag:$0x5], $0x20, s28, s23, $0xb8;
	[tilespmem:$0x1C000] =	vst v63  }
0x72: {  	s4 =	simm.s32 $0xF380  }
0x73: {  	[spmem:s3] =	stream.indirect.scatter.add.f32 [tilespmem:s25], [sflag:$0x5], $0x20, s4, s23, $0xb8;
	[tilespmem:$0x1C000] =	vst v63  }
0x74: {  	_ =	swait.ge [sflag:s9], $0x1000  }
0x75: {  	[sflag:s9] =	ssyncset.done $0x0  }
0x76: {  	[sflag:s9] =	ssyncadd.s32 $0xFFFFF000  }
0x77: {  	_ =	swait.ge [sflag:s9], $0x1000  }
0x78: {  	[sflag:s9] =	ssyncset.done $0x0  }
0x79: {  	[sflag:s9] =	ssyncadd.s32 $0xFFFFF000  }
0x7a: {  	_ =	swait.ge [sflag:s9], $0x1000  }
0x7b: {  	[sflag:s9] =	ssyncset.done $0x0  }
0x7c: {  	[sflag:s9] =	ssyncadd.s32 $0xFFFFF000  }
0x7d: {  	_ =	swait.ge [sflag:s9], $0x1000  }
0x7e: {  	[sflag:s9] =	ssyncset.done $0x0  }
0x7f: {  	s5 =	simm.s32 $0xA600;
	[sflag:s9] =	ssyncadd.s32 $0xFFFFF000  }
0x80: {  	[tilespmem:s1], [sflag:$0x3] =	stream.indirect.gather [spmem:s2], $0x20, s5, s23, $0xb8;
	[tilespmem:$0x1C000] =	vst v63  }
0x81: {  	s7 =	simm.s32 $0xA680  }
0x82: {  	[tilespmem:s10], [sflag:$0x3] =	stream.indirect.gather [spmem:s2], $0x20, s7, s23, $0xb8;
	[tilespmem:$0x1C000] =	vst v63  }
0x83: {  	s11 =	simm.s32 $0xA700  }
0x84: {  	[tilespmem:s12], [sflag:$0x3] =	stream.indirect.gather [spmem:s2], $0x20, s11, s23, $0xb8;
	[tilespmem:$0x1C000] =	vst v63  }
0x85: {  	s15 =	simm.s32 $0xA780  }
0x86: {  	[tilespmem:s25], [sflag:$0x3] =	stream.indirect.gather [spmem:s2], $0x20, s15, s23, $0xb8;
	[tilespmem:$0x1C000] =	vst v63  }
0x87: {  	_ =	swait.ge [sflag:s14], $0x1000  }
0x88: {  	[sflag:s14] =	ssyncset.done $0x0  }
0x89: {  	[sflag:s14] =	ssyncadd.s32 $0xFFFFF000  }
0x8a: {  	_ =	swait.ge [sflag:s14], $0x1000  }
0x8b: {  	[sflag:s14] =	ssyncset.done $0x0  }
0x8c: {  	[sflag:s14] =	ssyncadd.s32 $0xFFFFF000  }
0x8d: {  	_ =	swait.ge [sflag:s14], $0x1000  }
0x8e: {  	[sflag:s14] =	ssyncset.done $0x0  }
0x8f: {  	[sflag:s14] =	ssyncadd.s32 $0xFFFFF000  }
0x90: {  	_ =	swait.ge [sflag:s14], $0x1000  }
0x91: {  	[sflag:s14] =	ssyncset.done $0x0  }
0x92: {  	s28 =	simm.s32 $0xF400;
	[sflag:s14] =	ssyncadd.s32 $0xFFFFF000  }
0x93: {  	[spmem:s3] =	stream.indirect.scatter.add.f32 [tilespmem:s24], [sflag:$0x4], $0x20, s28, s23, $0xb8;
	[tilespmem:$0x1C000] =	vst v63  }
0x94: {  	s4 =	simm.s32 $0xF480  }
0x95: {  	[spmem:s3] =	stream.indirect.scatter.add.f32 [tilespmem:s26], [sflag:$0x4], $0x20, s4, s23, $0xb8;
	[tilespmem:$0x1C000] =	vst v63  }
0x96: {  	s5 =	simm.s32 $0xF500  }
0x97: {  	[spmem:s3] =	stream.indirect.scatter.add.f32 [tilespmem:s29], [sflag:$0x4], $0x20, s5, s23, $0xb8;
	[tilespmem:$0x1C000] =	vst v63  }
0x98: {  	s7 =	simm.s32 $0xF580  }
0x99: {  	[spmem:s3] =	stream.indirect.scatter.add.f32 [tilespmem:s31], [sflag:$0x4], $0x20, s7, s23, $0xb8;
	[tilespmem:$0x1C000] =	vst v63  }
0x9a: {  	_ =	swait.ge [sflag:s18], $0x1000  }
0x9b: {  	[sflag:s18] =	ssyncset.done $0x0  }
0x9c: {  	[sflag:s18] =	ssyncadd.s32 $0xFFFFF000  }
0x9d: {  	_ =	swait.ge [sflag:s18], $0x1000  }
0x9e: {  	[sflag:s18] =	ssyncset.done $0x0  }
0x9f: {  	[sflag:s18] =	ssyncadd.s32 $0xFFFFF000  }
0xa0: {  	_ =	swait.ge [sflag:s18], $0x1000  }
0xa1: {  	[sflag:s18] =	ssyncset.done $0x0  }
0xa2: {  	[sflag:s18] =	ssyncadd.s32 $0xFFFFF000  }
0xa3: {  	p0 =	por $0x0, $0x0;
	_ =	swait.ge [sflag:s18], $0x1000  }
0xa4: {  	s0 =	simm.s32 @!p0 $0x14000;
	[sflag:s18] =	ssyncset.done $0x0  }
0xa5: {  	s11 =	simm.s32 @!p0 $0x80;
	s4 =	simm.s32 @!p0 $0xA800;
	[sflag:s18] =	ssyncadd.s32 $0xFFFFF000  }
0xa6: {  	[tilespmem:s0], [sflag:$0x2] =	stream.indirect.gather @!p0 [spmem:s2], $0x20, s4, s11, $0xb8;
	[tilespmem:$0x1C000] =	vst v63  }
0xa7: {  	s0 =	simm.s32 @!p0 $0xA880;
	s4 =	simm.s32 @!p0 $0x15000  }
0xa8: {  	[tilespmem:s4], [sflag:$0x2] =	stream.indirect.gather @!p0 [spmem:s2], $0x20, s0, s11, $0xb8;
	[tilespmem:$0x1C000] =	vst v63  }
0xa9: {  	s0 =	simm.s32 @!p0 $0xA900;
	s4 =	simm.s32 @!p0 $0x16000  }
0xaa: {  	[tilespmem:s4], [sflag:$0x2] =	stream.indirect.gather @!p0 [spmem:s2], $0x20, s0, s11, $0xb8;
	[tilespmem:$0x1C000] =	vst v63  }
0xab: {  	s0 =	simm.s32 @!p0 $0xA980;
	s4 =	simm.s32 @!p0 $0x17000  }
0xac: {  	[tilespmem:s4], [sflag:$0x2] =	stream.indirect.gather @!p0 [spmem:s2], $0x20, s0, s11, $0xb8;
	[tilespmem:$0x1C000] =	vst v63  }
0xad: {  	_ =	swait.ge [sflag:s13], $0x1000  }
0xae: {  	[sflag:s13] =	ssyncset.done $0x0  }
0xaf: {  	[sflag:s13] =	ssyncadd.s32 $0xFFFFF000  }
0xb0: {  	_ =	swait.ge [sflag:s13], $0x1000  }
0xb1: {  	[sflag:s13] =	ssyncset.done $0x0  }
0xb2: {  	[sflag:s13] =	ssyncadd.s32 $0xFFFFF000  }
0xb3: {  	_ =	swait.ge [sflag:s13], $0x1000  }
0xb4: {  	[sflag:s13] =	ssyncset.done $0x0  }
0xb5: {  	[sflag:s13] =	ssyncadd.s32 $0xFFFFF000  }
0xb6: {  	_ =	swait.ge [sflag:s13], $0x1000  }
0xb7: {  	[sflag:s13] =	ssyncset.done $0x0  }
0xb8: {  	s11 =	simm.s32 $0xF600;
	[sflag:s13] =	ssyncadd.s32 $0xFFFFF000  }
0xb9: {  	[spmem:s3] =	stream.indirect.scatter.add.f32 [tilespmem:s1], [sflag:$0x5], $0x20, s11, s23, $0xb8;
	[tilespmem:$0x1C000] =	vst v63  }
0xba: {  	s15 =	simm.s32 $0xF680  }
0xbb: {  	[spmem:s3] =	stream.indirect.scatter.add.f32 [tilespmem:s10], [sflag:$0x5], $0x20, s15, s23, $0xb8;
	[tilespmem:$0x1C000] =	vst v63  }
0xbc: {  	s28 =	simm.s32 $0xF700;
	s0 =	simm.s32 $0x1000;
	s4 =	simm.s32 $0xF780  }
0xbd: {  	[spmem:s3] =	stream.indirect.scatter.add.f32 [tilespmem:s12], [sflag:$0x5], $0x20, s28, s23, $0xb8;
	[tilespmem:$0x1C000] =	vst v63  }
.LBB2_2:
0xbe: {  	[spmem:s3] =	stream.indirect.scatter.add.f32 [tilespmem:s25], [sflag:$0x5], $0x20, s4, s23, $0xb8;
	[tilespmem:$0x1C000] =	vst v63  }
0xbf: {  	s11 =	smov.u32 s0;
	s0 =	sadd.s32 $0x1000, s0;
	_ =	swait.ge [sflag:s9], $0x1000  }
0xc0: {  	p0 =	sne.s32 s0, $0x13000;
	[sflag:s9] =	ssyncset.done $0x0  }
0xc1: {  	[sflag:s9] =	ssyncadd.s32 $0xFFFFF000  }
0xc2: {  	_ =	swait.ge [sflag:s9], $0x1000  }
0xc3: {  	[sflag:s9] =	ssyncset.done $0x0  }
0xc4: {  	[sflag:s9] =	ssyncadd.s32 $0xFFFFF000  }
0xc5: {  	_ =	swait.ge [sflag:s9], $0x1000  }
0xc6: {  	[sflag:s9] =	ssyncset.done $0x0  }
0xc7: {  	[sflag:s9] =	ssyncadd.s32 $0xFFFFF000  }
0xc8: {  	_ =	swait.ge [sflag:s9], $0x1000  }
0xc9: {  	s4 =	sshra.s32 s11, $0x2;
	[sflag:s9] =	ssyncset.done $0x0  }
0xca: {  	s5 =	sadd.s32 $0xA600, s4;
	[sflag:s9] =	ssyncadd.s32 $0xFFFFF000  }
0xcb: {  	[tilespmem:s1], [sflag:$0x3] =	stream.indirect.gather [spmem:s2], $0x20, s5, s23, $0xb8;
	[tilespmem:$0x1C000] =	vst v63  }
0xcc: {  	s5 =	sadd.s32 $0xA680, s4  }
0xcd: {  	[tilespmem:s10], [sflag:$0x3] =	stream.indirect.gather [spmem:s2], $0x20, s5, s23, $0xb8;
	[tilespmem:$0x1C000] =	vst v63  }
0xce: {  	s5 =	sadd.s32 $0xA700, s4  }
0xcf: {  	[tilespmem:s12], [sflag:$0x3] =	stream.indirect.gather [spmem:s2], $0x20, s5, s23, $0xb8;
	[tilespmem:$0x1C000] =	vst v63  }
0xd0: {  	s5 =	sadd.s32 $0xA780, s4  }
0xd1: {  	[tilespmem:s25], [sflag:$0x3] =	stream.indirect.gather [spmem:s2], $0x20, s5, s23, $0xb8;
	[tilespmem:$0x1C000] =	vst v63  }
0xd2: {  	_ =	swait.ge [sflag:s14], $0x1000  }
0xd3: {  	[sflag:s14] =	ssyncset.done $0x0  }
0xd4: {  	[sflag:s14] =	ssyncadd.s32 $0xFFFFF000  }
0xd5: {  	_ =	swait.ge [sflag:s14], $0x1000  }
0xd6: {  	[sflag:s14] =	ssyncset.done $0x0  }
0xd7: {  	[sflag:s14] =	ssyncadd.s32 $0xFFFFF000  }
0xd8: {  	_ =	swait.ge [sflag:s14], $0x1000  }
0xd9: {  	[sflag:s14] =	ssyncset.done $0x0  }
0xda: {  	[sflag:s14] =	ssyncadd.s32 $0xFFFFF000  }
0xdb: {  	_ =	swait.ge [sflag:s14], $0x1000  }
0xdc: {  	[sflag:s14] =	ssyncset.done $0x0  }
0xdd: {  	s5 =	sadd.s32 $0xF400, s4;
	[sflag:s14] =	ssyncadd.s32 $0xFFFFF000  }
0xde: {  	[spmem:s3] =	stream.indirect.scatter.add.f32 [tilespmem:s24], [sflag:$0x4], $0x20, s5, s23, $0xb8;
	[tilespmem:$0x1C000] =	vst v63  }
0xdf: {  	s5 =	sadd.s32 $0xF480, s4  }
0xe0: {  	[spmem:s3] =	stream.indirect.scatter.add.f32 [tilespmem:s26], [sflag:$0x4], $0x20, s5, s23, $0xb8;
	[tilespmem:$0x1C000] =	vst v63  }
0xe1: {  	s5 =	sadd.s32 $0xF500, s4  }
0xe2: {  	[spmem:s3] =	stream.indirect.scatter.add.f32 [tilespmem:s29], [sflag:$0x4], $0x20, s5, s23, $0xb8;
	[tilespmem:$0x1C000] =	vst v63  }
0xe3: {  	s5 =	sadd.s32 $0xF580, s4  }
0xe4: {  	[spmem:s3] =	stream.indirect.scatter.add.f32 [tilespmem:s31], [sflag:$0x4], $0x20, s5, s23, $0xb8;
	[tilespmem:$0x1C000] =	vst v63  }
0xe5: {  	_ =	swait.ge [sflag:s18], $0x1000  }
0xe6: {  	[sflag:s18] =	ssyncset.done $0x0  }
0xe7: {  	[sflag:s18] =	ssyncadd.s32 $0xFFFFF000  }
0xe8: {  	_ =	swait.ge [sflag:s18], $0x1000  }
0xe9: {  	[sflag:s18] =	ssyncset.done $0x0  }
0xea: {  	[sflag:s18] =	ssyncadd.s32 $0xFFFFF000  }
0xeb: {  	_ =	swait.ge [sflag:s18], $0x1000  }
0xec: {  	[sflag:s18] =	ssyncset.done $0x0  }
0xed: {  	[sflag:s18] =	ssyncadd.s32 $0xFFFFF000  }
0xee: {  	p1 =	seq.s32 s11, $0x12000;
	_ =	swait.ge [sflag:s18], $0x1000  }
0xef: {  	s5 =	sshra.s32 @!p1 s11, $0x2;
	s11 =	simm.s32 @!p1 $0x14000;
	[sflag:s18] =	ssyncset.done $0x0  }
0xf0: {  	s7 =	simm.s32 @!p1 $0x80;
	s15 =	sadd.s32 @!p1 $0xA800, s5;
	[sflag:s18] =	ssyncadd.s32 $0xFFFFF000  }
0xf1: {  	[tilespmem:s11], [sflag:$0x2] =	stream.indirect.gather @!p1 [spmem:s2], $0x20, s15, s7, $0xb8;
	[tilespmem:$0x1C000] =	vst v63  }
0xf2: {  	s28 =	sadd.s32 @!p1 $0xA900, s5;
	s11 =	sadd.s32 @!p1 $0xA880, s5;
	s15 =	simm.s32 @!p1 $0x15000  }
0xf3: {  	[tilespmem:s15], [sflag:$0x2] =	stream.indirect.gather @!p1 [spmem:s2], $0x20, s11, s7, $0xb8;
	[tilespmem:$0x1C000] =	vst v63  }
0xf4: {  	s5 =	sadd.s32 @!p1 $0xA980, s5;
	s11 =	simm.s32 @!p1 $0x16000  }
0xf5: {  	[tilespmem:s11], [sflag:$0x2] =	stream.indirect.gather @!p1 [spmem:s2], $0x20, s28, s7, $0xb8;
	[tilespmem:$0x1C000] =	vst v63  }
0xf6: {  	s11 =	simm.s32 @!p1 $0x17000  }
0xf7: {  	[tilespmem:s11], [sflag:$0x2] =	stream.indirect.gather @!p1 [spmem:s2], $0x20, s5, s7, $0xb8;
	[tilespmem:$0x1C000] =	vst v63  }
0xf8: {  	_ =	swait.ge [sflag:s13], $0x1000  }
0xf9: {  	[sflag:s13] =	ssyncset.done $0x0  }
0xfa: {  	[sflag:s13] =	ssyncadd.s32 $0xFFFFF000  }
0xfb: {  	_ =	swait.ge [sflag:s13], $0x1000  }
0xfc: {  	[sflag:s13] =	ssyncset.done $0x0  }
0xfd: {  	[sflag:s13] =	ssyncadd.s32 $0xFFFFF000  }
0xfe: {  	_ =	swait.ge [sflag:s13], $0x1000  }
0xff: {  	[sflag:s13] =	ssyncset.done $0x0  }
0x100: {  	[sflag:s13] =	ssyncadd.s32 $0xFFFFF000  }
0x101: {  	_ =	swait.ge [sflag:s13], $0x1000  }
0x102: {  	[sflag:s13] =	ssyncset.done $0x0  }
0x103: {  	s5 =	sadd.s32 $0xF600, s4;
	[sflag:s13] =	ssyncadd.s32 $0xFFFFF000  }
0x104: {  	[spmem:s3] =	stream.indirect.scatter.add.f32 [tilespmem:s1], [sflag:$0x5], $0x20, s5, s23, $0xb8;
	[tilespmem:$0x1C000] =	vst v63  }
.Ltmp0:
0x105: {  	s5 =	sadd.s32 $0xF680, s4;
	(pc) =	sbr.rel @p0 .LBB2_2-.Ltmp0, $4  }
0x106: {  	[spmem:s3] =	stream.indirect.scatter.add.f32 [tilespmem:s10], [sflag:$0x5], $0x20, s5, s23, $0xb8;
	[tilespmem:$0x1C000] =	vst v63  }
0x107: {  	s5 =	sadd.s32 $0xF700, s4  }
0x108: {  	[spmem:s3] =	stream.indirect.scatter.add.f32 [tilespmem:s12], [sflag:$0x5], $0x20, s5, s23, $0xb8;
	[tilespmem:$0x1C000] =	vst v63  }
0x109: {  	s4 =	sadd.s32 $0xF780, s4  }
0x10a: {  	[spmem:s3] =	stream.indirect.scatter.add.f32 [tilespmem:s25], [sflag:$0x5], $0x20, s4, s23, $0xb8;
	[tilespmem:$0x1C000] =	vst v63  }
0x10b: {  	_ =	swait.ge [sflag:s9], $0x1000  }
0x10c: {  	[sflag:s9] =	ssyncset.done $0x0  }
0x10d: {  	[sflag:s9] =	ssyncadd.s32 $0xFFFFF000  }
0x10e: {  	_ =	swait.ge [sflag:s9], $0x1000  }
0x10f: {  	[sflag:s9] =	ssyncset.done $0x0  }
0x110: {  	[sflag:s9] =	ssyncadd.s32 $0xFFFFF000  }
0x111: {  	_ =	swait.ge [sflag:s9], $0x1000  }
0x112: {  	[sflag:s9] =	ssyncset.done $0x0  }
0x113: {  	[sflag:s9] =	ssyncadd.s32 $0xFFFFF000  }
0x114: {  	_ =	swait.ge [sflag:s9], $0x1000  }
0x115: {  	[sflag:s9] =	ssyncset.done $0x0  }
0x116: {  	[sflag:s9] =	ssyncadd.s32 $0xFFFFF000  }
0x117: {  	[bflag:$0x0] =	sbarrier.arrive $0xFFFF  }
0x118: {  	s0 =	rddreg [dreg:$0x6]  }
0x119: {  	[tilespmem:s24], [sflag:$0x2] =	stream.linear.gather [spmem:s0], $0x4000, $0x38;
	[tilespmem:$0x1C000] =	vst v63  }
0x11a: {  	s15 =	rddreg [dreg:$0x9]  }
0x11b: {  	[tilespmem:s1], [sflag:$0x3] =	stream.linear.gather [spmem:s15], $0x1000, $0x38;
	[tilespmem:$0x1C000] =	vst v63  }
0x11c: {  	_ =	swait.ge [sflag:s14], $0x4000  }
0x11d: {  	[sflag:s14] =	ssyncset.done $0x0  }
0x11e: {  	s28 =	rddreg [dreg:$0x4];
	[sflag:s14] =	ssyncadd.s32 $0xFFFFC000  }
0x11f: {  	[spmem:s28] =	stream.linear.scatter [tilespmem:s24], [sflag:$0x6], $0x4000, $0x38;
	[tilespmem:$0x1C000] =	vst v63  }
0x120: {  	_ =	swait.ge [sflag:s16], $0x4000  }
0x121: {  	[sflag:s16] =	ssyncset.done $0x0  }
0x122: {  	[sflag:s16] =	ssyncadd.s32 $0xFFFFC000  }
0x123: {  	_ =	swait.ge [sflag:s13], $0x1000  }
0x124: {  	[sflag:s13] =	ssyncset.done $0x0  }
0x125: {  	s4 =	rddreg [dreg:$0xa];
	[sflag:s13] =	ssyncadd.s32 $0xFFFFF000  }
0x126: {  	[spmem:s4] =	stream.linear.scatter [tilespmem:s1], [sflag:$0x6], $0x1000, $0x38;
	[tilespmem:$0x1C000] =	vst v63  }
0x127: {  	_ =	swait.ge [sflag:s16], $0x1000  }
0x128: {  	[sflag:s16] =	ssyncset.done $0x0  }
0x129: {  	[sflag:s16] =	ssyncadd.s32 $0xFFFFF000  }
0x12a: {  	[bflag:$0x0] =	sbarrier.arrive $0xFFFF  }
0x12b: {  	[tilespmem:s24], [sflag:$0x2] =	stream.indirect.gather [spmem:s2], $0x20, s21, s23, $0xb8;
	[tilespmem:$0x1C000] =	vst v63  }
0x12c: {  	s5 =	simm.s32 $0xA080  }
0x12d: {  	[tilespmem:s26], [sflag:$0x2] =	stream.indirect.gather [spmem:s2], $0x20, s5, s23, $0xb8;
	[tilespmem:$0x1C000] =	vst v63  }
0x12e: {  	s7 =	simm.s32 $0xA100  }
0x12f: {  	[tilespmem:s29], [sflag:$0x2] =	stream.indirect.gather [spmem:s2], $0x20, s7, s23, $0xb8;
	[tilespmem:$0x1C000] =	vst v63  }
0x130: {  	s11 =	simm.s32 $0xA180  }
0x131: {  	[tilespmem:s31], [sflag:$0x2] =	stream.indirect.gather [spmem:s2], $0x20, s11, s23, $0xb8;
	[tilespmem:$0x1C000] =	vst v63  }
0x132: {  	s15 =	simm.s32 $0xA200  }
0x133: {  	[tilespmem:s1], [sflag:$0x3] =	stream.indirect.gather [spmem:s2], $0x20, s15, s23, $0xb8;
	[tilespmem:$0x1C000] =	vst v63  }
0x134: {  	s28 =	simm.s32 $0xA280  }
0x135: {  	[tilespmem:s10], [sflag:$0x3] =	stream.indirect.gather [spmem:s2], $0x20, s28, s23, $0xb8;
	[tilespmem:$0x1C000] =	vst v63  }
0x136: {  	s4 =	simm.s32 $0xA300  }
0x137: {  	[tilespmem:s12], [sflag:$0x3] =	stream.indirect.gather [spmem:s2], $0x20, s4, s23, $0xb8;
	[tilespmem:$0x1C000] =	vst v63  }
0x138: {  	s5 =	simm.s32 $0xA380  }
0x139: {  	[tilespmem:s25], [sflag:$0x3] =	stream.indirect.gather [spmem:s2], $0x20, s5, s23, $0xb8;
	[tilespmem:$0x1C000] =	vst v63  }
0x13a: {  	_ =	swait.ge [sflag:s14], $0x1000  }
0x13b: {  	[sflag:s14] =	ssyncset.done $0x0  }
0x13c: {  	[sflag:s14] =	ssyncadd.s32 $0xFFFFF000  }
0x13d: {  	_ =	swait.ge [sflag:s14], $0x1000  }
0x13e: {  	[sflag:s14] =	ssyncset.done $0x0  }
0x13f: {  	[sflag:s14] =	ssyncadd.s32 $0xFFFFF000  }
0x140: {  	_ =	swait.ge [sflag:s14], $0x1000  }
0x141: {  	[sflag:s14] =	ssyncset.done $0x0  }
0x142: {  	[sflag:s14] =	ssyncadd.s32 $0xFFFFF000  }
0x143: {  	_ =	swait.ge [sflag:s14], $0x1000  }
0x144: {  	[sflag:s14] =	ssyncset.done $0x0  }
0x145: {  	[sflag:s14] =	ssyncadd.s32 $0xFFFFF000  }
0x146: {  	[spmem:s3] =	stream.indirect.scatter.add.f32 [tilespmem:s24], [sflag:$0x4], $0x20, s22, s23, $0xb8;
	[tilespmem:$0x1C000] =	vst v63  }
0x147: {  	s7 =	simm.s32 $0xF080  }
0x148: {  	[spmem:s3] =	stream.indirect.scatter.add.f32 [tilespmem:s26], [sflag:$0x4], $0x20, s7, s23, $0xb8;
	[tilespmem:$0x1C000] =	vst v63  }
0x149: {  	s11 =	simm.s32 $0xF100  }
0x14a: {  	[spmem:s3] =	stream.indirect.scatter.add.f32 [tilespmem:s29], [sflag:$0x4], $0x20, s11, s23, $0xb8;
	[tilespmem:$0x1C000] =	vst v63  }
0x14b: {  	s15 =	simm.s32 $0xF180  }
0x14c: {  	[spmem:s3] =	stream.indirect.scatter.add.f32 [tilespmem:s31], [sflag:$0x4], $0x20, s15, s23, $0xb8;
	[tilespmem:$0x1C000] =	vst v63  }
0x14d: {  	_ =	swait.ge [sflag:s18], $0x1000  }
0x14e: {  	[sflag:s18] =	ssyncset.done $0x0  }
0x14f: {  	[sflag:s18] =	ssyncadd.s32 $0xFFFFF000  }
0x150: {  	_ =	swait.ge [sflag:s18], $0x1000  }
0x151: {  	[sflag:s18] =	ssyncset.done $0x0  }
0x152: {  	[sflag:s18] =	ssyncadd.s32 $0xFFFFF000  }
0x153: {  	_ =	swait.ge [sflag:s18], $0x1000  }
0x154: {  	[sflag:s18] =	ssyncset.done $0x0  }
0x155: {  	[sflag:s18] =	ssyncadd.s32 $0xFFFFF000  }
0x156: {  	_ =	swait.ge [sflag:s18], $0x1000  }
0x157: {  	[sflag:s18] =	ssyncset.done $0x0  }
0x158: {  	s28 =	simm.s32 $0xA400;
	[sflag:s18] =	ssyncadd.s32 $0xFFFFF000  }
0x159: {  	[tilespmem:s24], [sflag:$0x2] =	stream.indirect.gather [spmem:s2], $0x20, s28, s23, $0xb8;
	[tilespmem:$0x1C000] =	vst v63  }
0x15a: {  	s4 =	simm.s32 $0xA480  }
0x15b: {  	[tilespmem:s26], [sflag:$0x2] =	stream.indirect.gather [spmem:s2], $0x20, s4, s23, $0xb8;
	[tilespmem:$0x1C000] =	vst v63  }
0x15c: {  	s5 =	simm.s32 $0xA500  }
0x15d: {  	[tilespmem:s29], [sflag:$0x2] =	stream.indirect.gather [spmem:s2], $0x20, s5, s23, $0xb8;
	[tilespmem:$0x1C000] =	vst v63  }
0x15e: {  	s7 =	simm.s32 $0xA580  }
0x15f: {  	[tilespmem:s31], [sflag:$0x2] =	stream.indirect.gather [spmem:s2], $0x20, s7, s23, $0xb8;
	[tilespmem:$0x1C000] =	vst v63  }
0x160: {  	_ =	swait.ge [sflag:s13], $0x1000  }
0x161: {  	[sflag:s13] =	ssyncset.done $0x0  }
0x162: {  	[sflag:s13] =	ssyncadd.s32 $0xFFFFF000  }
0x163: {  	_ =	swait.ge [sflag:s13], $0x1000  }
0x164: {  	[sflag:s13] =	ssyncset.done $0x0  }
0x165: {  	[sflag:s13] =	ssyncadd.s32 $0xFFFFF000  }
0x166: {  	_ =	swait.ge [sflag:s13], $0x1000  }
0x167: {  	[sflag:s13] =	ssyncset.done $0x0  }
0x168: {  	[sflag:s13] =	ssyncadd.s32 $0xFFFFF000  }
0x169: {  	_ =	swait.ge [sflag:s13], $0x1000  }
0x16a: {  	[sflag:s13] =	ssyncset.done $0x0  }
0x16b: {  	s11 =	simm.s32 $0xF200;
	[sflag:s13] =	ssyncadd.s32 $0xFFFFF000  }
0x16c: {  	[spmem:s3] =	stream.indirect.scatter.add.f32 [tilespmem:s1], [sflag:$0x5], $0x20, s11, s23, $0xb8;
	[tilespmem:$0x1C000] =	vst v63  }
0x16d: {  	s15 =	simm.s32 $0xF280  }
0x16e: {  	[spmem:s3] =	stream.indirect.scatter.add.f32 [tilespmem:s10], [sflag:$0x5], $0x20, s15, s23, $0xb8;
	[tilespmem:$0x1C000] =	vst v63  }
0x16f: {  	s28 =	simm.s32 $0xF300  }
0x170: {  	[spmem:s3] =	stream.indirect.scatter.add.f32 [tilespmem:s12], [sflag:$0x5], $0x20, s28, s23, $0xb8;
	[tilespmem:$0x1C000] =	vst v63  }
0x171: {  	s4 =	simm.s32 $0xF380  }
0x172: {  	[spmem:s3] =	stream.indirect.scatter.add.f32 [tilespmem:s25], [sflag:$0x5], $0x20, s4, s23, $0xb8;
	[tilespmem:$0x1C000] =	vst v63  }
0x173: {  	_ =	swait.ge [sflag:s9], $0x1000  }
0x174: {  	[sflag:s9] =	ssyncset.done $0x0  }
0x175: {  	[sflag:s9] =	ssyncadd.s32 $0xFFFFF000  }
0x176: {  	_ =	swait.ge [sflag:s9], $0x1000  }
0x177: {  	[sflag:s9] =	ssyncset.done $0x0  }
0x178: {  	[sflag:s9] =	ssyncadd.s32 $0xFFFFF000  }
0x179: {  	_ =	swait.ge [sflag:s9], $0x1000  }
0x17a: {  	[sflag:s9] =	ssyncset.done $0x0  }
0x17b: {  	[sflag:s9] =	ssyncadd.s32 $0xFFFFF000  }
0x17c: {  	_ =	swait.ge [sflag:s9], $0x1000  }
0x17d: {  	[sflag:s9] =	ssyncset.done $0x0  }
0x17e: {  	s5 =	simm.s32 $0xA600;
	[sflag:s9] =	ssyncadd.s32 $0xFFFFF000  }
0x17f: {  	[tilespmem:s1], [sflag:$0x3] =	stream.indirect.gather [spmem:s2], $0x20, s5, s23, $0xb8;
	[tilespmem:$0x1C000] =	vst v63  }
0x180: {  	s7 =	simm.s32 $0xA680  }
0x181: {  	[tilespmem:s10], [sflag:$0x3] =	stream.indirect.gather [spmem:s2], $0x20, s7, s23, $0xb8;
	[tilespmem:$0x1C000] =	vst v63  }
0x182: {  	s11 =	simm.s32 $0xA700  }
0x183: {  	[tilespmem:s12], [sflag:$0x3] =	stream.indirect.gather [spmem:s2], $0x20, s11, s23, $0xb8;
	[tilespmem:$0x1C000] =	vst v63  }
0x184: {  	s15 =	simm.s32 $0xA780  }
0x185: {  	[tilespmem:s25], [sflag:$0x3] =	stream.indirect.gather [spmem:s2], $0x20, s15, s23, $0xb8;
	[tilespmem:$0x1C000] =	vst v63  }
0x186: {  	_ =	swait.ge [sflag:s14], $0x1000  }
0x187: {  	[sflag:s14] =	ssyncset.done $0x0  }
0x188: {  	[sflag:s14] =	ssyncadd.s32 $0xFFFFF000  }
0x189: {  	_ =	swait.ge [sflag:s14], $0x1000  }
0x18a: {  	[sflag:s14] =	ssyncset.done $0x0  }
0x18b: {  	[sflag:s14] =	ssyncadd.s32 $0xFFFFF000  }
0x18c: {  	_ =	swait.ge [sflag:s14], $0x1000  }
0x18d: {  	[sflag:s14] =	ssyncset.done $0x0  }
0x18e: {  	[sflag:s14] =	ssyncadd.s32 $0xFFFFF000  }
0x18f: {  	_ =	swait.ge [sflag:s14], $0x1000  }
0x190: {  	[sflag:s14] =	ssyncset.done $0x0  }
0x191: {  	s28 =	simm.s32 $0xF400;
	[sflag:s14] =	ssyncadd.s32 $0xFFFFF000  }
0x192: {  	[spmem:s3] =	stream.indirect.scatter.add.f32 [tilespmem:s24], [sflag:$0x4], $0x20, s28, s23, $0xb8;
	[tilespmem:$0x1C000] =	vst v63  }
0x193: {  	s4 =	simm.s32 $0xF480  }
0x194: {  	[spmem:s3] =	stream.indirect.scatter.add.f32 [tilespmem:s26], [sflag:$0x4], $0x20, s4, s23, $0xb8;
	[tilespmem:$0x1C000] =	vst v63  }
0x195: {  	s5 =	simm.s32 $0xF500  }
0x196: {  	[spmem:s3] =	stream.indirect.scatter.add.f32 [tilespmem:s29], [sflag:$0x4], $0x20, s5, s23, $0xb8;
	[tilespmem:$0x1C000] =	vst v63  }
0x197: {  	s7 =	simm.s32 $0xF580  }
0x198: {  	[spmem:s3] =	stream.indirect.scatter.add.f32 [tilespmem:s31], [sflag:$0x4], $0x20, s7, s23, $0xb8;
	[tilespmem:$0x1C000] =	vst v63  }
0x199: {  	_ =	swait.ge [sflag:s18], $0x1000  }
0x19a: {  	[sflag:s18] =	ssyncset.done $0x0  }
0x19b: {  	[sflag:s18] =	ssyncadd.s32 $0xFFFFF000  }
0x19c: {  	_ =	swait.ge [sflag:s18], $0x1000  }
0x19d: {  	[sflag:s18] =	ssyncset.done $0x0  }
0x19e: {  	[sflag:s18] =	ssyncadd.s32 $0xFFFFF000  }
0x19f: {  	_ =	swait.ge [sflag:s18], $0x1000  }
0x1a0: {  	[sflag:s18] =	ssyncset.done $0x0  }
0x1a1: {  	[sflag:s18] =	ssyncadd.s32 $0xFFFFF000  }
0x1a2: {  	p0 =	por $0x0, $0x0;
	_ =	swait.ge [sflag:s18], $0x1000  }
0x1a3: {  	s0 =	simm.s32 @!p0 $0x14000;
	[sflag:s18] =	ssyncset.done $0x0  }
0x1a4: {  	s4 =	simm.s32 @!p0 $0xA800;
	s5 =	simm.s32 @!p0 $0x80;
	[sflag:s18] =	ssyncadd.s32 $0xFFFFF000  }
0x1a5: {  	[tilespmem:s0], [sflag:$0x2] =	stream.indirect.gather @!p0 [spmem:s2], $0x20, s4, s5, $0xb8;
	[tilespmem:$0x1C000] =	vst v63  }
0x1a6: {  	s0 =	simm.s32 @!p0 $0xA880;
	s4 =	simm.s32 @!p0 $0x15000  }
0x1a7: {  	[tilespmem:s4], [sflag:$0x2] =	stream.indirect.gather @!p0 [spmem:s2], $0x20, s0, s5, $0xb8;
	[tilespmem:$0x1C000] =	vst v63  }
0x1a8: {  	s0 =	simm.s32 @!p0 $0xA900;
	s4 =	simm.s32 @!p0 $0x16000  }
0x1a9: {  	[tilespmem:s4], [sflag:$0x2] =	stream.indirect.gather @!p0 [spmem:s2], $0x20, s0, s5, $0xb8;
	[tilespmem:$0x1C000] =	vst v63  }
0x1aa: {  	s0 =	simm.s32 @!p0 $0xA980;
	s4 =	simm.s32 @!p0 $0x17000  }
0x1ab: {  	[tilespmem:s4], [sflag:$0x2] =	stream.indirect.gather @!p0 [spmem:s2], $0x20, s0, s5, $0xb8;
	[tilespmem:$0x1C000] =	vst v63  }
0x1ac: {  	_ =	swait.ge [sflag:s13], $0x1000  }
0x1ad: {  	[sflag:s13] =	ssyncset.done $0x0  }
0x1ae: {  	[sflag:s13] =	ssyncadd.s32 $0xFFFFF000  }
0x1af: {  	_ =	swait.ge [sflag:s13], $0x1000  }
0x1b0: {  	[sflag:s13] =	ssyncset.done $0x0  }
0x1b1: {  	[sflag:s13] =	ssyncadd.s32 $0xFFFFF000  }
0x1b2: {  	_ =	swait.ge [sflag:s13], $0x1000  }
0x1b3: {  	[sflag:s13] =	ssyncset.done $0x0  }
0x1b4: {  	[sflag:s13] =	ssyncadd.s32 $0xFFFFF000  }
0x1b5: {  	_ =	swait.ge [sflag:s13], $0x1000  }
0x1b6: {  	[sflag:s13] =	ssyncset.done $0x0  }
0x1b7: {  	s11 =	simm.s32 $0xF600;
	[sflag:s13] =	ssyncadd.s32 $0xFFFFF000  }
0x1b8: {  	[spmem:s3] =	stream.indirect.scatter.add.f32 [tilespmem:s1], [sflag:$0x5], $0x20, s11, s23, $0xb8;
	[tilespmem:$0x1C000] =	vst v63  }
0x1b9: {  	s15 =	simm.s32 $0xF680  }
0x1ba: {  	[spmem:s3] =	stream.indirect.scatter.add.f32 [tilespmem:s10], [sflag:$0x5], $0x20, s15, s23, $0xb8;
	[tilespmem:$0x1C000] =	vst v63  }
0x1bb: {  	s28 =	simm.s32 $0xF700;
	s0 =	simm.s32 $0x1000;
	s4 =	simm.s32 $0xF780  }
0x1bc: {  	[spmem:s3] =	stream.indirect.scatter.add.f32 [tilespmem:s12], [sflag:$0x5], $0x20, s28, s23, $0xb8;
	[tilespmem:$0x1C000] =	vst v63  }
.LBB2_4:
0x1bd: {  	[spmem:s3] =	stream.indirect.scatter.add.f32 [tilespmem:s25], [sflag:$0x5], $0x20, s4, s23, $0xb8;
	[tilespmem:$0x1C000] =	vst v63  }
0x1be: {  	s11 =	smov.u32 s0;
	s0 =	sadd.s32 $0x1000, s0;
	_ =	swait.ge [sflag:s9], $0x1000  }
0x1bf: {  	p0 =	sne.s32 s0, $0x13000;
	[sflag:s9] =	ssyncset.done $0x0  }
0x1c0: {  	[sflag:s9] =	ssyncadd.s32 $0xFFFFF000  }
0x1c1: {  	_ =	swait.ge [sflag:s9], $0x1000  }
0x1c2: {  	[sflag:s9] =	ssyncset.done $0x0  }
0x1c3: {  	[sflag:s9] =	ssyncadd.s32 $0xFFFFF000  }
0x1c4: {  	_ =	swait.ge [sflag:s9], $0x1000  }
0x1c5: {  	[sflag:s9] =	ssyncset.done $0x0  }
0x1c6: {  	[sflag:s9] =	ssyncadd.s32 $0xFFFFF000  }
0x1c7: {  	_ =	swait.ge [sflag:s9], $0x1000  }
0x1c8: {  	s4 =	sshra.s32 s11, $0x2;
	[sflag:s9] =	ssyncset.done $0x0  }
0x1c9: {  	s5 =	sadd.s32 $0xA600, s4;
	[sflag:s9] =	ssyncadd.s32 $0xFFFFF000  }
0x1ca: {  	[tilespmem:s1], [sflag:$0x3] =	stream.indirect.gather [spmem:s2], $0x20, s5, s23, $0xb8;
	[tilespmem:$0x1C000] =	vst v63  }
0x1cb: {  	s5 =	sadd.s32 $0xA680, s4  }
0x1cc: {  	[tilespmem:s10], [sflag:$0x3] =	stream.indirect.gather [spmem:s2], $0x20, s5, s23, $0xb8;
	[tilespmem:$0x1C000] =	vst v63  }
0x1cd: {  	s5 =	sadd.s32 $0xA700, s4  }
0x1ce: {  	[tilespmem:s12], [sflag:$0x3] =	stream.indirect.gather [spmem:s2], $0x20, s5, s23, $0xb8;
	[tilespmem:$0x1C000] =	vst v63  }
0x1cf: {  	s5 =	sadd.s32 $0xA780, s4  }
0x1d0: {  	[tilespmem:s25], [sflag:$0x3] =	stream.indirect.gather [spmem:s2], $0x20, s5, s23, $0xb8;
	[tilespmem:$0x1C000] =	vst v63  }
0x1d1: {  	_ =	swait.ge [sflag:s14], $0x1000  }
0x1d2: {  	[sflag:s14] =	ssyncset.done $0x0  }
0x1d3: {  	[sflag:s14] =	ssyncadd.s32 $0xFFFFF000  }
0x1d4: {  	_ =	swait.ge [sflag:s14], $0x1000  }
0x1d5: {  	[sflag:s14] =	ssyncset.done $0x0  }
0x1d6: {  	[sflag:s14] =	ssyncadd.s32 $0xFFFFF000  }
0x1d7: {  	_ =	swait.ge [sflag:s14], $0x1000  }
0x1d8: {  	[sflag:s14] =	ssyncset.done $0x0  }
0x1d9: {  	[sflag:s14] =	ssyncadd.s32 $0xFFFFF000  }
0x1da: {  	_ =	swait.ge [sflag:s14], $0x1000  }
0x1db: {  	[sflag:s14] =	ssyncset.done $0x0  }
0x1dc: {  	s5 =	sadd.s32 $0xF400, s4;
	[sflag:s14] =	ssyncadd.s32 $0xFFFFF000  }
0x1dd: {  	[spmem:s3] =	stream.indirect.scatter.add.f32 [tilespmem:s24], [sflag:$0x4], $0x20, s5, s23, $0xb8;
	[tilespmem:$0x1C000] =	vst v63  }
0x1de: {  	s5 =	sadd.s32 $0xF480, s4  }
0x1df: {  	[spmem:s3] =	stream.indirect.scatter.add.f32 [tilespmem:s26], [sflag:$0x4], $0x20, s5, s23, $0xb8;
	[tilespmem:$0x1C000] =	vst v63  }
0x1e0: {  	s5 =	sadd.s32 $0xF500, s4  }
0x1e1: {  	[spmem:s3] =	stream.indirect.scatter.add.f32 [tilespmem:s29], [sflag:$0x4], $0x20, s5, s23, $0xb8;
	[tilespmem:$0x1C000] =	vst v63  }
0x1e2: {  	s5 =	sadd.s32 $0xF580, s4  }
0x1e3: {  	[spmem:s3] =	stream.indirect.scatter.add.f32 [tilespmem:s31], [sflag:$0x4], $0x20, s5, s23, $0xb8;
	[tilespmem:$0x1C000] =	vst v63  }
0x1e4: {  	_ =	swait.ge [sflag:s18], $0x1000  }
0x1e5: {  	[sflag:s18] =	ssyncset.done $0x0  }
0x1e6: {  	[sflag:s18] =	ssyncadd.s32 $0xFFFFF000  }
0x1e7: {  	_ =	swait.ge [sflag:s18], $0x1000  }
0x1e8: {  	[sflag:s18] =	ssyncset.done $0x0  }
0x1e9: {  	[sflag:s18] =	ssyncadd.s32 $0xFFFFF000  }
0x1ea: {  	_ =	swait.ge [sflag:s18], $0x1000  }
0x1eb: {  	[sflag:s18] =	ssyncset.done $0x0  }
0x1ec: {  	[sflag:s18] =	ssyncadd.s32 $0xFFFFF000  }
0x1ed: {  	p1 =	seq.s32 s11, $0x12000;
	_ =	swait.ge [sflag:s18], $0x1000  }
0x1ee: {  	s7 =	simm.s32 @!p1 $0x14000;
	s5 =	sshra.s32 @!p1 s11, $0x2;
	[sflag:s18] =	ssyncset.done $0x0  }
0x1ef: {  	s15 =	simm.s32 @!p1 $0x80;
	s11 =	sadd.s32 @!p1 $0xA800, s5;
	[sflag:s18] =	ssyncadd.s32 $0xFFFFF000  }
0x1f0: {  	[tilespmem:s7], [sflag:$0x2] =	stream.indirect.gather @!p1 [spmem:s2], $0x20, s11, s15, $0xb8;
	[tilespmem:$0x1C000] =	vst v63  }
0x1f1: {  	s28 =	sadd.s32 @!p1 $0xA900, s5;
	s7 =	sadd.s32 @!p1 $0xA880, s5;
	s11 =	simm.s32 @!p1 $0x15000  }
0x1f2: {  	[tilespmem:s11], [sflag:$0x2] =	stream.indirect.gather @!p1 [spmem:s2], $0x20, s7, s15, $0xb8;
	[tilespmem:$0x1C000] =	vst v63  }
0x1f3: {  	s5 =	sadd.s32 @!p1 $0xA980, s5;
	s7 =	simm.s32 @!p1 $0x16000  }
0x1f4: {  	[tilespmem:s7], [sflag:$0x2] =	stream.indirect.gather @!p1 [spmem:s2], $0x20, s28, s15, $0xb8;
	[tilespmem:$0x1C000] =	vst v63  }
0x1f5: {  	s7 =	simm.s32 @!p1 $0x17000  }
0x1f6: {  	[tilespmem:s7], [sflag:$0x2] =	stream.indirect.gather @!p1 [spmem:s2], $0x20, s5, s15, $0xb8;
	[tilespmem:$0x1C000] =	vst v63  }
0x1f7: {  	_ =	swait.ge [sflag:s13], $0x1000  }
0x1f8: {  	[sflag:s13] =	ssyncset.done $0x0  }
0x1f9: {  	[sflag:s13] =	ssyncadd.s32 $0xFFFFF000  }
0x1fa: {  	_ =	swait.ge [sflag:s13], $0x1000  }
0x1fb: {  	[sflag:s13] =	ssyncset.done $0x0  }
0x1fc: {  	[sflag:s13] =	ssyncadd.s32 $0xFFFFF000  }
0x1fd: {  	_ =	swait.ge [sflag:s13], $0x1000  }
0x1fe: {  	[sflag:s13] =	ssyncset.done $0x0  }
0x1ff: {  	[sflag:s13] =	ssyncadd.s32 $0xFFFFF000  }
0x200: {  	_ =	swait.ge [sflag:s13], $0x1000  }
0x201: {  	[sflag:s13] =	ssyncset.done $0x0  }
0x202: {  	s5 =	sadd.s32 $0xF600, s4;
	[sflag:s13] =	ssyncadd.s32 $0xFFFFF000  }
0x203: {  	[spmem:s3] =	stream.indirect.scatter.add.f32 [tilespmem:s1], [sflag:$0x5], $0x20, s5, s23, $0xb8;
	[tilespmem:$0x1C000] =	vst v63  }
.Ltmp1:
0x204: {  	s5 =	sadd.s32 $0xF680, s4;
	(pc) =	sbr.rel @p0 .LBB2_4-.Ltmp1, $4  }
0x205: {  	[spmem:s3] =	stream.indirect.scatter.add.f32 [tilespmem:s10], [sflag:$0x5], $0x20, s5, s23, $0xb8;
	[tilespmem:$0x1C000] =	vst v63  }
0x206: {  	s5 =	sadd.s32 $0xF700, s4  }
0x207: {  	[spmem:s3] =	stream.indirect.scatter.add.f32 [tilespmem:s12], [sflag:$0x5], $0x20, s5, s23, $0xb8;
	[tilespmem:$0x1C000] =	vst v63  }
0x208: {  	s4 =	sadd.s32 $0xF780, s4  }
0x209: {  	[spmem:s3] =	stream.indirect.scatter.add.f32 [tilespmem:s25], [sflag:$0x5], $0x20, s4, s23, $0xb8;
	[tilespmem:$0x1C000] =	vst v63  }
0x20a: {  	_ =	swait.ge [sflag:s9], $0x1000  }
0x20b: {  	[sflag:s9] =	ssyncset.done $0x0  }
0x20c: {  	[sflag:s9] =	ssyncadd.s32 $0xFFFFF000  }
0x20d: {  	_ =	swait.ge [sflag:s9], $0x1000  }
0x20e: {  	[sflag:s9] =	ssyncset.done $0x0  }
0x20f: {  	[sflag:s9] =	ssyncadd.s32 $0xFFFFF000  }
0x210: {  	_ =	swait.ge [sflag:s9], $0x1000  }
0x211: {  	[sflag:s9] =	ssyncset.done $0x0  }
0x212: {  	[sflag:s9] =	ssyncadd.s32 $0xFFFFF000  }
0x213: {  	_ =	swait.ge [sflag:s9], $0x1000  }
0x214: {  	[sflag:s9] =	ssyncset.done $0x0  }
0x215: {  	[sflag:s9] =	ssyncadd.s32 $0xFFFFF000  }
0x216: {  	[bflag:$0x0] =	sbarrier.arrive $0xFFFF  }
0x217: {  	s0 =	rddreg [dreg:$0x5]  }
0x218: {  	s15 =	rddreg [dreg:$0xb];
	s0 =	sor.u32 $0x1C06, s0  }
0x219: {  	[hbm:s15@s19], [sflag:s0] =	dma.strided [spmem:s20@s18], $0xA00, s17, $0x4   }
0x21a: {  	_ =	swait.ge [sflag:s16], $0xA00  }
0x21b: {  	s30 =	sadd.s32 $0x1, s30;
	s28 =	rddreg [dreg:$0xc]  }
0x21c: {  	p0 =	sne.s32 s30, s28  }
.Ltmp2:
0x21d: {  	_ = 	snop;
	(pc) =	sbr.rel @p0 .LBB2_1-.Ltmp2, $3  }
0x21e: {  	_ =	sdelay $0x1  }
0x21f: {  	[sflag:s16] =	ssyncset.done $0x0  }
0x220: {  	[sflag:s16] =	ssyncadd.s32 $0xFFFFF600  }
0x221: {  	_ =	sfence.sel $0x180000  }
0x222: {  	[bflag:$0x0] =	sbarrier.arrive $0xFFFF  }
0x223: {  	_ =	strace $0x90000047  }
0x224: {  	s0 =	stileid.u32;
	[bflag:$0x2] =	sbarrier.arrive $0xFFFF  }
0x225: {  	p0 =	sne.s32 s0, $0x0;
	s0 =	rddreg [dreg:$0x3]  }
0x226: {  	s0 =	sadd.s32 @!p0 $0x100000, s0  }
0x227: {  	[sflag:s0] =	ssyncadd.tile.s32 @!p0 $0x1;
	_ =	shalt  }
.Lfunc_end2:
_tile_overlayer_lowered:
.L_overlay_start_2:
0x228: {  	(tag) =	ssettag $0x2  }
0x229: {  	s0 =	rddreg [dreg:$0x0];
	s2 =	stileid.u32  }
0x22a: {  	s1 =	rddreg [dreg:$0x1];
	p0 =	sne.s32 s2, $0x0  }
0x22b: {  	s3 =	rddreg [dreg:$0x2];
	[bflag:$0x3] =	sbarrier.arrive $0xFFFF;
	s2 =	simm.s32 @!p0 $0x1C06  }
0x22c: {  	[timem:s3], [sflag:s2] =	dma.local @!p0 [hbm:s0], s1  }
0x22d: {  	s0 =	simm.s32 @!p0 $0x6  }
0x22e: {  	_ =	swait.ge @!p0 [sflag:s0], s1  }
0x22f: {  	s1 =	ssub.s32 @!p0 $0x0, s1;
	[sflag:s0] =	ssyncset.done @!p0 $0x0  }
0x230: {  	[sflag:s0] =	ssyncadd.s32 @!p0 s1  }
0x231: {  	[bflag:$0x3] =	sbarrier.arrive $0xFFFF  }
0x232: {  	_ =	shalt  }

</sc_bundles>
